<compile_context>
chip_gen: v7x
topology: tpu7x:2x2x1
jax: 0.10.2.dev20260603
libtpu: 0.0.44.dev20260713+nightly
codegen_flags: <defaults>
</compile_context>

<pallas_src>
import functools

import jax
import jax.numpy as jnp
from jax import lax
from jax.experimental import pallas as pl
from jax.experimental.pallas import tpu as pltpu
from jax.experimental.pallas import tpu_sc as plsc

NUM_CORES = 2
NUM_SUBCORES = 16
NW = NUM_CORES * NUM_SUBCORES
CH = 128


def _sc_tokenizer(B, NN, NCAT, D, n_cat_ch):
    NTOK = NN + NCAT
    bpw = B // NW
    mesh = plsc.VectorSubcoreMesh(
        core_axis_name="c", subcore_axis_name="s",
        num_cores=NUM_CORES, num_subcores=NUM_SUBCORES)

    @functools.partial(
        pl.kernel,
        out_type=jax.ShapeDtypeStruct((NTOK * B, D), jnp.float32),
        mesh=mesh,
        scratch_types=[
            pltpu.VMEM((n_cat_ch, CH), jnp.int32),
            pltpu.VMEM((NN * bpw // CH, CH), jnp.float32),
            pltpu.VMEM((NN, D), jnp.float32),
            pltpu.VMEM((NN, D), jnp.float32),
            pltpu.VMEM((2, 2, CH, D), jnp.float32),
            pltpu.VMEM((2, CH, D), jnp.float32),
            pltpu.SemaphoreType.DMA,
            pltpu.SemaphoreType.DMA,
            pltpu.SemaphoreType.DMA,
        ],
    )
    def kern(tab_hbm, gidx_hbm, xt_hbm, w_hbm, b_hbm, out_hbm,
             gidx_v, xt_v, w_v, bv_v, rows_v, nrows_v,
             gsem, ssem, nsem):
        wid = lax.axis_index("s") * NUM_CORES + lax.axis_index("c")
        pltpu.sync_copy(gidx_hbm.at[wid], gidx_v)
        for t in range(2):
            pltpu.async_copy(tab_hbm.at[gidx_v.at[t]], rows_v.at[0, t], gsem)
        pltpu.sync_copy(xt_hbm.at[wid], xt_v)
        pltpu.sync_copy(w_hbm, w_v)
        pltpu.sync_copy(b_hbm, bv_v)

        GRP = 2
        n_grp = n_cat_ch // GRP
        bpc = bpw // CH
        nb = NN * bpc

        def wait_gather():
            pltpu.make_async_copy(
                tab_hbm.at[gidx_v.at[0]], rows_v.at[0, 0], gsem).wait()

        def wait_scatter():
            pltpu.make_async_copy(
                rows_v.at[0, 0], out_hbm.at[pl.ds(0, CH)], ssem).wait()

        def wait_num():
            pltpu.make_async_copy(
                nrows_v.at[0], out_hbm.at[pl.ds(0, CH)], nsem).wait()

        def num_block(j):
            slot = lax.rem(j, 2)

            @pl.when(j >= 2)
            def _():
                wait_num()

            f = lax.div(j, bpc)
            bi = lax.rem(j, bpc)
            wv = [w_v[f, pl.ds(k * 16, 16)] for k in range(D // 16)]
            bv = [bv_v[f, pl.ds(k * 16, 16)] for k in range(D // 16)]

            def num_row(r0, c2):
                x_v = xt_v[j, pl.ds(r0 * 16, 16)]
                for i in range(16):
                    x = x_v[i]
                    for k in range(D // 16):
                        nrows_v[slot, r0 * 16 + i,
                                pl.ds(k * 16, 16)] = x * wv[k] + bv[k]
                return c2
            lax.fori_loop(0, CH // 16, num_row, 0)
            dst = f * B + wid * bpw + bi * CH
            pltpu.async_copy(nrows_v.at[slot],
                             out_hbm.at[pl.ds(dst, CH)], nsem)

        def cat_step(g, carry):
            bank = lax.rem(g, 2)
            for t in range(GRP):
                wait_gather()
            for t in range(GRP):
                c = g * GRP + t
                cdst = ((NN + lax.div(c, bpc)) * B + wid * bpw
                        + lax.rem(c, bpc) * CH)
                pltpu.async_copy(rows_v.at[bank, t],
                                 out_hbm.at[pl.ds(cdst, CH)], ssem)

            @pl.when(g >= 1)
            def _():
                for t in range(GRP):
                    wait_scatter()

            @pl.when(g + 1 < n_grp)
            def _():
                for t in range(GRP):
                    pltpu.async_copy(tab_hbm.at[gidx_v.at[(g + 1) * GRP + t]],
                                     rows_v.at[1 - bank, t], gsem)

            @pl.when(g < nb)
            def _():
                num_block(g)
            return carry
        lax.fori_loop(0, n_grp, cat_step, 0)
        for t in range(GRP):
            wait_scatter()

        def tail_step(j, carry):
            num_block(j)
            return carry
        lax.fori_loop(n_grp, nb, tail_step, 0)
        for _ in range(min(2, nb)):
            wait_num()

    return kern


def kernel(x_num, x_cat, W_num, b_num, tables):
    B, NN = x_num.shape
    _, NCAT = x_cat.shape
    _, CARD, D = tables.shape
    NTOK = NN + NCAT
    bpw = B // NW
    n_cat_ch = bpw * NCAT // CH

    tab_flat = tables.reshape(NCAT * CARD, D)
    foff = (jnp.arange(NCAT, dtype=jnp.int32) * CARD)[None, :]
    g_idx = (x_cat + foff).reshape(NW, bpw, NCAT).transpose(0, 2, 1).reshape(
        NW, n_cat_ch, CH)
    x_t = x_num.reshape(NW, bpw, NN).transpose(0, 2, 1).reshape(
        NW, NN * bpw // CH, CH)

    kern = _sc_tokenizer(B, NN, NCAT, D, n_cat_ch)
    out = kern(tab_flat, g_idx, x_t, W_num, b_num)
    return jnp.transpose(out.reshape(NTOK, B, D), (1, 0, 2))

# --- scband reference (transcript-rebuilt; emitter-appended) ---
"""Pipeline reference for scband-feature-tokenizer-45569603010598 (READ-ONLY COPY).

The authoritative reference and input builder live on the scoring server;
editing this copy changes nothing except your own understanding.
"""

import jax, jax.numpy as jnp
import numpy as np

B = 16384
N_NUM = 13
N_CAT = 26
CARD = 100000
D = 128


def setup_inputs(seed: int = 0) -> dict:
    key = jax.random.key(seed)
    k1, k2, k3, k4, k5 = jax.random.split(key, 5)
    x_num = jax.random.normal(k1, (B, N_NUM), dtype=jnp.float32)
    x_cat = jax.random.randint(k2, (B, N_CAT), 0, CARD, dtype=jnp.int32)
    # Learned parameters
    # num_proj: 13 independent Linear(1, 128) layers -> weight [N_NUM, D], bias [N_NUM, D]
    W_num = jax.random.normal(k3, (N_NUM, D), dtype=jnp.float32) * 0.02
    b_num = jax.random.normal(k4, (N_NUM, D), dtype=jnp.float32) * 0.02
    # cat_embed: 26 embedding tables of [CARD, D] stacked -> [N_CAT, CARD, D]
    tables = jax.random.normal(k5, (N_CAT, CARD, D), dtype=jnp.float32) * 0.02
    return {"x_num": x_num, "x_cat": x_cat, "W_num": W_num, "b_num": b_num, "tables": tables}


def reference(x_num, x_cat, W_num, b_num, tables):
    # Numerical tokens: for each feature i, Linear(1, D) applied to x_num[:, i:i+1]
    # token_i = x_num[:, i, None] * W_num[i] + b_num[i]
    num_tok = x_num[:, :, None] * W_num[None, :, :] + b_num[None, :, :]  # [B, N_NUM, D]
    # Categorical tokens: per-field embedding lookup (gather)
    field_ids = jnp.arange(tables.shape[0])[None, :]  # [1, N_CAT]
    cat_tok = tables[field_ids, x_cat]  # [B, N_CAT, D]
    # torch.stack(tokens, dim=1) with num tokens first, then cat tokens
    return jnp.concatenate([num_tok, cat_tok], axis=1)  # [B, N_NUM + N_CAT, D]

if __name__ == "__main__":
    import jax
    _d = setup_inputs()
    print(jax.jit(kernel)(*tuple(_d.values())))

</pallas_src>

<mosaic_0001>
#map = affine_map<(d0, d1) -> (0, 0)>
#map1 = affine_map<(d0, d1) -> (0, 0, 0)>
module attributes {stable_mosaic.version = 14 : i64} {
  func.func @kern(%arg0: i32, %arg1: i32, %arg2: memref<2600000x128xf32, #tpu.memory_space<hbm>>, %arg3: memref<32x104x128xi32, #tpu.memory_space<hbm>>, %arg4: memref<32x52x128xf32, #tpu.memory_space<hbm>>, %arg5: memref<13x128xf32, #tpu.memory_space<hbm>>, %arg6: memref<13x128xf32, #tpu.memory_space<hbm>>, %arg7: memref<638976x128xf32, #tpu.memory_space<hbm>>, %arg8: memref<104x128xi32, #tpu.memory_space<vmem>>, %arg9: memref<52x128xf32, #tpu.memory_space<vmem>>, %arg10: memref<13x128xf32, #tpu.memory_space<vmem>>, %arg11: memref<13x128xf32, #tpu.memory_space<vmem>>, %arg12: memref<2x2x128x128xf32, #tpu.memory_space<vmem>>, %arg13: memref<2x128x128xf32, #tpu.memory_space<vmem>>, %arg14: memref<!tpu.dma_semaphore, #tpu.memory_space<semaphore_mem>>, %arg15: memref<!tpu.dma_semaphore, #tpu.memory_space<semaphore_mem>>, %arg16: memref<!tpu.dma_semaphore, #tpu.memory_space<semaphore_mem>>) attributes {dimension_semantics = [#tpu.dimension_semantics<core_parallel>, #tpu.dimension_semantics<subcore_parallel>], iteration_bounds = array<i64: 2, 16>, scalar_prefetch = 0 : i64, scratch_operands = 9 : i64, tpu.core_type = #tpu.core_type<sc_vector_subcore>, window_params = [{transform_indices = #map}, {transform_indices = #map1}, {transform_indices = #map1}, {transform_indices = #map}, {transform_indices = #map}, {transform_indices = #map}]} {
    %mul3A = arith.constant 2 : i32
    %mul3A_0 = arith.muli %arg1, %mul3A : i32
    %add3A = arith.addi %mul3A_0, %arg0 : i32
    "tpu.region"() ({
      %run_scoped3A = tpu.sem_alloc : memref<!tpu.dma_semaphore, #tpu.memory_space<semaphore_mem>>
      %dma_start3A_97 = arith.constant 0 : i32
      %dma_start3A_98 = arith.constant 0 : i32
      %dma_start3A_99 = tpu.memref_slice %arg3[%add3A, %dma_start3A_97, %dma_start3A_98] : memref<32x104x128xi32, #tpu.memory_space<hbm>> -> memref<1x104x128xi32, #tpu.memory_space<hbm>>
      %dma_start3A_100 = tpu.memref_squeeze %dma_start3A_99 : memref<1x104x128xi32, #tpu.memory_space<hbm>> -> memref<104x128xi32, #tpu.memory_space<hbm>>
      %dma_start3A_101 = arith.constant 0 : i32
      %dma_start3A_102 = arith.constant 0 : i32
      %dma_start3A_103 = tpu.memref_slice %arg3[%add3A, %dma_start3A_101, %dma_start3A_102] : memref<32x104x128xi32, #tpu.memory_space<hbm>> -> memref<1x104x128xi32, #tpu.memory_space<hbm>>
      %dma_start3A_104 = tpu.memref_squeeze %dma_start3A_103 : memref<1x104x128xi32, #tpu.memory_space<hbm>> -> memref<104x128xi32, #tpu.memory_space<hbm>>
      tpu.enqueue_dma source(%dma_start3A_104 : memref<104x128xi32, #tpu.memory_space<hbm>>) target(%arg8 : memref<104x128xi32, #tpu.memory_space<vmem>>) target_semaphore(%run_scoped3A : memref<!tpu.dma_semaphore, #tpu.memory_space<semaphore_mem>>)
      %dma_wait3A_105 = arith.constant 0 : i32
      %dma_wait3A_106 = arith.constant 0 : i32
      %dma_wait3A_107 = tpu.memref_slice %arg3[%add3A, %dma_wait3A_105, %dma_wait3A_106] : memref<32x104x128xi32, #tpu.memory_space<hbm>> -> memref<1x104x128xi32, #tpu.memory_space<hbm>>
      %dma_wait3A_108 = tpu.memref_squeeze %dma_wait3A_107 : memref<1x104x128xi32, #tpu.memory_space<hbm>> -> memref<104x128xi32, #tpu.memory_space<hbm>>
      %dma_wait3A_109 = arith.constant 0 : i32
      %dma_wait3A_110 = arith.constant 0 : i32
      %dma_wait3A_111 = tpu.memref_slice %arg3[%add3A, %dma_wait3A_109, %dma_wait3A_110] : memref<32x104x128xi32, #tpu.memory_space<hbm>> -> memref<1x104x128xi32, #tpu.memory_space<hbm>>
      %dma_wait3A_112 = tpu.memref_squeeze %dma_wait3A_111 : memref<1x104x128xi32, #tpu.memory_space<hbm>> -> memref<104x128xi32, #tpu.memory_space<hbm>>
      tpu.wait_dma2 semaphore(%run_scoped3A : memref<!tpu.dma_semaphore, #tpu.memory_space<semaphore_mem>>) src(%dma_wait3A_112 : memref<104x128xi32, #tpu.memory_space<hbm>>) dst(%arg8 : memref<104x128xi32, #tpu.memory_space<vmem>>)
      tpu.yield
    }) : () -> ()
    %dma_start3A = arith.constant 0 : i32
    %dma_start3A_1 = arith.constant 0 : i32
    %dma_start3A_2 = arith.constant 0 : i32
    %dma_start3A_3 = arith.constant 0 : i32
    %dma_start3A_4 = arith.constant 0 : i32
    %dma_start3A_5 = tpu.memref_slice %arg12[%dma_start3A_1, %dma_start3A_2, %dma_start3A_3, %dma_start3A_4] : memref<2x2x128x128xf32, #tpu.memory_space<vmem>> -> memref<1x1x128x128xf32, #tpu.memory_space<vmem>>
    %dma_start3A_6 = tpu.memref_squeeze %dma_start3A_5 : memref<1x1x128x128xf32, #tpu.memory_space<vmem>> -> memref<128x128xf32, #tpu.memory_space<vmem>>
    %dma_start3A_7 = arith.constant 0 : i32
    %dma_start3A_8 = tpu.memref_slice %arg8[%dma_start3A, %dma_start3A_7] : memref<104x128xi32, #tpu.memory_space<vmem>> -> memref<1x128xi32, #tpu.memory_space<vmem>>
    %dma_start3A_9 = tpu.memref_squeeze %dma_start3A_8 : memref<1x128xi32, #tpu.memory_space<vmem>> -> memref<128xi32, #tpu.memory_space<vmem>>
    %dma_start3A_10 = arith.constant 0 : i32
    %dma_start3A_11 = arith.constant 0 : i32
    %dma_start3A_12 = tpu.memref_slice %arg2[%dma_start3A_10, %dma_start3A_11] : memref<2600000x128xf32, #tpu.memory_space<hbm>> -> memref<2600000x128xf32, #tpu.memory_space<hbm>>
    tpu.enqueue_indirect_dma source(%dma_start3A_12 : memref<2600000x128xf32, #tpu.memory_space<hbm>>) target(%dma_start3A_6 : memref<128x128xf32, #tpu.memory_space<vmem>>) offsets(%dma_start3A_9 : memref<128xi32, #tpu.memory_space<vmem>>) semaphore(%arg14 : memref<!tpu.dma_semaphore, #tpu.memory_space<semaphore_mem>>)
    %dma_start3A_13 = arith.constant 1 : i32
    %dma_start3A_14 = arith.constant 0 : i32
    %dma_start3A_15 = arith.constant 1 : i32
    %dma_start3A_16 = arith.constant 0 : i32
    %dma_start3A_17 = arith.constant 0 : i32
    %dma_start3A_18 = tpu.memref_slice %arg12[%dma_start3A_14, %dma_start3A_15, %dma_start3A_16, %dma_start3A_17] : memref<2x2x128x128xf32, #tpu.memory_space<vmem>> -> memref<1x1x128x128xf32, #tpu.memory_space<vmem>>
    %dma_start3A_19 = tpu.memref_squeeze %dma_start3A_18 : memref<1x1x128x128xf32, #tpu.memory_space<vmem>> -> memref<128x128xf32, #tpu.memory_space<vmem>>
    %dma_start3A_20 = arith.constant 0 : i32
    %dma_start3A_21 = tpu.memref_slice %arg8[%dma_start3A_13, %dma_start3A_20] : memref<104x128xi32, #tpu.memory_space<vmem>> -> memref<1x128xi32, #tpu.memory_space<vmem>>
    %dma_start3A_22 = tpu.memref_squeeze %dma_start3A_21 : memref<1x128xi32, #tpu.memory_space<vmem>> -> memref<128xi32, #tpu.memory_space<vmem>>
    %dma_start3A_23 = arith.constant 0 : i32
    %dma_start3A_24 = arith.constant 0 : i32
    %dma_start3A_25 = tpu.memref_slice %arg2[%dma_start3A_23, %dma_start3A_24] : memref<2600000x128xf32, #tpu.memory_space<hbm>> -> memref<2600000x128xf32, #tpu.memory_space<hbm>>
    tpu.enqueue_indirect_dma source(%dma_start3A_25 : memref<2600000x128xf32, #tpu.memory_space<hbm>>) target(%dma_start3A_19 : memref<128x128xf32, #tpu.memory_space<vmem>>) offsets(%dma_start3A_22 : memref<128xi32, #tpu.memory_space<vmem>>) semaphore(%arg14 : memref<!tpu.dma_semaphore, #tpu.memory_space<semaphore_mem>>)
    "tpu.region"() ({
      %run_scoped3A = tpu.sem_alloc : memref<!tpu.dma_semaphore, #tpu.memory_space<semaphore_mem>>
      %dma_start3A_97 = arith.constant 0 : i32
      %dma_start3A_98 = arith.constant 0 : i32
      %dma_start3A_99 = tpu.memref_slice %arg4[%add3A, %dma_start3A_97, %dma_start3A_98] : memref<32x52x128xf32, #tpu.memory_space<hbm>> -> memref<1x52x128xf32, #tpu.memory_space<hbm>>
      %dma_start3A_100 = tpu.memref_squeeze %dma_start3A_99 : memref<1x52x128xf32, #tpu.memory_space<hbm>> -> memref<52x128xf32, #tpu.memory_space<hbm>>
      %dma_start3A_101 = arith.constant 0 : i32
      %dma_start3A_102 = arith.constant 0 : i32
      %dma_start3A_103 = tpu.memref_slice %arg4[%add3A, %dma_start3A_101, %dma_start3A_102] : memref<32x52x128xf32, #tpu.memory_space<hbm>> -> memref<1x52x128xf32, #tpu.memory_space<hbm>>
      %dma_start3A_104 = tpu.memref_squeeze %dma_start3A_103 : memref<1x52x128xf32, #tpu.memory_space<hbm>> -> memref<52x128xf32, #tpu.memory_space<hbm>>
      tpu.enqueue_dma source(%dma_start3A_104 : memref<52x128xf32, #tpu.memory_space<hbm>>) target(%arg9 : memref<52x128xf32, #tpu.memory_space<vmem>>) target_semaphore(%run_scoped3A : memref<!tpu.dma_semaphore, #tpu.memory_space<semaphore_mem>>)
      %dma_wait3A_105 = arith.constant 0 : i32
      %dma_wait3A_106 = arith.constant 0 : i32
      %dma_wait3A_107 = tpu.memref_slice %arg4[%add3A, %dma_wait3A_105, %dma_wait3A_106] : memref<32x52x128xf32, #tpu.memory_space<hbm>> -> memref<1x52x128xf32, #tpu.memory_space<hbm>>
      %dma_wait3A_108 = tpu.memref_squeeze %dma_wait3A_107 : memref<1x52x128xf32, #tpu.memory_space<hbm>> -> memref<52x128xf32, #tpu.memory_space<hbm>>
      %dma_wait3A_109 = arith.constant 0 : i32
      %dma_wait3A_110 = arith.constant 0 : i32
      %dma_wait3A_111 = tpu.memref_slice %arg4[%add3A, %dma_wait3A_109, %dma_wait3A_110] : memref<32x52x128xf32, #tpu.memory_space<hbm>> -> memref<1x52x128xf32, #tpu.memory_space<hbm>>
      %dma_wait3A_112 = tpu.memref_squeeze %dma_wait3A_111 : memref<1x52x128xf32, #tpu.memory_space<hbm>> -> memref<52x128xf32, #tpu.memory_space<hbm>>
      tpu.wait_dma2 semaphore(%run_scoped3A : memref<!tpu.dma_semaphore, #tpu.memory_space<semaphore_mem>>) src(%dma_wait3A_112 : memref<52x128xf32, #tpu.memory_space<hbm>>) dst(%arg9 : memref<52x128xf32, #tpu.memory_space<vmem>>)
      tpu.yield
    }) : () -> ()
    "tpu.region"() ({
      %run_scoped3A = tpu.sem_alloc : memref<!tpu.dma_semaphore, #tpu.memory_space<semaphore_mem>>
      tpu.enqueue_dma source(%arg5 : memref<13x128xf32, #tpu.memory_space<hbm>>) target(%arg10 : memref<13x128xf32, #tpu.memory_space<vmem>>) target_semaphore(%run_scoped3A : memref<!tpu.dma_semaphore, #tpu.memory_space<semaphore_mem>>)
      tpu.wait_dma2 semaphore(%run_scoped3A : memref<!tpu.dma_semaphore, #tpu.memory_space<semaphore_mem>>) src(%arg5 : memref<13x128xf32, #tpu.memory_space<hbm>>) dst(%arg10 : memref<13x128xf32, #tpu.memory_space<vmem>>)
      tpu.yield
    }) : () -> ()
    "tpu.region"() ({
      %run_scoped3A = tpu.sem_alloc : memref<!tpu.dma_semaphore, #tpu.memory_space<semaphore_mem>>
      tpu.enqueue_dma source(%arg6 : memref<13x128xf32, #tpu.memory_space<hbm>>) target(%arg11 : memref<13x128xf32, #tpu.memory_space<vmem>>) target_semaphore(%run_scoped3A : memref<!tpu.dma_semaphore, #tpu.memory_space<semaphore_mem>>)
      tpu.wait_dma2 semaphore(%run_scoped3A : memref<!tpu.dma_semaphore, #tpu.memory_space<semaphore_mem>>) src(%arg6 : memref<13x128xf32, #tpu.memory_space<hbm>>) dst(%arg11 : memref<13x128xf32, #tpu.memory_space<vmem>>)
      tpu.yield
    }) : () -> ()
    %scan3A = arith.constant 0 : i32
    %scan3A_26 = arith.constant 0 : i32
    %scan3A_27 = arith.constant 52 : i32
    %scan3A_28 = arith.addi %scan3A_26, %scan3A_27 : i32
    %scan3A_29 = arith.constant 1 : i32
    scf.for %scan3A_97 = %scan3A_26 to %scan3A_28 step %scan3A_29  : i32 {
      %rem3A = arith.constant 2 : i32
      %rem3A_98 = arith.remsi %scan3A_97, %rem3A : i32
      %dma_wait3A_99 = arith.constant 0 : i32
      %dma_wait3A_100 = arith.constant 0 : i32
      %dma_wait3A_101 = arith.constant 0 : i32
      %dma_wait3A_102 = arith.constant 0 : i32
      %dma_wait3A_103 = arith.constant 0 : i32
      %dma_wait3A_104 = tpu.memref_slice %arg12[%dma_wait3A_100, %dma_wait3A_101, %dma_wait3A_102, %dma_wait3A_103] : memref<2x2x128x128xf32, #tpu.memory_space<vmem>> -> memref<1x1x128x128xf32, #tpu.memory_space<vmem>>
      %dma_wait3A_105 = tpu.memref_squeeze %dma_wait3A_104 : memref<1x1x128x128xf32, #tpu.memory_space<vmem>> -> memref<128x128xf32, #tpu.memory_space<vmem>>
      %dma_wait3A_106 = arith.constant 0 : i32
      %dma_wait3A_107 = tpu.memref_slice %arg8[%dma_wait3A_99, %dma_wait3A_106] : memref<104x128xi32, #tpu.memory_space<vmem>> -> memref<1x128xi32, #tpu.memory_space<vmem>>
      %dma_wait3A_108 = tpu.memref_squeeze %dma_wait3A_107 : memref<1x128xi32, #tpu.memory_space<vmem>> -> memref<128xi32, #tpu.memory_space<vmem>>
      %dma_wait3A_109 = arith.constant 0 : i32
      %dma_wait3A_110 = arith.constant 0 : i32
      %dma_wait3A_111 = tpu.memref_slice %arg2[%dma_wait3A_109, %dma_wait3A_110] : memref<2600000x128xf32, #tpu.memory_space<hbm>> -> memref<2600000x128xf32, #tpu.memory_space<hbm>>
      tpu.wait_indirect_dma semaphore(%arg14 : memref<!tpu.dma_semaphore, #tpu.memory_space<semaphore_mem>>) src(%dma_wait3A_111 : memref<2600000x128xf32, #tpu.memory_space<hbm>>) dst(%dma_wait3A_105 : memref<128x128xf32, #tpu.memory_space<vmem>>)
      %dma_wait3A_112 = arith.constant 0 : i32
      %dma_wait3A_113 = arith.constant 0 : i32
      %dma_wait3A_114 = arith.constant 0 : i32
      %dma_wait3A_115 = arith.constant 0 : i32
      %dma_wait3A_116 = arith.constant 0 : i32
      %dma_wait3A_117 = tpu.memref_slice %arg12[%dma_wait3A_113, %dma_wait3A_114, %dma_wait3A_115, %dma_wait3A_116] : memref<2x2x128x128xf32, #tpu.memory_space<vmem>> -> memref<1x1x128x128xf32, #tpu.memory_space<vmem>>
      %dma_wait3A_118 = tpu.memref_squeeze %dma_wait3A_117 : memref<1x1x128x128xf32, #tpu.memory_space<vmem>> -> memref<128x128xf32, #tpu.memory_space<vmem>>
      %dma_wait3A_119 = arith.constant 0 : i32
      %dma_wait3A_120 = tpu.memref_slice %arg8[%dma_wait3A_112, %dma_wait3A_119] : memref<104x128xi32, #tpu.memory_space<vmem>> -> memref<1x128xi32, #tpu.memory_space<vmem>>
      %dma_wait3A_121 = tpu.memref_squeeze %dma_wait3A_120 : memref<1x128xi32, #tpu.memory_space<vmem>> -> memref<128xi32, #tpu.memory_space<vmem>>
      %dma_wait3A_122 = arith.constant 0 : i32
      %dma_wait3A_123 = arith.constant 0 : i32
      %dma_wait3A_124 = tpu.memref_slice %arg2[%dma_wait3A_122, %dma_wait3A_123] : memref<2600000x128xf32, #tpu.memory_space<hbm>> -> memref<2600000x128xf32, #tpu.memory_space<hbm>>
      tpu.wait_indirect_dma semaphore(%arg14 : memref<!tpu.dma_semaphore, #tpu.memory_space<semaphore_mem>>) src(%dma_wait3A_124 : memref<2600000x128xf32, #tpu.memory_space<hbm>>) dst(%dma_wait3A_118 : memref<128x128xf32, #tpu.memory_space<vmem>>)
      %mul3A_125 = arith.constant 2 : i32
      %mul3A_126 = arith.muli %scan3A_97, %mul3A_125 : i32
      %add3A_127 = arith.constant 0 : i32
      %add3A_128 = arith.addi %mul3A_126, %add3A_127 : i32
      %div3A = arith.constant 4 : i32
      %div3A_129 = arith.divsi %add3A_128, %div3A : i32
      %add3A_130 = arith.constant 13 : i32
      %add3A_131 = arith.addi %add3A_130, %div3A_129 : i32
      %mul3A_132 = arith.constant 16384 : i32
      %mul3A_133 = arith.muli %add3A_131, %mul3A_132 : i32
      %mul3A_134 = arith.constant 512 : i32
      %mul3A_135 = arith.muli %add3A, %mul3A_134 : i32
      %add3A_136 = arith.addi %mul3A_133, %mul3A_135 : i32
      %rem3A_137 = arith.constant 4 : i32
      %rem3A_138 = arith.remsi %add3A_128, %rem3A_137 : i32
      %mul3A_139 = arith.constant 128 : i32
      %mul3A_140 = arith.muli %rem3A_138, %mul3A_139 : i32
      %add3A_141 = arith.addi %add3A_136, %mul3A_140 : i32
      %dma_start3A_142 = arith.constant 0 : i32
      %dma_start3A_143 = arith.constant 0 : i32
      %dma_start3A_144 = arith.constant 0 : i32
      %dma_start3A_145 = tpu.memref_slice %arg12[%rem3A_98, %dma_start3A_142, %dma_start3A_143, %dma_start3A_144] : memref<2x2x128x128xf32, #tpu.memory_space<vmem>> -> memref<1x1x128x128xf32, #tpu.memory_space<vmem>>
      %dma_start3A_146 = tpu.memref_squeeze %dma_start3A_145 : memref<1x1x128x128xf32, #tpu.memory_space<vmem>> -> memref<128x128xf32, #tpu.memory_space<vmem>>
      %dma_start3A_147 = arith.constant 0 : i32
      %dma_start3A_148 = tpu.memref_slice %arg7[%add3A_141, %dma_start3A_147] : memref<638976x128xf32, #tpu.memory_space<hbm>> -> memref<128x128xf32, #tpu.memory_space<hbm>>
      %dma_start3A_149 = arith.constant 0 : i32
      %dma_start3A_150 = tpu.memref_slice %arg7[%add3A_141, %dma_start3A_149] : memref<638976x128xf32, #tpu.memory_space<hbm>> -> memref<128x128xf32, #tpu.memory_space<hbm>>
      %dma_start3A_151 = arith.constant 0 : i32
      %dma_start3A_152 = arith.constant 0 : i32
      %dma_start3A_153 = tpu.memref_slice %arg12[%rem3A_98, %dma_start3A_142, %dma_start3A_151, %dma_start3A_152] : memref<2x2x128x128xf32, #tpu.memory_space<vmem>> -> memref<1x1x128x128xf32, #tpu.memory_space<vmem>>
      %dma_start3A_154 = tpu.memref_squeeze %dma_start3A_153 : memref<1x1x128x128xf32, #tpu.memory_space<vmem>> -> memref<128x128xf32, #tpu.memory_space<vmem>>
      tpu.enqueue_dma source(%dma_start3A_154 : memref<128x128xf32, #tpu.memory_space<vmem>>) target(%dma_start3A_150 : memref<128x128xf32, #tpu.memory_space<hbm>>) target_semaphore(%arg15 : memref<!tpu.dma_semaphore, #tpu.memory_space<semaphore_mem>>)
      %mul3A_155 = arith.constant 2 : i32
      %mul3A_156 = arith.muli %scan3A_97, %mul3A_155 : i32
      %add3A_157 = arith.constant 1 : i32
      %add3A_158 = arith.addi %mul3A_156, %add3A_157 : i32
      %div3A_159 = arith.constant 4 : i32
      %div3A_160 = arith.divsi %add3A_158, %div3A_159 : i32
      %add3A_161 = arith.constant 13 : i32
      %add3A_162 = arith.addi %add3A_161, %div3A_160 : i32
      %mul3A_163 = arith.constant 16384 : i32
      %mul3A_164 = arith.muli %add3A_162, %mul3A_163 : i32
      %mul3A_165 = arith.constant 512 : i32
      %mul3A_166 = arith.muli %add3A, %mul3A_165 : i32
      %add3A_167 = arith.addi %mul3A_164, %mul3A_166 : i32
      %rem3A_168 = arith.constant 4 : i32
      %rem3A_169 = arith.remsi %add3A_158, %rem3A_168 : i32
      %mul3A_170 = arith.constant 128 : i32
      %mul3A_171 = arith.muli %rem3A_169, %mul3A_170 : i32
      %add3A_172 = arith.addi %add3A_167, %mul3A_171 : i32
      %dma_start3A_173 = arith.constant 1 : i32
      %dma_start3A_174 = arith.constant 0 : i32
      %dma_start3A_175 = arith.constant 0 : i32
      %dma_start3A_176 = tpu.memref_slice %arg12[%rem3A_98, %dma_start3A_173, %dma_start3A_174, %dma_start3A_175] : memref<2x2x128x128xf32, #tpu.memory_space<vmem>> -> memref<1x1x128x128xf32, #tpu.memory_space<vmem>>
      %dma_start3A_177 = tpu.memref_squeeze %dma_start3A_176 : memref<1x1x128x128xf32, #tpu.memory_space<vmem>> -> memref<128x128xf32, #tpu.memory_space<vmem>>
      %dma_start3A_178 = arith.constant 0 : i32
      %dma_start3A_179 = tpu.memref_slice %arg7[%add3A_172, %dma_start3A_178] : memref<638976x128xf32, #tpu.memory_space<hbm>> -> memref<128x128xf32, #tpu.memory_space<hbm>>
      %dma_start3A_180 = arith.constant 0 : i32
      %dma_start3A_181 = tpu.memref_slice %arg7[%add3A_172, %dma_start3A_180] : memref<638976x128xf32, #tpu.memory_space<hbm>> -> memref<128x128xf32, #tpu.memory_space<hbm>>
      %dma_start3A_182 = arith.constant 0 : i32
      %dma_start3A_183 = arith.constant 0 : i32
      %dma_start3A_184 = tpu.memref_slice %arg12[%rem3A_98, %dma_start3A_173, %dma_start3A_182, %dma_start3A_183] : memref<2x2x128x128xf32, #tpu.memory_space<vmem>> -> memref<1x1x128x128xf32, #tpu.memory_space<vmem>>
      %dma_start3A_185 = tpu.memref_squeeze %dma_start3A_184 : memref<1x1x128x128xf32, #tpu.memory_space<vmem>> -> memref<128x128xf32, #tpu.memory_space<vmem>>
      tpu.enqueue_dma source(%dma_start3A_185 : memref<128x128xf32, #tpu.memory_space<vmem>>) target(%dma_start3A_181 : memref<128x128xf32, #tpu.memory_space<hbm>>) target_semaphore(%arg15 : memref<!tpu.dma_semaphore, #tpu.memory_space<semaphore_mem>>)
      %ge3A = arith.constant 1 : i32
      %ge3A_186 = arith.cmpi sge, %scan3A_97, %ge3A : i32
      %convert_element_type3A = arith.extui %ge3A_186 : i1 to i32
      %cond3A = arith.constant 0 : i32
      %cond3A_187 = arith.cmpi ne, %convert_element_type3A, %cond3A : i32
      scf.if %cond3A_187 {
        %dma_wait3A_199 = arith.constant 0 : i32
        %dma_wait3A_200 = arith.constant 0 : i32
        %dma_wait3A_201 = arith.constant 0 : i32
        %dma_wait3A_202 = arith.constant 0 : i32
        %dma_wait3A_203 = tpu.memref_slice %arg12[%dma_wait3A_199, %dma_wait3A_200, %dma_wait3A_201, %dma_wait3A_202] : memref<2x2x128x128xf32, #tpu.memory_space<vmem>> -> memref<1x1x128x128xf32, #tpu.memory_space<vmem>>
        %dma_wait3A_204 = tpu.memref_squeeze %dma_wait3A_203 : memref<1x1x128x128xf32, #tpu.memory_space<vmem>> -> memref<128x128xf32, #tpu.memory_space<vmem>>
        %dma_wait3A_205 = arith.constant 0 : i32
        %dma_wait3A_206 = arith.constant 0 : i32
        %dma_wait3A_207 = tpu.memref_slice %arg7[%dma_wait3A_205, %dma_wait3A_206] : memref<638976x128xf32, #tpu.memory_space<hbm>> -> memref<128x128xf32, #tpu.memory_space<hbm>>
        %dma_wait3A_208 = arith.constant 0 : i32
        %dma_wait3A_209 = arith.constant 0 : i32
        %dma_wait3A_210 = tpu.memref_slice %arg7[%dma_wait3A_208, %dma_wait3A_209] : memref<638976x128xf32, #tpu.memory_space<hbm>> -> memref<128x128xf32, #tpu.memory_space<hbm>>
        %dma_wait3A_211 = arith.constant 0 : i32
        %dma_wait3A_212 = arith.constant 0 : i32
        %dma_wait3A_213 = tpu.memref_slice %arg12[%dma_wait3A_199, %dma_wait3A_200, %dma_wait3A_211, %dma_wait3A_212] : memref<2x2x128x128xf32, #tpu.memory_space<vmem>> -> memref<1x1x128x128xf32, #tpu.memory_space<vmem>>
        %dma_wait3A_214 = tpu.memref_squeeze %dma_wait3A_213 : memref<1x1x128x128xf32, #tpu.memory_space<vmem>> -> memref<128x128xf32, #tpu.memory_space<vmem>>
        tpu.wait_dma2 semaphore(%arg15 : memref<!tpu.dma_semaphore, #tpu.memory_space<semaphore_mem>>) src(%dma_wait3A_214 : memref<128x128xf32, #tpu.memory_space<vmem>>) dst(%dma_wait3A_210 : memref<128x128xf32, #tpu.memory_space<hbm>>)
        %dma_wait3A_215 = arith.constant 0 : i32
        %dma_wait3A_216 = arith.constant 0 : i32
        %dma_wait3A_217 = arith.constant 0 : i32
        %dma_wait3A_218 = arith.constant 0 : i32
        %dma_wait3A_219 = tpu.memref_slice %arg12[%dma_wait3A_215, %dma_wait3A_216, %dma_wait3A_217, %dma_wait3A_218] : memref<2x2x128x128xf32, #tpu.memory_space<vmem>> -> memref<1x1x128x128xf32, #tpu.memory_space<vmem>>
        %dma_wait3A_220 = tpu.memref_squeeze %dma_wait3A_219 : memref<1x1x128x128xf32, #tpu.memory_space<vmem>> -> memref<128x128xf32, #tpu.memory_space<vmem>>
        %dma_wait3A_221 = arith.constant 0 : i32
        %dma_wait3A_222 = arith.constant 0 : i32
        %dma_wait3A_223 = tpu.memref_slice %arg7[%dma_wait3A_221, %dma_wait3A_222] : memref<638976x128xf32, #tpu.memory_space<hbm>> -> memref<128x128xf32, #tpu.memory_space<hbm>>
        %dma_wait3A_224 = arith.constant 0 : i32
        %dma_wait3A_225 = arith.constant 0 : i32
        %dma_wait3A_226 = tpu.memref_slice %arg7[%dma_wait3A_224, %dma_wait3A_225] : memref<638976x128xf32, #tpu.memory_space<hbm>> -> memref<128x128xf32, #tpu.memory_space<hbm>>
        %dma_wait3A_227 = arith.constant 0 : i32
        %dma_wait3A_228 = arith.constant 0 : i32
        %dma_wait3A_229 = tpu.memref_slice %arg12[%dma_wait3A_215, %dma_wait3A_216, %dma_wait3A_227, %dma_wait3A_228] : memref<2x2x128x128xf32, #tpu.memory_space<vmem>> -> memref<1x1x128x128xf32, #tpu.memory_space<vmem>>
        %dma_wait3A_230 = tpu.memref_squeeze %dma_wait3A_229 : memref<1x1x128x128xf32, #tpu.memory_space<vmem>> -> memref<128x128xf32, #tpu.memory_space<vmem>>
        tpu.wait_dma2 semaphore(%arg15 : memref<!tpu.dma_semaphore, #tpu.memory_space<semaphore_mem>>) src(%dma_wait3A_230 : memref<128x128xf32, #tpu.memory_space<vmem>>) dst(%dma_wait3A_226 : memref<128x128xf32, #tpu.memory_space<hbm>>)
      } else {
      }
      %add3A_188 = arith.constant 1 : i32
      %add3A_189 = arith.addi %scan3A_97, %add3A_188 : i32
      %lt3A = arith.constant 52 : i32
      %lt3A_190 = arith.cmpi slt, %add3A_189, %lt3A : i32
      %convert_element_type3A_191 = arith.extui %lt3A_190 : i1 to i32
      %cond3A_192 = arith.constant 0 : i32
      %cond3A_193 = arith.cmpi ne, %convert_element_type3A_191, %cond3A_192 : i32
      scf.if %cond3A_193 {
        %add3A_199 = arith.constant 1 : i32
        %add3A_200 = arith.addi %scan3A_97, %add3A_199 : i32
        %mul3A_201 = arith.constant 2 : i32
        %mul3A_202 = arith.muli %add3A_200, %mul3A_201 : i32
        %add3A_203 = arith.constant 0 : i32
        %add3A_204 = arith.addi %mul3A_202, %add3A_203 : i32
        %sub3A = arith.constant 1 : i32
        %sub3A_205 = arith.subi %sub3A, %rem3A_98 : i32
        %dma_start3A_206 = arith.constant 0 : i32
        %dma_start3A_207 = arith.constant 0 : i32
        %dma_start3A_208 = arith.constant 0 : i32
        %dma_start3A_209 = tpu.memref_slice %arg12[%sub3A_205, %dma_start3A_206, %dma_start3A_207, %dma_start3A_208] : memref<2x2x128x128xf32, #tpu.memory_space<vmem>> -> memref<1x1x128x128xf32, #tpu.memory_space<vmem>>
        %dma_start3A_210 = tpu.memref_squeeze %dma_start3A_209 : memref<1x1x128x128xf32, #tpu.memory_space<vmem>> -> memref<128x128xf32, #tpu.memory_space<vmem>>
        %dma_start3A_211 = arith.constant 0 : i32
        %dma_start3A_212 = tpu.memref_slice %arg8[%add3A_204, %dma_start3A_211] : memref<104x128xi32, #tpu.memory_space<vmem>> -> memref<1x128xi32, #tpu.memory_space<vmem>>
        %dma_start3A_213 = tpu.memref_squeeze %dma_start3A_212 : memref<1x128xi32, #tpu.memory_space<vmem>> -> memref<128xi32, #tpu.memory_space<vmem>>
        %dma_start3A_214 = arith.constant 0 : i32
        %dma_start3A_215 = arith.constant 0 : i32
        %dma_start3A_216 = tpu.memref_slice %arg2[%dma_start3A_214, %dma_start3A_215] : memref<2600000x128xf32, #tpu.memory_space<hbm>> -> memref<2600000x128xf32, #tpu.memory_space<hbm>>
        tpu.enqueue_indirect_dma source(%dma_start3A_216 : memref<2600000x128xf32, #tpu.memory_space<hbm>>) target(%dma_start3A_210 : memref<128x128xf32, #tpu.memory_space<vmem>>) offsets(%dma_start3A_213 : memref<128xi32, #tpu.memory_space<vmem>>) semaphore(%arg14 : memref<!tpu.dma_semaphore, #tpu.memory_space<semaphore_mem>>)
        %add3A_217 = arith.constant 1 : i32
        %add3A_218 = arith.addi %scan3A_97, %add3A_217 : i32
        %mul3A_219 = arith.constant 2 : i32
        %mul3A_220 = arith.muli %add3A_218, %mul3A_219 : i32
        %add3A_221 = arith.constant 1 : i32
        %add3A_222 = arith.addi %mul3A_220, %add3A_221 : i32
        %sub3A_223 = arith.constant 1 : i32
        %sub3A_224 = arith.subi %sub3A_223, %rem3A_98 : i32
        %dma_start3A_225 = arith.constant 1 : i32
        %dma_start3A_226 = arith.constant 0 : i32
        %dma_start3A_227 = arith.constant 0 : i32
        %dma_start3A_228 = tpu.memref_slice %arg12[%sub3A_224, %dma_start3A_225, %dma_start3A_226, %dma_start3A_227] : memref<2x2x128x128xf32, #tpu.memory_space<vmem>> -> memref<1x1x128x128xf32, #tpu.memory_space<vmem>>
        %dma_start3A_229 = tpu.memref_squeeze %dma_start3A_228 : memref<1x1x128x128xf32, #tpu.memory_space<vmem>> -> memref<128x128xf32, #tpu.memory_space<vmem>>
        %dma_start3A_230 = arith.constant 0 : i32
        %dma_start3A_231 = tpu.memref_slice %arg8[%add3A_222, %dma_start3A_230] : memref<104x128xi32, #tpu.memory_space<vmem>> -> memref<1x128xi32, #tpu.memory_space<vmem>>
        %dma_start3A_232 = tpu.memref_squeeze %dma_start3A_231 : memref<1x128xi32, #tpu.memory_space<vmem>> -> memref<128xi32, #tpu.memory_space<vmem>>
        %dma_start3A_233 = arith.constant 0 : i32
        %dma_start3A_234 = arith.constant 0 : i32
        %dma_start3A_235 = tpu.memref_slice %arg2[%dma_start3A_233, %dma_start3A_234] : memref<2600000x128xf32, #tpu.memory_space<hbm>> -> memref<2600000x128xf32, #tpu.memory_space<hbm>>
        tpu.enqueue_indirect_dma source(%dma_start3A_235 : memref<2600000x128xf32, #tpu.memory_space<hbm>>) target(%dma_start3A_229 : memref<128x128xf32, #tpu.memory_space<vmem>>) offsets(%dma_start3A_232 : memref<128xi32, #tpu.memory_space<vmem>>) semaphore(%arg14 : memref<!tpu.dma_semaphore, #tpu.memory_space<semaphore_mem>>)
      } else {
      }
      %lt3A_194 = arith.constant 52 : i32
      %lt3A_195 = arith.cmpi slt, %scan3A_97, %lt3A_194 : i32
      %convert_element_type3A_196 = arith.extui %lt3A_195 : i1 to i32
      %cond3A_197 = arith.constant 0 : i32
      %cond3A_198 = arith.cmpi ne, %convert_element_type3A_196, %cond3A_197 : i32
      scf.if %cond3A_198 {
        %rem3A_199 = arith.constant 2 : i32
        %rem3A_200 = arith.remsi %scan3A_97, %rem3A_199 : i32
        %ge3A_201 = arith.constant 2 : i32
        %ge3A_202 = arith.cmpi sge, %scan3A_97, %ge3A_201 : i32
        %convert_element_type3A_203 = arith.extui %ge3A_202 : i1 to i32
        %cond3A_204 = arith.constant 0 : i32
        %cond3A_205 = arith.cmpi ne, %convert_element_type3A_203, %cond3A_204 : i32
        scf.if %cond3A_205 {
          %dma_wait3A_299 = arith.constant 0 : i32
          %dma_wait3A_300 = arith.constant 0 : i32
          %dma_wait3A_301 = arith.constant 0 : i32
          %dma_wait3A_302 = tpu.memref_slice %arg13[%dma_wait3A_299, %dma_wait3A_300, %dma_wait3A_301] : memref<2x128x128xf32, #tpu.memory_space<vmem>> -> memref<1x128x128xf32, #tpu.memory_space<vmem>>
          %dma_wait3A_303 = tpu.memref_squeeze %dma_wait3A_302 : memref<1x128x128xf32, #tpu.memory_space<vmem>> -> memref<128x128xf32, #tpu.memory_space<vmem>>
          %dma_wait3A_304 = arith.constant 0 : i32
          %dma_wait3A_305 = arith.constant 0 : i32
          %dma_wait3A_306 = tpu.memref_slice %arg7[%dma_wait3A_304, %dma_wait3A_305] : memref<638976x128xf32, #tpu.memory_space<hbm>> -> memref<128x128xf32, #tpu.memory_space<hbm>>
          %dma_wait3A_307 = arith.constant 0 : i32
          %dma_wait3A_308 = arith.constant 0 : i32
          %dma_wait3A_309 = tpu.memref_slice %arg7[%dma_wait3A_307, %dma_wait3A_308] : memref<638976x128xf32, #tpu.memory_space<hbm>> -> memref<128x128xf32, #tpu.memory_space<hbm>>
          %dma_wait3A_310 = arith.constant 0 : i32
          %dma_wait3A_311 = arith.constant 0 : i32
          %dma_wait3A_312 = tpu.memref_slice %arg13[%dma_wait3A_299, %dma_wait3A_310, %dma_wait3A_311] : memref<2x128x128xf32, #tpu.memory_space<vmem>> -> memref<1x128x128xf32, #tpu.memory_space<vmem>>
          %dma_wait3A_313 = tpu.memref_squeeze %dma_wait3A_312 : memref<1x128x128xf32, #tpu.memory_space<vmem>> -> memref<128x128xf32, #tpu.memory_space<vmem>>
          tpu.wait_dma2 semaphore(%arg16 : memref<!tpu.dma_semaphore, #tpu.memory_space<semaphore_mem>>) src(%dma_wait3A_313 : memref<128x128xf32, #tpu.memory_space<vmem>>) dst(%dma_wait3A_309 : memref<128x128xf32, #tpu.memory_space<hbm>>)
        } else {
        }
        %div3A_206 = arith.constant 4 : i32
        %div3A_207 = arith.divsi %scan3A_97, %div3A_206 : i32
        %rem3A_208 = arith.constant 4 : i32
        %rem3A_209 = arith.remsi %scan3A_97, %rem3A_208 : i32
        %get3A = arith.index_cast %div3A_207 : i32 to index
        %get3A_210 = arith.constant 0 : index
        %get3A_211 = tpu.vector_load %arg10[%get3A, %get3A_210] {strides = array<i32>} : memref<13x128xf32, #tpu.memory_space<vmem>>, vector<1x16xf32>,
        %get3A_212 = vector.shape_cast %get3A_211 : vector<1x16xf32> to vector<16xf32>
        %get3A_213 = arith.index_cast %div3A_207 : i32 to index
        %get3A_214 = arith.constant 16 : index
        %get3A_215 = tpu.vector_load %arg10[%get3A_213, %get3A_214] {strides = array<i32>} : memref<13x128xf32, #tpu.memory_space<vmem>>, vector<1x16xf32>,
        %get3A_216 = vector.shape_cast %get3A_215 : vector<1x16xf32> to vector<16xf32>
        %get3A_217 = arith.index_cast %div3A_207 : i32 to index
        %get3A_218 = arith.constant 32 : index
        %get3A_219 = tpu.vector_load %arg10[%get3A_217, %get3A_218] {strides = array<i32>} : memref<13x128xf32, #tpu.memory_space<vmem>>, vector<1x16xf32>,
        %get3A_220 = vector.shape_cast %get3A_219 : vector<1x16xf32> to vector<16xf32>
        %get3A_221 = arith.index_cast %div3A_207 : i32 to index
        %get3A_222 = arith.constant 48 : index
        %get3A_223 = tpu.vector_load %arg10[%get3A_221, %get3A_222] {strides = array<i32>} : memref<13x128xf32, #tpu.memory_space<vmem>>, vector<1x16xf32>,
        %get3A_224 = vector.shape_cast %get3A_223 : vector<1x16xf32> to vector<16xf32>
        %get3A_225 = arith.index_cast %div3A_207 : i32 to index
        %get3A_226 = arith.constant 64 : index
        %get3A_227 = tpu.vector_load %arg10[%get3A_225, %get3A_226] {strides = array<i32>} : memref<13x128xf32, #tpu.memory_space<vmem>>, vector<1x16xf32>,
        %get3A_228 = vector.shape_cast %get3A_227 : vector<1x16xf32> to vector<16xf32>
        %get3A_229 = arith.index_cast %div3A_207 : i32 to index
        %get3A_230 = arith.constant 80 : index
        %get3A_231 = tpu.vector_load %arg10[%get3A_229, %get3A_230] {strides = array<i32>} : memref<13x128xf32, #tpu.memory_space<vmem>>, vector<1x16xf32>,
        %get3A_232 = vector.shape_cast %get3A_231 : vector<1x16xf32> to vector<16xf32>
        %get3A_233 = arith.index_cast %div3A_207 : i32 to index
        %get3A_234 = arith.constant 96 : index
        %get3A_235 = tpu.vector_load %arg10[%get3A_233, %get3A_234] {strides = array<i32>} : memref<13x128xf32, #tpu.memory_space<vmem>>, vector<1x16xf32>,
        %get3A_236 = vector.shape_cast %get3A_235 : vector<1x16xf32> to vector<16xf32>
        %get3A_237 = arith.index_cast %div3A_207 : i32 to index
        %get3A_238 = arith.constant 112 : index
        %get3A_239 = tpu.vector_load %arg10[%get3A_237, %get3A_238] {strides = array<i32>} : memref<13x128xf32, #tpu.memory_space<vmem>>, vector<1x16xf32>,
        %get3A_240 = vector.shape_cast %get3A_239 : vector<1x16xf32> to vector<16xf32>
        %get3A_241 = arith.index_cast %div3A_207 : i32 to index
        %get3A_242 = arith.constant 0 : index
        %get3A_243 = tpu.vector_load %arg11[%get3A_241, %get3A_242] {strides = array<i32>} : memref<13x128xf32, #tpu.memory_space<vmem>>, vector<1x16xf32>,
        %get3A_244 = vector.shape_cast %get3A_243 : vector<1x16xf32> to vector<16xf32>
        %get3A_245 = arith.index_cast %div3A_207 : i32 to index
        %get3A_246 = arith.constant 16 : index
        %get3A_247 = tpu.vector_load %arg11[%get3A_245, %get3A_246] {strides = array<i32>} : memref<13x128xf32, #tpu.memory_space<vmem>>, vector<1x16xf32>,
        %get3A_248 = vector.shape_cast %get3A_247 : vector<1x16xf32> to vector<16xf32>
        %get3A_249 = arith.index_cast %div3A_207 : i32 to index
        %get3A_250 = arith.constant 32 : index
        %get3A_251 = tpu.vector_load %arg11[%get3A_249, %get3A_250] {strides = array<i32>} : memref<13x128xf32, #tpu.memory_space<vmem>>, vector<1x16xf32>,
        %get3A_252 = vector.shape_cast %get3A_251 : vector<1x16xf32> to vector<16xf32>
        %get3A_253 = arith.index_cast %div3A_207 : i32 to index
        %get3A_254 = arith.constant 48 : index
        %get3A_255 = tpu.vector_load %arg11[%get3A_253, %get3A_254] {strides = array<i32>} : memref<13x128xf32, #tpu.memory_space<vmem>>, vector<1x16xf32>,
        %get3A_256 = vector.shape_cast %get3A_255 : vector<1x16xf32> to vector<16xf32>
        %get3A_257 = arith.index_cast %div3A_207 : i32 to index
        %get3A_258 = arith.constant 64 : index
        %get3A_259 = tpu.vector_load %arg11[%get3A_257, %get3A_258] {strides = array<i32>} : memref<13x128xf32, #tpu.memory_space<vmem>>, vector<1x16xf32>,
        %get3A_260 = vector.shape_cast %get3A_259 : vector<1x16xf32> to vector<16xf32>
        %get3A_261 = arith.index_cast %div3A_207 : i32 to index
        %get3A_262 = arith.constant 80 : index
        %get3A_263 = tpu.vector_load %arg11[%get3A_261, %get3A_262] {strides = array<i32>} : memref<13x128xf32, #tpu.memory_space<vmem>>, vector<1x16xf32>,
        %get3A_264 = vector.shape_cast %get3A_263 : vector<1x16xf32> to vector<16xf32>
        %get3A_265 = arith.index_cast %div3A_207 : i32 to index
        %get3A_266 = arith.constant 96 : index
        %get3A_267 = tpu.vector_load %arg11[%get3A_265, %get3A_266] {strides = array<i32>} : memref<13x128xf32, #tpu.memory_space<vmem>>, vector<1x16xf32>,
        %get3A_268 = vector.shape_cast %get3A_267 : vector<1x16xf32> to vector<16xf32>
        %get3A_269 = arith.index_cast %div3A_207 : i32 to index
        %get3A_270 = arith.constant 112 : index
        %get3A_271 = tpu.vector_load %arg11[%get3A_269, %get3A_270] {strides = array<i32>} : memref<13x128xf32, #tpu.memory_space<vmem>>, vector<1x16xf32>,
        %get3A_272 = vector.shape_cast %get3A_271 : vector<1x16xf32> to vector<16xf32>
        %scan3A_273 = arith.constant 0 : i32
        %scan3A_274 = arith.constant 0 : i32
        %scan3A_275 = arith.constant 8 : i32
        %scan3A_276 = arith.addi %scan3A_274, %scan3A_275 : i32
        %scan3A_277 = arith.constant 1 : i32
        scf.for %scan3A_299 = %scan3A_274 to %scan3A_276 step %scan3A_277  : i32 {
          %mul3A_300 = arith.constant 16 : i32
          %mul3A_301 = arith.muli %scan3A_299, %mul3A_300 : i32
          %get3A_302 = arith.index_cast %scan3A_97 : i32 to index
          %get3A_303 = arith.index_cast %mul3A_301 : i32 to index
          %get3A_304 = tpu.vector_load %arg9[%get3A_302, %get3A_303] {strides = array<i32>} : memref<52x128xf32, #tpu.memory_space<vmem>>, vector<1x16xf32>,
          %get3A_305 = vector.shape_cast %get3A_304 : vector<1x16xf32> to vector<16xf32>
          %slice3A = vector.extract_strided_slice %get3A_305 {offsets = [0], sizes = [1], strides = [1]} : vector<16xf32> to vector<1xf32>
          %squeeze3A = vector.extract %slice3A[0] : f32 from vector<1xf32>
          %mul3A_306 = vector.broadcast %squeeze3A : f32 to vector<16xf32>
          %mul3A_307 = arith.mulf %mul3A_306, %get3A_212 : vector<16xf32>
          %add3A_308 = arith.addf %mul3A_307, %get3A_244 : vector<16xf32>
          %mul3A_309 = arith.constant 16 : i32
          %mul3A_310 = arith.muli %scan3A_299, %mul3A_309 : i32
          %add3A_311 = arith.constant 0 : i32
          %add3A_312 = arith.addi %mul3A_310, %add3A_311 : i32
          %swap3A = arith.index_cast %rem3A_200 : i32 to index
          %swap3A_313 = arith.index_cast %add3A_312 : i32 to index
          %swap3A_314 = arith.constant 0 : index
          %swap3A_315 = tpu.vector_load %arg13[%swap3A, %swap3A_313, %swap3A_314] {strides = array<i32>} : memref<2x128x128xf32, #tpu.memory_space<vmem>>, vector<1x1x16xf32>,
          %swap3A_316 = vector.shape_cast %swap3A_315 : vector<1x1x16xf32> to vector<16xf32>
          %swap3A_317 = vector.shape_cast %add3A_308 : vector<16xf32> to vector<1x1x16xf32>
          tpu.vector_store %arg13[%swap3A, %swap3A_313, %swap3A_314], %swap3A_317 {strides = array<i32>} : memref<2x128x128xf32, #tpu.memory_space<vmem>>, vector<1x1x16xf32>,
          %mul3A_318 = vector.broadcast %squeeze3A : f32 to vector<16xf32>
          %mul3A_319 = arith.mulf %mul3A_318, %get3A_216 : vector<16xf32>
          %add3A_320 = arith.addf %mul3A_319, %get3A_248 : vector<16xf32>
          %mul3A_321 = arith.constant 16 : i32
          %mul3A_322 = arith.muli %scan3A_299, %mul3A_321 : i32
          %add3A_323 = arith.constant 0 : i32
          %add3A_324 = arith.addi %mul3A_322, %add3A_323 : i32
          %swap3A_325 = arith.index_cast %rem3A_200 : i32 to index
          %swap3A_326 = arith.index_cast %add3A_324 : i32 to index
          %swap3A_327 = arith.constant 16 : index
          %swap3A_328 = tpu.vector_load %arg13[%swap3A_325, %swap3A_326, %swap3A_327] {strides = array<i32>} : memref<2x128x128xf32, #tpu.memory_space<vmem>>, vector<1x1x16xf32>,
          %swap3A_329 = vector.shape_cast %swap3A_328 : vector<1x1x16xf32> to vector<16xf32>
          %swap3A_330 = vector.shape_cast %add3A_320 : vector<16xf32> to vector<1x1x16xf32>
          tpu.vector_store %arg13[%swap3A_325, %swap3A_326, %swap3A_327], %swap3A_330 {strides = array<i32>} : memref<2x128x128xf32, #tpu.memory_space<vmem>>, vector<1x1x16xf32>,
          %mul3A_331 = vector.broadcast %squeeze3A : f32 to vector<16xf32>
          %mul3A_332 = arith.mulf %mul3A_331, %get3A_220 : vector<16xf32>
          %add3A_333 = arith.addf %mul3A_332, %get3A_252 : vector<16xf32>
          %mul3A_334 = arith.constant 16 : i32
          %mul3A_335 = arith.muli %scan3A_299, %mul3A_334 : i32
          %add3A_336 = arith.constant 0 : i32
          %add3A_337 = arith.addi %mul3A_335, %add3A_336 : i32
          %swap3A_338 = arith.index_cast %rem3A_200 : i32 to index
          %swap3A_339 = arith.index_cast %add3A_337 : i32 to index
          %swap3A_340 = arith.constant 32 : index
          %swap3A_341 = tpu.vector_load %arg13[%swap3A_338, %swap3A_339, %swap3A_340] {strides = array<i32>} : memref<2x128x128xf32, #tpu.memory_space<vmem>>, vector<1x1x16xf32>,
          %swap3A_342 = vector.shape_cast %swap3A_341 : vector<1x1x16xf32> to vector<16xf32>
          %swap3A_343 = vector.shape_cast %add3A_333 : vector<16xf32> to vector<1x1x16xf32>
          tpu.vector_store %arg13[%swap3A_338, %swap3A_339, %swap3A_340], %swap3A_343 {strides = array<i32>} : memref<2x128x128xf32, #tpu.memory_space<vmem>>, vector<1x1x16xf32>,
          %mul3A_344 = vector.broadcast %squeeze3A : f32 to vector<16xf32>
          %mul3A_345 = arith.mulf %mul3A_344, %get3A_224 : vector<16xf32>
          %add3A_346 = arith.addf %mul3A_345, %get3A_256 : vector<16xf32>
          %mul3A_347 = arith.constant 16 : i32
          %mul3A_348 = arith.muli %scan3A_299, %mul3A_347 : i32
          %add3A_349 = arith.constant 0 : i32
          %add3A_350 = arith.addi %mul3A_348, %add3A_349 : i32
          %swap3A_351 = arith.index_cast %rem3A_200 : i32 to index
          %swap3A_352 = arith.index_cast %add3A_350 : i32 to index
          %swap3A_353 = arith.constant 48 : index
          %swap3A_354 = tpu.vector_load %arg13[%swap3A_351, %swap3A_352, %swap3A_353] {strides = array<i32>} : memref<2x128x128xf32, #tpu.memory_space<vmem>>, vector<1x1x16xf32>,
          %swap3A_355 = vector.shape_cast %swap3A_354 : vector<1x1x16xf32> to vector<16xf32>
          %swap3A_356 = vector.shape_cast %add3A_346 : vector<16xf32> to vector<1x1x16xf32>
          tpu.vector_store %arg13[%swap3A_351, %swap3A_352, %swap3A_353], %swap3A_356 {strides = array<i32>} : memref<2x128x128xf32, #tpu.memory_space<vmem>>, vector<1x1x16xf32>,
          %mul3A_357 = vector.broadcast %squeeze3A : f32 to vector<16xf32>
          %mul3A_358 = arith.mulf %mul3A_357, %get3A_228 : vector<16xf32>
          %add3A_359 = arith.addf %mul3A_358, %get3A_260 : vector<16xf32>
          %mul3A_360 = arith.constant 16 : i32
          %mul3A_361 = arith.muli %scan3A_299, %mul3A_360 : i32
          %add3A_362 = arith.constant 0 : i32
          %add3A_363 = arith.addi %mul3A_361, %add3A_362 : i32
          %swap3A_364 = arith.index_cast %rem3A_200 : i32 to index
          %swap3A_365 = arith.index_cast %add3A_363 : i32 to index
          %swap3A_366 = arith.constant 64 : index
          %swap3A_367 = tpu.vector_load %arg13[%swap3A_364, %swap3A_365, %swap3A_366] {strides = array<i32>} : memref<2x128x128xf32, #tpu.memory_space<vmem>>, vector<1x1x16xf32>,
          %swap3A_368 = vector.shape_cast %swap3A_367 : vector<1x1x16xf32> to vector<16xf32>
          %swap3A_369 = vector.shape_cast %add3A_359 : vector<16xf32> to vector<1x1x16xf32>
          tpu.vector_store %arg13[%swap3A_364, %swap3A_365, %swap3A_366], %swap3A_369 {strides = array<i32>} : memref<2x128x128xf32, #tpu.memory_space<vmem>>, vector<1x1x16xf32>,
          %mul3A_370 = vector.broadcast %squeeze3A : f32 to vector<16xf32>
          %mul3A_371 = arith.mulf %mul3A_370, %get3A_232 : vector<16xf32>
          %add3A_372 = arith.addf %mul3A_371, %get3A_264 : vector<16xf32>
          %mul3A_373 = arith.constant 16 : i32
          %mul3A_374 = arith.muli %scan3A_299, %mul3A_373 : i32
          %add3A_375 = arith.constant 0 : i32
          %add3A_376 = arith.addi %mul3A_374, %add3A_375 : i32
          %swap3A_377 = arith.index_cast %rem3A_200 : i32 to index
          %swap3A_378 = arith.index_cast %add3A_376 : i32 to index
          %swap3A_379 = arith.constant 80 : index
          %swap3A_380 = tpu.vector_load %arg13[%swap3A_377, %swap3A_378, %swap3A_379] {strides = array<i32>} : memref<2x128x128xf32, #tpu.memory_space<vmem>>, vector<1x1x16xf32>,
          %swap3A_381 = vector.shape_cast %swap3A_380 : vector<1x1x16xf32> to vector<16xf32>
          %swap3A_382 = vector.shape_cast %add3A_372 : vector<16xf32> to vector<1x1x16xf32>
          tpu.vector_store %arg13[%swap3A_377, %swap3A_378, %swap3A_379], %swap3A_382 {strides = array<i32>} : memref<2x128x128xf32, #tpu.memory_space<vmem>>, vector<1x1x16xf32>,
          %mul3A_383 = vector.broadcast %squeeze3A : f32 to vector<16xf32>
          %mul3A_384 = arith.mulf %mul3A_383, %get3A_236 : vector<16xf32>
          %add3A_385 = arith.addf %mul3A_384, %get3A_268 : vector<16xf32>
          %mul3A_386 = arith.constant 16 : i32
          %mul3A_387 = arith.muli %scan3A_299, %mul3A_386 : i32
          %add3A_388 = arith.constant 0 : i32
          %add3A_389 = arith.addi %mul3A_387, %add3A_388 : i32
          %swap3A_390 = arith.index_cast %rem3A_200 : i32 to index
          %swap3A_391 = arith.index_cast %add3A_389 : i32 to index
          %swap3A_392 = arith.constant 96 : index
          %swap3A_393 = tpu.vector_load %arg13[%swap3A_390, %swap3A_391, %swap3A_392] {strides = array<i32>} : memref<2x128x128xf32, #tpu.memory_space<vmem>>, vector<1x1x16xf32>,
          %swap3A_394 = vector.shape_cast %swap3A_393 : vector<1x1x16xf32> to vector<16xf32>
          %swap3A_395 = vector.shape_cast %add3A_385 : vector<16xf32> to vector<1x1x16xf32>
          tpu.vector_store %arg13[%swap3A_390, %swap3A_391, %swap3A_392], %swap3A_395 {strides = array<i32>} : memref<2x128x128xf32, #tpu.memory_space<vmem>>, vector<1x1x16xf32>,
          %mul3A_396 = vector.broadcast %squeeze3A : f32 to vector<16xf32>
          %mul3A_397 = arith.mulf %mul3A_396, %get3A_240 : vector<16xf32>
          %add3A_398 = arith.addf %mul3A_397, %get3A_272 : vector<16xf32>
          %mul3A_399 = arith.constant 16 : i32
          %mul3A_400 = arith.muli %scan3A_299, %mul3A_399 : i32
          %add3A_401 = arith.constant 0 : i32
          %add3A_402 = arith.addi %mul3A_400, %add3A_401 : i32
          %swap3A_403 = arith.index_cast %rem3A_200 : i32 to index
          %swap3A_404 = arith.index_cast %add3A_402 : i32 to index
          %swap3A_405 = arith.constant 112 : index
          %swap3A_406 = tpu.vector_load %arg13[%swap3A_403, %swap3A_404, %swap3A_405] {strides = array<i32>} : memref<2x128x128xf32, #tpu.memory_space<vmem>>, vector<1x1x16xf32>,
          %swap3A_407 = vector.shape_cast %swap3A_406 : vector<1x1x16xf32> to vector<16xf32>
          %swap3A_408 = vector.shape_cast %add3A_398 : vector<16xf32> to vector<1x1x16xf32>
          tpu.vector_store %arg13[%swap3A_403, %swap3A_404, %swap3A_405], %swap3A_408 {strides = array<i32>} : memref<2x128x128xf32, #tpu.memory_space<vmem>>, vector<1x1x16xf32>,
          %slice3A_409 = vector.extract_strided_slice %get3A_305 {offsets = [1], sizes = [1], strides = [1]} : vector<16xf32> to vector<1xf32>
          %squeeze3A_410 = vector.extract %slice3A_409[0] : f32 from vector<1xf32>
          %mul3A_411 = vector.broadcast %squeeze3A_410 : f32 to vector<16xf32>
          %mul3A_412 = arith.mulf %mul3A_411, %get3A_212 : vector<16xf32>
          %add3A_413 = arith.addf %mul3A_412, %get3A_244 : vector<16xf32>
          %mul3A_414 = arith.constant 16 : i32
          %mul3A_415 = arith.muli %scan3A_299, %mul3A_414 : i32
          %add3A_416 = arith.constant 1 : i32
          %add3A_417 = arith.addi %mul3A_415, %add3A_416 : i32
          %swap3A_418 = arith.index_cast %rem3A_200 : i32 to index
          %swap3A_419 = arith.index_cast %add3A_417 : i32 to index
          %swap3A_420 = arith.constant 0 : index
          %swap3A_421 = tpu.vector_load %arg13[%swap3A_418, %swap3A_419, %swap3A_420] {strides = array<i32>} : memref<2x128x128xf32, #tpu.memory_space<vmem>>, vector<1x1x16xf32>,
          %swap3A_422 = vector.shape_cast %swap3A_421 : vector<1x1x16xf32> to vector<16xf32>
          %swap3A_423 = vector.shape_cast %add3A_413 : vector<16xf32> to vector<1x1x16xf32>
          tpu.vector_store %arg13[%swap3A_418, %swap3A_419, %swap3A_420], %swap3A_423 {strides = array<i32>} : memref<2x128x128xf32, #tpu.memory_space<vmem>>, vector<1x1x16xf32>,
          %mul3A_424 = vector.broadcast %squeeze3A_410 : f32 to vector<16xf32>
          %mul3A_425 = arith.mulf %mul3A_424, %get3A_216 : vector<16xf32>
          %add3A_426 = arith.addf %mul3A_425, %get3A_248 : vector<16xf32>
          %mul3A_427 = arith.constant 16 : i32
          %mul3A_428 = arith.muli %scan3A_299, %mul3A_427 : i32
          %add3A_429 = arith.constant 1 : i32
          %add3A_430 = arith.addi %mul3A_428, %add3A_429 : i32
          %swap3A_431 = arith.index_cast %rem3A_200 : i32 to index
          %swap3A_432 = arith.index_cast %add3A_430 : i32 to index
          %swap3A_433 = arith.constant 16 : index
          %swap3A_434 = tpu.vector_load %arg13[%swap3A_431, %swap3A_432, %swap3A_433] {strides = array<i32>} : memref<2x128x128xf32, #tpu.memory_space<vmem>>, vector<1x1x16xf32>,
          %swap3A_435 = vector.shape_cast %swap3A_434 : vector<1x1x16xf32> to vector<16xf32>
          %swap3A_436 = vector.shape_cast %add3A_426 : vector<16xf32> to vector<1x1x16xf32>
          tpu.vector_store %arg13[%swap3A_431, %swap3A_432, %swap3A_433], %swap3A_436 {strides = array<i32>} : memref<2x128x128xf32, #tpu.memory_space<vmem>>, vector<1x1x16xf32>,
          %mul3A_437 = vector.broadcast %squeeze3A_410 : f32 to vector<16xf32>
          %mul3A_438 = arith.mulf %mul3A_437, %get3A_220 : vector<16xf32>
          %add3A_439 = arith.addf %mul3A_438, %get3A_252 : vector<16xf32>
          %mul3A_440 = arith.constant 16 : i32
          %mul3A_441 = arith.muli %scan3A_299, %mul3A_440 : i32
          %add3A_442 = arith.constant 1 : i32
          %add3A_443 = arith.addi %mul3A_441, %add3A_442 : i32
          %swap3A_444 = arith.index_cast %rem3A_200 : i32 to index
          %swap3A_445 = arith.index_cast %add3A_443 : i32 to index
          %swap3A_446 = arith.constant 32 : index
          %swap3A_447 = tpu.vector_load %arg13[%swap3A_444, %swap3A_445, %swap3A_446] {strides = array<i32>} : memref<2x128x128xf32, #tpu.memory_space<vmem>>, vector<1x1x16xf32>,
          %swap3A_448 = vector.shape_cast %swap3A_447 : vector<1x1x16xf32> to vector<16xf32>
          %swap3A_449 = vector.shape_cast %add3A_439 : vector<16xf32> to vector<1x1x16xf32>
          tpu.vector_store %arg13[%swap3A_444, %swap3A_445, %swap3A_446], %swap3A_449 {strides = array<i32>} : memref<2x128x128xf32, #tpu.memory_space<vmem>>, vector<1x1x16xf32>,
          %mul3A_450 = vector.broadcast %squeeze3A_410 : f32 to vector<16xf32>
          %mul3A_451 = arith.mulf %mul3A_450, %get3A_224 : vector<16xf32>
          %add3A_452 = arith.addf %mul3A_451, %get3A_256 : vector<16xf32>
          %mul3A_453 = arith.constant 16 : i32
          %mul3A_454 = arith.muli %scan3A_299, %mul3A_453 : i32
          %add3A_455 = arith.constant 1 : i32
          %add3A_456 = arith.addi %mul3A_454, %add3A_455 : i32
          %swap3A_457 = arith.index_cast %rem3A_200 : i32 to index
          %swap3A_458 = arith.index_cast %add3A_456 : i32 to index
          %swap3A_459 = arith.constant 48 : index
          %swap3A_460 = tpu.vector_load %arg13[%swap3A_457, %swap3A_458, %swap3A_459] {strides = array<i32>} : memref<2x128x128xf32, #tpu.memory_space<vmem>>, vector<1x1x16xf32>,
          %swap3A_461 = vector.shape_cast %swap3A_460 : vector<1x1x16xf32> to vector<16xf32>
          %swap3A_462 = vector.shape_cast %add3A_452 : vector<16xf32> to vector<1x1x16xf32>
          tpu.vector_store %arg13[%swap3A_457, %swap3A_458, %swap3A_459], %swap3A_462 {strides = array<i32>} : memref<2x128x128xf32, #tpu.memory_space<vmem>>, vector<1x1x16xf32>,
          %mul3A_463 = vector.broadcast %squeeze3A_410 : f32 to vector<16xf32>
          %mul3A_464 = arith.mulf %mul3A_463, %get3A_228 : vector<16xf32>
          %add3A_465 = arith.addf %mul3A_464, %get3A_260 : vector<16xf32>
          %mul3A_466 = arith.constant 16 : i32
          %mul3A_467 = arith.muli %scan3A_299, %mul3A_466 : i32
          %add3A_468 = arith.constant 1 : i32
          %add3A_469 = arith.addi %mul3A_467, %add3A_468 : i32
          %swap3A_470 = arith.index_cast %rem3A_200 : i32 to index
          %swap3A_471 = arith.index_cast %add3A_469 : i32 to index
          %swap3A_472 = arith.constant 64 : index
          %swap3A_473 = tpu.vector_load %arg13[%swap3A_470, %swap3A_471, %swap3A_472] {strides = array<i32>} : memref<2x128x128xf32, #tpu.memory_space<vmem>>, vector<1x1x16xf32>,
          %swap3A_474 = vector.shape_cast %swap3A_473 : vector<1x1x16xf32> to vector<16xf32>
          %swap3A_475 = vector.shape_cast %add3A_465 : vector<16xf32> to vector<1x1x16xf32>
          tpu.vector_store %arg13[%swap3A_470, %swap3A_471, %swap3A_472], %swap3A_475 {strides = array<i32>} : memref<2x128x128xf32, #tpu.memory_space<vmem>>, vector<1x1x16xf32>,
          %mul3A_476 = vector.broadcast %squeeze3A_410 : f32 to vector<16xf32>
          %mul3A_477 = arith.mulf %mul3A_476, %get3A_232 : vector<16xf32>
          %add3A_478 = arith.addf %mul3A_477, %get3A_264 : vector<16xf32>
          %mul3A_479 = arith.constant 16 : i32
          %mul3A_480 = arith.muli %scan3A_299, %mul3A_479 : i32
          %add3A_481 = arith.constant 1 : i32
          %add3A_482 = arith.addi %mul3A_480, %add3A_481 : i32
          %swap3A_483 = arith.index_cast %rem3A_200 : i32 to index
          %swap3A_484 = arith.index_cast %add3A_482 : i32 to index
          %swap3A_485 = arith.constant 80 : index
          %swap3A_486 = tpu.vector_load %arg13[%swap3A_483, %swap3A_484, %swap3A_485] {strides = array<i32>} : memref<2x128x128xf32, #tpu.memory_space<vmem>>, vector<1x1x16xf32>,
          %swap3A_487 = vector.shape_cast %swap3A_486 : vector<1x1x16xf32> to vector<16xf32>
          %swap3A_488 = vector.shape_cast %add3A_478 : vector<16xf32> to vector<1x1x16xf32>
          tpu.vector_store %arg13[%swap3A_483, %swap3A_484, %swap3A_485], %swap3A_488 {strides = array<i32>} : memref<2x128x128xf32, #tpu.memory_space<vmem>>, vector<1x1x16xf32>,
          %mul3A_489 = vector.broadcast %squeeze3A_410 : f32 to vector<16xf32>
          %mul3A_490 = arith.mulf %mul3A_489, %get3A_236 : vector<16xf32>
          %add3A_491 = arith.addf %mul3A_490, %get3A_268 : vector<16xf32>
          %mul3A_492 = arith.constant 16 : i32
          %mul3A_493 = arith.muli %scan3A_299, %mul3A_492 : i32
          %add3A_494 = arith.constant 1 : i32
          %add3A_495 = arith.addi %mul3A_493, %add3A_494 : i32
          %swap3A_496 = arith.index_cast %rem3A_200 : i32 to index
          %swap3A_497 = arith.index_cast %add3A_495 : i32 to index
          %swap3A_498 = arith.constant 96 : index
          %swap3A_499 = tpu.vector_load %arg13[%swap3A_496, %swap3A_497, %swap3A_498] {strides = array<i32>} : memref<2x128x128xf32, #tpu.memory_space<vmem>>, vector<1x1x16xf32>,
          %swap3A_500 = vector.shape_cast %swap3A_499 : vector<1x1x16xf32> to vector<16xf32>
          %swap3A_501 = vector.shape_cast %add3A_491 : vector<16xf32> to vector<1x1x16xf32>
          tpu.vector_store %arg13[%swap3A_496, %swap3A_497, %swap3A_498], %swap3A_501 {strides = array<i32>} : memref<2x128x128xf32, #tpu.memory_space<vmem>>, vector<1x1x16xf32>,
          %mul3A_502 = vector.broadcast %squeeze3A_410 : f32 to vector<16xf32>
          %mul3A_503 = arith.mulf %mul3A_502, %get3A_240 : vector<16xf32>
          %add3A_504 = arith.addf %mul3A_503, %get3A_272 : vector<16xf32>
          %mul3A_505 = arith.constant 16 : i32
          %mul3A_506 = arith.muli %scan3A_299, %mul3A_505 : i32
          %add3A_507 = arith.constant 1 : i32
          %add3A_508 = arith.addi %mul3A_506, %add3A_507 : i32
          %swap3A_509 = arith.index_cast %rem3A_200 : i32 to index
          %swap3A_510 = arith.index_cast %add3A_508 : i32 to index
          %swap3A_511 = arith.constant 112 : index
          %swap3A_512 = tpu.vector_load %arg13[%swap3A_509, %swap3A_510, %swap3A_511] {strides = array<i32>} : memref<2x128x128xf32, #tpu.memory_space<vmem>>, vector<1x1x16xf32>,
          %swap3A_513 = vector.shape_cast %swap3A_512 : vector<1x1x16xf32> to vector<16xf32>
          %swap3A_514 = vector.shape_cast %add3A_504 : vector<16xf32> to vector<1x1x16xf32>
          tpu.vector_store %arg13[%swap3A_509, %swap3A_510, %swap3A_511], %swap3A_514 {strides = array<i32>} : memref<2x128x128xf32, #tpu.memory_space<vmem>>, vector<1x1x16xf32>,
          %slice3A_515 = vector.extract_strided_slice %get3A_305 {offsets = [2], sizes = [1], strides = [1]} : vector<16xf32> to vector<1xf32>
          %squeeze3A_516 = vector.extract %slice3A_515[0] : f32 from vector<1xf32>
          %mul3A_517 = vector.broadcast %squeeze3A_516 : f32 to vector<16xf32>
          %mul3A_518 = arith.mulf %mul3A_517, %get3A_212 : vector<16xf32>
          %add3A_519 = arith.addf %mul3A_518, %get3A_244 : vector<16xf32>
          %mul3A_520 = arith.constant 16 : i32
          %mul3A_521 = arith.muli %scan3A_299, %mul3A_520 : i32
          %add3A_522 = arith.constant 2 : i32
          %add3A_523 = arith.addi %mul3A_521, %add3A_522 : i32
          %swap3A_524 = arith.index_cast %rem3A_200 : i32 to index
          %swap3A_525 = arith.index_cast %add3A_523 : i32 to index
          %swap3A_526 = arith.constant 0 : index
          %swap3A_527 = tpu.vector_load %arg13[%swap3A_524, %swap3A_525, %swap3A_526] {strides = array<i32>} : memref<2x128x128xf32, #tpu.memory_space<vmem>>, vector<1x1x16xf32>,
          %swap3A_528 = vector.shape_cast %swap3A_527 : vector<1x1x16xf32> to vector<16xf32>
          %swap3A_529 = vector.shape_cast %add3A_519 : vector<16xf32> to vector<1x1x16xf32>
          tpu.vector_store %arg13[%swap3A_524, %swap3A_525, %swap3A_526], %swap3A_529 {strides = array<i32>} : memref<2x128x128xf32, #tpu.memory_space<vmem>>, vector<1x1x16xf32>,
          %mul3A_530 = vector.broadcast %squeeze3A_516 : f32 to vector<16xf32>
          %mul3A_531 = arith.mulf %mul3A_530, %get3A_216 : vector<16xf32>
          %add3A_532 = arith.addf %mul3A_531, %get3A_248 : vector<16xf32>
          %mul3A_533 = arith.constant 16 : i32
          %mul3A_534 = arith.muli %scan3A_299, %mul3A_533 : i32
          %add3A_535 = arith.constant 2 : i32
          %add3A_536 = arith.addi %mul3A_534, %add3A_535 : i32
          %swap3A_537 = arith.index_cast %rem3A_200 : i32 to index
          %swap3A_538 = arith.index_cast %add3A_536 : i32 to index
          %swap3A_539 = arith.constant 16 : index
          %swap3A_540 = tpu.vector_load %arg13[%swap3A_537, %swap3A_538, %swap3A_539] {strides = array<i32>} : memref<2x128x128xf32, #tpu.memory_space<vmem>>, vector<1x1x16xf32>,
          %swap3A_541 = vector.shape_cast %swap3A_540 : vector<1x1x16xf32> to vector<16xf32>
          %swap3A_542 = vector.shape_cast %add3A_532 : vector<16xf32> to vector<1x1x16xf32>
          tpu.vector_store %arg13[%swap3A_537, %swap3A_538, %swap3A_539], %swap3A_542 {strides = array<i32>} : memref<2x128x128xf32, #tpu.memory_space<vmem>>, vector<1x1x16xf32>,
          %mul3A_543 = vector.broadcast %squeeze3A_516 : f32 to vector<16xf32>
          %mul3A_544 = arith.mulf %mul3A_543, %get3A_220 : vector<16xf32>
          %add3A_545 = arith.addf %mul3A_544, %get3A_252 : vector<16xf32>
          %mul3A_546 = arith.constant 16 : i32
          %mul3A_547 = arith.muli %scan3A_299, %mul3A_546 : i32
          %add3A_548 = arith.constant 2 : i32
          %add3A_549 = arith.addi %mul3A_547, %add3A_548 : i32
          %swap3A_550 = arith.index_cast %rem3A_200 : i32 to index
          %swap3A_551 = arith.index_cast %add3A_549 : i32 to index
          %swap3A_552 = arith.constant 32 : index
          %swap3A_553 = tpu.vector_load %arg13[%swap3A_550, %swap3A_551, %swap3A_552] {strides = array<i32>} : memref<2x128x128xf32, #tpu.memory_space<vmem>>, vector<1x1x16xf32>,
          %swap3A_554 = vector.shape_cast %swap3A_553 : vector<1x1x16xf32> to vector<16xf32>
          %swap3A_555 = vector.shape_cast %add3A_545 : vector<16xf32> to vector<1x1x16xf32>
          tpu.vector_store %arg13[%swap3A_550, %swap3A_551, %swap3A_552], %swap3A_555 {strides = array<i32>} : memref<2x128x128xf32, #tpu.memory_space<vmem>>, vector<1x1x16xf32>,
          %mul3A_556 = vector.broadcast %squeeze3A_516 : f32 to vector<16xf32>
          %mul3A_557 = arith.mulf %mul3A_556, %get3A_224 : vector<16xf32>
          %add3A_558 = arith.addf %mul3A_557, %get3A_256 : vector<16xf32>
          %mul3A_559 = arith.constant 16 : i32
          %mul3A_560 = arith.muli %scan3A_299, %mul3A_559 : i32
          %add3A_561 = arith.constant 2 : i32
          %add3A_562 = arith.addi %mul3A_560, %add3A_561 : i32
          %swap3A_563 = arith.index_cast %rem3A_200 : i32 to index
          %swap3A_564 = arith.index_cast %add3A_562 : i32 to index
          %swap3A_565 = arith.constant 48 : index
          %swap3A_566 = tpu.vector_load %arg13[%swap3A_563, %swap3A_564, %swap3A_565] {strides = array<i32>} : memref<2x128x128xf32, #tpu.memory_space<vmem>>, vector<1x1x16xf32>,
          %swap3A_567 = vector.shape_cast %swap3A_566 : vector<1x1x16xf32> to vector<16xf32>
          %swap3A_568 = vector.shape_cast %add3A_558 : vector<16xf32> to vector<1x1x16xf32>
          tpu.vector_store %arg13[%swap3A_563, %swap3A_564, %swap3A_565], %swap3A_568 {strides = array<i32>} : memref<2x128x128xf32, #tpu.memory_space<vmem>>, vector<1x1x16xf32>,
          %mul3A_569 = vector.broadcast %squeeze3A_516 : f32 to vector<16xf32>
          %mul3A_570 = arith.mulf %mul3A_569, %get3A_228 : vector<16xf32>
          %add3A_571 = arith.addf %mul3A_570, %get3A_260 : vector<16xf32>
          %mul3A_572 = arith.constant 16 : i32
          %mul3A_573 = arith.muli %scan3A_299, %mul3A_572 : i32
          %add3A_574 = arith.constant 2 : i32
          %add3A_575 = arith.addi %mul3A_573, %add3A_574 : i32
          %swap3A_576 = arith.index_cast %rem3A_200 : i32 to index
          %swap3A_577 = arith.index_cast %add3A_575 : i32 to index
          %swap3A_578 = arith.constant 64 : index
          %swap3A_579 = tpu.vector_load %arg13[%swap3A_576, %swap3A_577, %swap3A_578] {strides = array<i32>} : memref<2x128x128xf32, #tpu.memory_space<vmem>>, vector<1x1x16xf32>,
          %swap3A_580 = vector.shape_cast %swap3A_579 : vector<1x1x16xf32> to vector<16xf32>
          %swap3A_581 = vector.shape_cast %add3A_571 : vector<16xf32> to vector<1x1x16xf32>
          tpu.vector_store %arg13[%swap3A_576, %swap3A_577, %swap3A_578], %swap3A_581 {strides = array<i32>} : memref<2x128x128xf32, #tpu.memory_space<vmem>>, vector<1x1x16xf32>,
          %mul3A_582 = vector.broadcast %squeeze3A_516 : f32 to vector<16xf32>
          %mul3A_583 = arith.mulf %mul3A_582, %get3A_232 : vector<16xf32>
          %add3A_584 = arith.addf %mul3A_583, %get3A_264 : vector<16xf32>
          %mul3A_585 = arith.constant 16 : i32
          %mul3A_586 = arith.muli %scan3A_299, %mul3A_585 : i32
          %add3A_587 = arith.constant 2 : i32
          %add3A_588 = arith.addi %mul3A_586, %add3A_587 : i32
          %swap3A_589 = arith.index_cast %rem3A_200 : i32 to index
          %swap3A_590 = arith.index_cast %add3A_588 : i32 to index
          %swap3A_591 = arith.constant 80 : index
          %swap3A_592 = tpu.vector_load %arg13[%swap3A_589, %swap3A_590, %swap3A_591] {strides = array<i32>} : memref<2x128x128xf32, #tpu.memory_space<vmem>>, vector<1x1x16xf32>,
          %swap3A_593 = vector.shape_cast %swap3A_592 : vector<1x1x16xf32> to vector<16xf32>
          %swap3A_594 = vector.shape_cast %add3A_584 : vector<16xf32> to vector<1x1x16xf32>
          tpu.vector_store %arg13[%swap3A_589, %swap3A_590, %swap3A_591], %swap3A_594 {strides = array<i32>} : memref<2x128x128xf32, #tpu.memory_space<vmem>>, vector<1x1x16xf32>,
          %mul3A_595 = vector.broadcast %squeeze3A_516 : f32 to vector<16xf32>
          %mul3A_596 = arith.mulf %mul3A_595, %get3A_236 : vector<16xf32>
          %add3A_597 = arith.addf %mul3A_596, %get3A_268 : vector<16xf32>
          %mul3A_598 = arith.constant 16 : i32
          %mul3A_599 = arith.muli %scan3A_299, %mul3A_598 : i32
          %add3A_600 = arith.constant 2 : i32
          %add3A_601 = arith.addi %mul3A_599, %add3A_600 : i32
          %swap3A_602 = arith.index_cast %rem3A_200 : i32 to index
          %swap3A_603 = arith.index_cast %add3A_601 : i32 to index
          %swap3A_604 = arith.constant 96 : index
          %swap3A_605 = tpu.vector_load %arg13[%swap3A_602, %swap3A_603, %swap3A_604] {strides = array<i32>} : memref<2x128x128xf32, #tpu.memory_space<vmem>>, vector<1x1x16xf32>,
          %swap3A_606 = vector.shape_cast %swap3A_605 : vector<1x1x16xf32> to vector<16xf32>
          %swap3A_607 = vector.shape_cast %add3A_597 : vector<16xf32> to vector<1x1x16xf32>
          tpu.vector_store %arg13[%swap3A_602, %swap3A_603, %swap3A_604], %swap3A_607 {strides = array<i32>} : memref<2x128x128xf32, #tpu.memory_space<vmem>>, vector<1x1x16xf32>,
          %mul3A_608 = vector.broadcast %squeeze3A_516 : f32 to vector<16xf32>
          %mul3A_609 = arith.mulf %mul3A_608, %get3A_240 : vector<16xf32>
          %add3A_610 = arith.addf %mul3A_609, %get3A_272 : vector<16xf32>
          %mul3A_611 = arith.constant 16 : i32
          %mul3A_612 = arith.muli %scan3A_299, %mul3A_611 : i32
          %add3A_613 = arith.constant 2 : i32
          %add3A_614 = arith.addi %mul3A_612, %add3A_613 : i32
          %swap3A_615 = arith.index_cast %rem3A_200 : i32 to index
          %swap3A_616 = arith.index_cast %add3A_614 : i32 to index
          %swap3A_617 = arith.constant 112 : index
          %swap3A_618 = tpu.vector_load %arg13[%swap3A_615, %swap3A_616, %swap3A_617] {strides = array<i32>} : memref<2x128x128xf32, #tpu.memory_space<vmem>>, vector<1x1x16xf32>,
          %swap3A_619 = vector.shape_cast %swap3A_618 : vector<1x1x16xf32> to vector<16xf32>
          %swap3A_620 = vector.shape_cast %add3A_610 : vector<16xf32> to vector<1x1x16xf32>
          tpu.vector_store %arg13[%swap3A_615, %swap3A_616, %swap3A_617], %swap3A_620 {strides = array<i32>} : memref<2x128x128xf32, #tpu.memory_space<vmem>>, vector<1x1x16xf32>,
          %slice3A_621 = vector.extract_strided_slice %get3A_305 {offsets = [3], sizes = [1], strides = [1]} : vector<16xf32> to vector<1xf32>
          %squeeze3A_622 = vector.extract %slice3A_621[0] : f32 from vector<1xf32>
          %mul3A_623 = vector.broadcast %squeeze3A_622 : f32 to vector<16xf32>
          %mul3A_624 = arith.mulf %mul3A_623, %get3A_212 : vector<16xf32>
          %add3A_625 = arith.addf %mul3A_624, %get3A_244 : vector<16xf32>
          %mul3A_626 = arith.constant 16 : i32
          %mul3A_627 = arith.muli %scan3A_299, %mul3A_626 : i32
          %add3A_628 = arith.constant 3 : i32
          %add3A_629 = arith.addi %mul3A_627, %add3A_628 : i32
          %swap3A_630 = arith.index_cast %rem3A_200 : i32 to index
          %swap3A_631 = arith.index_cast %add3A_629 : i32 to index
          %swap3A_632 = arith.constant 0 : index
          %swap3A_633 = tpu.vector_load %arg13[%swap3A_630, %swap3A_631, %swap3A_632] {strides = array<i32>} : memref<2x128x128xf32, #tpu.memory_space<vmem>>, vector<1x1x16xf32>,
          %swap3A_634 = vector.shape_cast %swap3A_633 : vector<1x1x16xf32> to vector<16xf32>
          %swap3A_635 = vector.shape_cast %add3A_625 : vector<16xf32> to vector<1x1x16xf32>
          tpu.vector_store %arg13[%swap3A_630, %swap3A_631, %swap3A_632], %swap3A_635 {strides = array<i32>} : memref<2x128x128xf32, #tpu.memory_space<vmem>>, vector<1x1x16xf32>,
          %mul3A_636 = vector.broadcast %squeeze3A_622 : f32 to vector<16xf32>
          %mul3A_637 = arith.mulf %mul3A_636, %get3A_216 : vector<16xf32>
          %add3A_638 = arith.addf %mul3A_637, %get3A_248 : vector<16xf32>
          %mul3A_639 = arith.constant 16 : i32
          %mul3A_640 = arith.muli %scan3A_299, %mul3A_639 : i32
          %add3A_641 = arith.constant 3 : i32
          %add3A_642 = arith.addi %mul3A_640, %add3A_641 : i32
          %swap3A_643 = arith.index_cast %rem3A_200 : i32 to index
          %swap3A_644 = arith.index_cast %add3A_642 : i32 to index
          %swap3A_645 = arith.constant 16 : index
          %swap3A_646 = tpu.vector_load %arg13[%swap3A_643, %swap3A_644, %swap3A_645] {strides = array<i32>} : memref<2x128x128xf32, #tpu.memory_space<vmem>>, vector<1x1x16xf32>,
          %swap3A_647 = vector.shape_cast %swap3A_646 : vector<1x1x16xf32> to vector<16xf32>
          %swap3A_648 = vector.shape_cast %add3A_638 : vector<16xf32> to vector<1x1x16xf32>
          tpu.vector_store %arg13[%swap3A_643, %swap3A_644, %swap3A_645], %swap3A_648 {strides = array<i32>} : memref<2x128x128xf32, #tpu.memory_space<vmem>>, vector<1x1x16xf32>,
          %mul3A_649 = vector.broadcast %squeeze3A_622 : f32 to vector<16xf32>
          %mul3A_650 = arith.mulf %mul3A_649, %get3A_220 : vector<16xf32>
          %add3A_651 = arith.addf %mul3A_650, %get3A_252 : vector<16xf32>
          %mul3A_652 = arith.constant 16 : i32
          %mul3A_653 = arith.muli %scan3A_299, %mul3A_652 : i32
          %add3A_654 = arith.constant 3 : i32
          %add3A_655 = arith.addi %mul3A_653, %add3A_654 : i32
          %swap3A_656 = arith.index_cast %rem3A_200 : i32 to index
          %swap3A_657 = arith.index_cast %add3A_655 : i32 to index
          %swap3A_658 = arith.constant 32 : index
          %swap3A_659 = tpu.vector_load %arg13[%swap3A_656, %swap3A_657, %swap3A_658] {strides = array<i32>} : memref<2x128x128xf32, #tpu.memory_space<vmem>>, vector<1x1x16xf32>,
          %swap3A_660 = vector.shape_cast %swap3A_659 : vector<1x1x16xf32> to vector<16xf32>
          %swap3A_661 = vector.shape_cast %add3A_651 : vector<16xf32> to vector<1x1x16xf32>
          tpu.vector_store %arg13[%swap3A_656, %swap3A_657, %swap3A_658], %swap3A_661 {strides = array<i32>} : memref<2x128x128xf32, #tpu.memory_space<vmem>>, vector<1x1x16xf32>,
          %mul3A_662 = vector.broadcast %squeeze3A_622 : f32 to vector<16xf32>
          %mul3A_663 = arith.mulf %mul3A_662, %get3A_224 : vector<16xf32>
          %add3A_664 = arith.addf %mul3A_663, %get3A_256 : vector<16xf32>
          %mul3A_665 = arith.constant 16 : i32
          %mul3A_666 = arith.muli %scan3A_299, %mul3A_665 : i32
          %add3A_667 = arith.constant 3 : i32
          %add3A_668 = arith.addi %mul3A_666, %add3A_667 : i32
          %swap3A_669 = arith.index_cast %rem3A_200 : i32 to index
          %swap3A_670 = arith.index_cast %add3A_668 : i32 to index
          %swap3A_671 = arith.constant 48 : index
          %swap3A_672 = tpu.vector_load %arg13[%swap3A_669, %swap3A_670, %swap3A_671] {strides = array<i32>} : memref<2x128x128xf32, #tpu.memory_space<vmem>>, vector<1x1x16xf32>,
          %swap3A_673 = vector.shape_cast %swap3A_672 : vector<1x1x16xf32> to vector<16xf32>
          %swap3A_674 = vector.shape_cast %add3A_664 : vector<16xf32> to vector<1x1x16xf32>
          tpu.vector_store %arg13[%swap3A_669, %swap3A_670, %swap3A_671], %swap3A_674 {strides = array<i32>} : memref<2x128x128xf32, #tpu.memory_space<vmem>>, vector<1x1x16xf32>,
          %mul3A_675 = vector.broadcast %squeeze3A_622 : f32 to vector<16xf32>
          %mul3A_676 = arith.mulf %mul3A_675, %get3A_228 : vector<16xf32>
          %add3A_677 = arith.addf %mul3A_676, %get3A_260 : vector<16xf32>
          %mul3A_678 = arith.constant 16 : i32
          %mul3A_679 = arith.muli %scan3A_299, %mul3A_678 : i32
          %add3A_680 = arith.constant 3 : i32
          %add3A_681 = arith.addi %mul3A_679, %add3A_680 : i32
          %swap3A_682 = arith.index_cast %rem3A_200 : i32 to index
          %swap3A_683 = arith.index_cast %add3A_681 : i32 to index
          %swap3A_684 = arith.constant 64 : index
          %swap3A_685 = tpu.vector_load %arg13[%swap3A_682, %swap3A_683, %swap3A_684] {strides = array<i32>} : memref<2x128x128xf32, #tpu.memory_space<vmem>>, vector<1x1x16xf32>,
          %swap3A_686 = vector.shape_cast %swap3A_685 : vector<1x1x16xf32> to vector<16xf32>
          %swap3A_687 = vector.shape_cast %add3A_677 : vector<16xf32> to vector<1x1x16xf32>
          tpu.vector_store %arg13[%swap3A_682, %swap3A_683, %swap3A_684], %swap3A_687 {strides = array<i32>} : memref<2x128x128xf32, #tpu.memory_space<vmem>>, vector<1x1x16xf32>,
          %mul3A_688 = vector.broadcast %squeeze3A_622 : f32 to vector<16xf32>
          %mul3A_689 = arith.mulf %mul3A_688, %get3A_232 : vector<16xf32>
          %add3A_690 = arith.addf %mul3A_689, %get3A_264 : vector<16xf32>
          %mul3A_691 = arith.constant 16 : i32
          %mul3A_692 = arith.muli %scan3A_299, %mul3A_691 : i32
          %add3A_693 = arith.constant 3 : i32
          %add3A_694 = arith.addi %mul3A_692, %add3A_693 : i32
          %swap3A_695 = arith.index_cast %rem3A_200 : i32 to index
          %swap3A_696 = arith.index_cast %add3A_694 : i32 to index
          %swap3A_697 = arith.constant 80 : index
          %swap3A_698 = tpu.vector_load %arg13[%swap3A_695, %swap3A_696, %swap3A_697] {strides = array<i32>} : memref<2x128x128xf32, #tpu.memory_space<vmem>>, vector<1x1x16xf32>,
          %swap3A_699 = vector.shape_cast %swap3A_698 : vector<1x1x16xf32> to vector<16xf32>
          %swap3A_700 = vector.shape_cast %add3A_690 : vector<16xf32> to vector<1x1x16xf32>
          tpu.vector_store %arg13[%swap3A_695, %swap3A_696, %swap3A_697], %swap3A_700 {strides = array<i32>} : memref<2x128x128xf32, #tpu.memory_space<vmem>>, vector<1x1x16xf32>,
          %mul3A_701 = vector.broadcast %squeeze3A_622 : f32 to vector<16xf32>
          %mul3A_702 = arith.mulf %mul3A_701, %get3A_236 : vector<16xf32>
          %add3A_703 = arith.addf %mul3A_702, %get3A_268 : vector<16xf32>
          %mul3A_704 = arith.constant 16 : i32
          %mul3A_705 = arith.muli %scan3A_299, %mul3A_704 : i32
          %add3A_706 = arith.constant 3 : i32
          %add3A_707 = arith.addi %mul3A_705, %add3A_706 : i32
          %swap3A_708 = arith.index_cast %rem3A_200 : i32 to index
          %swap3A_709 = arith.index_cast %add3A_707 : i32 to index
          %swap3A_710 = arith.constant 96 : index
          %swap3A_711 = tpu.vector_load %arg13[%swap3A_708, %swap3A_709, %swap3A_710] {strides = array<i32>} : memref<2x128x128xf32, #tpu.memory_space<vmem>>, vector<1x1x16xf32>,
          %swap3A_712 = vector.shape_cast %swap3A_711 : vector<1x1x16xf32> to vector<16xf32>
          %swap3A_713 = vector.shape_cast %add3A_703 : vector<16xf32> to vector<1x1x16xf32>
          tpu.vector_store %arg13[%swap3A_708, %swap3A_709, %swap3A_710], %swap3A_713 {strides = array<i32>} : memref<2x128x128xf32, #tpu.memory_space<vmem>>, vector<1x1x16xf32>,
          %mul3A_714 = vector.broadcast %squeeze3A_622 : f32 to vector<16xf32>
          %mul3A_715 = arith.mulf %mul3A_714, %get3A_240 : vector<16xf32>
          %add3A_716 = arith.addf %mul3A_715, %get3A_272 : vector<16xf32>
          %mul3A_717 = arith.constant 16 : i32
          %mul3A_718 = arith.muli %scan3A_299, %mul3A_717 : i32
          %add3A_719 = arith.constant 3 : i32
          %add3A_720 = arith.addi %mul3A_718, %add3A_719 : i32
          %swap3A_721 = arith.index_cast %rem3A_200 : i32 to index
          %swap3A_722 = arith.index_cast %add3A_720 : i32 to index
          %swap3A_723 = arith.constant 112 : index
          %swap3A_724 = tpu.vector_load %arg13[%swap3A_721, %swap3A_722, %swap3A_723] {strides = array<i32>} : memref<2x128x128xf32, #tpu.memory_space<vmem>>, vector<1x1x16xf32>,
          %swap3A_725 = vector.shape_cast %swap3A_724 : vector<1x1x16xf32> to vector<16xf32>
          %swap3A_726 = vector.shape_cast %add3A_716 : vector<16xf32> to vector<1x1x16xf32>
          tpu.vector_store %arg13[%swap3A_721, %swap3A_722, %swap3A_723], %swap3A_726 {strides = array<i32>} : memref<2x128x128xf32, #tpu.memory_space<vmem>>, vector<1x1x16xf32>,
          %slice3A_727 = vector.extract_strided_slice %get3A_305 {offsets = [4], sizes = [1], strides = [1]} : vector<16xf32> to vector<1xf32>
          %squeeze3A_728 = vector.extract %slice3A_727[0] : f32 from vector<1xf32>
          %mul3A_729 = vector.broadcast %squeeze3A_728 : f32 to vector<16xf32>
          %mul3A_730 = arith.mulf %mul3A_729, %get3A_212 : vector<16xf32>
          %add3A_731 = arith.addf %mul3A_730, %get3A_244 : vector<16xf32>
          %mul3A_732 = arith.constant 16 : i32
          %mul3A_733 = arith.muli %scan3A_299, %mul3A_732 : i32
          %add3A_734 = arith.constant 4 : i32
          %add3A_735 = arith.addi %mul3A_733, %add3A_734 : i32
          %swap3A_736 = arith.index_cast %rem3A_200 : i32 to index
          %swap3A_737 = arith.index_cast %add3A_735 : i32 to index
          %swap3A_738 = arith.constant 0 : index
          %swap3A_739 = tpu.vector_load %arg13[%swap3A_736, %swap3A_737, %swap3A_738] {strides = array<i32>} : memref<2x128x128xf32, #tpu.memory_space<vmem>>, vector<1x1x16xf32>,
          %swap3A_740 = vector.shape_cast %swap3A_739 : vector<1x1x16xf32> to vector<16xf32>
          %swap3A_741 = vector.shape_cast %add3A_731 : vector<16xf32> to vector<1x1x16xf32>
          tpu.vector_store %arg13[%swap3A_736, %swap3A_737, %swap3A_738], %swap3A_741 {strides = array<i32>} : memref<2x128x128xf32, #tpu.memory_space<vmem>>, vector<1x1x16xf32>,
          %mul3A_742 = vector.broadcast %squeeze3A_728 : f32 to vector<16xf32>
          %mul3A_743 = arith.mulf %mul3A_742, %get3A_216 : vector<16xf32>
          %add3A_744 = arith.addf %mul3A_743, %get3A_248 : vector<16xf32>
          %mul3A_745 = arith.constant 16 : i32
          %mul3A_746 = arith.muli %scan3A_299, %mul3A_745 : i32
          %add3A_747 = arith.constant 4 : i32
          %add3A_748 = arith.addi %mul3A_746, %add3A_747 : i32
          %swap3A_749 = arith.index_cast %rem3A_200 : i32 to index
          %swap3A_750 = arith.index_cast %add3A_748 : i32 to index
          %swap3A_751 = arith.constant 16 : index
          %swap3A_752 = tpu.vector_load %arg13[%swap3A_749, %swap3A_750, %swap3A_751] {strides = array<i32>} : memref<2x128x128xf32, #tpu.memory_space<vmem>>, vector<1x1x16xf32>,
          %swap3A_753 = vector.shape_cast %swap3A_752 : vector<1x1x16xf32> to vector<16xf32>
          %swap3A_754 = vector.shape_cast %add3A_744 : vector<16xf32> to vector<1x1x16xf32>
          tpu.vector_store %arg13[%swap3A_749, %swap3A_750, %swap3A_751], %swap3A_754 {strides = array<i32>} : memref<2x128x128xf32, #tpu.memory_space<vmem>>, vector<1x1x16xf32>,
          %mul3A_755 = vector.broadcast %squeeze3A_728 : f32 to vector<16xf32>
          %mul3A_756 = arith.mulf %mul3A_755, %get3A_220 : vector<16xf32>
          %add3A_757 = arith.addf %mul3A_756, %get3A_252 : vector<16xf32>
          %mul3A_758 = arith.constant 16 : i32
          %mul3A_759 = arith.muli %scan3A_299, %mul3A_758 : i32
          %add3A_760 = arith.constant 4 : i32
          %add3A_761 = arith.addi %mul3A_759, %add3A_760 : i32
          %swap3A_762 = arith.index_cast %rem3A_200 : i32 to index
          %swap3A_763 = arith.index_cast %add3A_761 : i32 to index
          %swap3A_764 = arith.constant 32 : index
          %swap3A_765 = tpu.vector_load %arg13[%swap3A_762, %swap3A_763, %swap3A_764] {strides = array<i32>} : memref<2x128x128xf32, #tpu.memory_space<vmem>>, vector<1x1x16xf32>,
          %swap3A_766 = vector.shape_cast %swap3A_765 : vector<1x1x16xf32> to vector<16xf32>
          %swap3A_767 = vector.shape_cast %add3A_757 : vector<16xf32> to vector<1x1x16xf32>
          tpu.vector_store %arg13[%swap3A_762, %swap3A_763, %swap3A_764], %swap3A_767 {strides = array<i32>} : memref<2x128x128xf32, #tpu.memory_space<vmem>>, vector<1x1x16xf32>,
          %mul3A_768 = vector.broadcast %squeeze3A_728 : f32 to vector<16xf32>
          %mul3A_769 = arith.mulf %mul3A_768, %get3A_224 : vector<16xf32>
          %add3A_770 = arith.addf %mul3A_769, %get3A_256 : vector<16xf32>
          %mul3A_771 = arith.constant 16 : i32
          %mul3A_772 = arith.muli %scan3A_299, %mul3A_771 : i32
          %add3A_773 = arith.constant 4 : i32
          %add3A_774 = arith.addi %mul3A_772, %add3A_773 : i32
          %swap3A_775 = arith.index_cast %rem3A_200 : i32 to index
          %swap3A_776 = arith.index_cast %add3A_774 : i32 to index
          %swap3A_777 = arith.constant 48 : index
          %swap3A_778 = tpu.vector_load %arg13[%swap3A_775, %swap3A_776, %swap3A_777] {strides = array<i32>} : memref<2x128x128xf32, #tpu.memory_space<vmem>>, vector<1x1x16xf32>,
          %swap3A_779 = vector.shape_cast %swap3A_778 : vector<1x1x16xf32> to vector<16xf32>
          %swap3A_780 = vector.shape_cast %add3A_770 : vector<16xf32> to vector<1x1x16xf32>
          tpu.vector_store %arg13[%swap3A_775, %swap3A_776, %swap3A_777], %swap3A_780 {strides = array<i32>} : memref<2x128x128xf32, #tpu.memory_space<vmem>>, vector<1x1x16xf32>,
          %mul3A_781 = vector.broadcast %squeeze3A_728 : f32 to vector<16xf32>
          %mul3A_782 = arith.mulf %mul3A_781, %get3A_228 : vector<16xf32>
          %add3A_783 = arith.addf %mul3A_782, %get3A_260 : vector<16xf32>
          %mul3A_784 = arith.constant 16 : i32
          %mul3A_785 = arith.muli %scan3A_299, %mul3A_784 : i32
          %add3A_786 = arith.constant 4 : i32
          %add3A_787 = arith.addi %mul3A_785, %add3A_786 : i32
          %swap3A_788 = arith.index_cast %rem3A_200 : i32 to index
          %swap3A_789 = arith.index_cast %add3A_787 : i32 to index
          %swap3A_790 = arith.constant 64 : index
          %swap3A_791 = tpu.vector_load %arg13[%swap3A_788, %swap3A_789, %swap3A_790] {strides = array<i32>} : memref<2x128x128xf32, #tpu.memory_space<vmem>>, vector<1x1x16xf32>,
          %swap3A_792 = vector.shape_cast %swap3A_791 : vector<1x1x16xf32> to vector<16xf32>
          %swap3A_793 = vector.shape_cast %add3A_783 : vector<16xf32> to vector<1x1x16xf32>
          tpu.vector_store %arg13[%swap3A_788, %swap3A_789, %swap3A_790], %swap3A_793 {strides = array<i32>} : memref<2x128x128xf32, #tpu.memory_space<vmem>>, vector<1x1x16xf32>,
          %mul3A_794 = vector.broadcast %squeeze3A_728 : f32 to vector<16xf32>
          %mul3A_795 = arith.mulf %mul3A_794, %get3A_232 : vector<16xf32>
          %add3A_796 = arith.addf %mul3A_795, %get3A_264 : vector<16xf32>
          %mul3A_797 = arith.constant 16 : i32
          %mul3A_798 = arith.muli %scan3A_299, %mul3A_797 : i32
          %add3A_799 = arith.constant 4 : i32
          %add3A_800 = arith.addi %mul3A_798, %add3A_799 : i32
          %swap3A_801 = arith.index_cast %rem3A_200 : i32 to index
          %swap3A_802 = arith.index_cast %add3A_800 : i32 to index
          %swap3A_803 = arith.constant 80 : index
          %swap3A_804 = tpu.vector_load %arg13[%swap3A_801, %swap3A_802, %swap3A_803] {strides = array<i32>} : memref<2x128x128xf32, #tpu.memory_space<vmem>>, vector<1x1x16xf32>,
          %swap3A_805 = vector.shape_cast %swap3A_804 : vector<1x1x16xf32> to vector<16xf32>
          %swap3A_806 = vector.shape_cast %add3A_796 : vector<16xf32> to vector<1x1x16xf32>
          tpu.vector_store %arg13[%swap3A_801, %swap3A_802, %swap3A_803], %swap3A_806 {strides = array<i32>} : memref<2x128x128xf32, #tpu.memory_space<vmem>>, vector<1x1x16xf32>,
          %mul3A_807 = vector.broadcast %squeeze3A_728 : f32 to vector<16xf32>
          %mul3A_808 = arith.mulf %mul3A_807, %get3A_236 : vector<16xf32>
          %add3A_809 = arith.addf %mul3A_808, %get3A_268 : vector<16xf32>
          %mul3A_810 = arith.constant 16 : i32
          %mul3A_811 = arith.muli %scan3A_299, %mul3A_810 : i32
          %add3A_812 = arith.constant 4 : i32
          %add3A_813 = arith.addi %mul3A_811, %add3A_812 : i32
          %swap3A_814 = arith.index_cast %rem3A_200 : i32 to index
          %swap3A_815 = arith.index_cast %add3A_813 : i32 to index
          %swap3A_816 = arith.constant 96 : index
          %swap3A_817 = tpu.vector_load %arg13[%swap3A_814, %swap3A_815, %swap3A_816] {strides = array<i32>} : memref<2x128x128xf32, #tpu.memory_space<vmem>>, vector<1x1x16xf32>,
          %swap3A_818 = vector.shape_cast %swap3A_817 : vector<1x1x16xf32> to vector<16xf32>
          %swap3A_819 = vector.shape_cast %add3A_809 : vector<16xf32> to vector<1x1x16xf32>
          tpu.vector_store %arg13[%swap3A_814, %swap3A_815, %swap3A_816], %swap3A_819 {strides = array<i32>} : memref<2x128x128xf32, #tpu.memory_space<vmem>>, vector<1x1x16xf32>,
          %mul3A_820 = vector.broadcast %squeeze3A_728 : f32 to vector<16xf32>
          %mul3A_821 = arith.mulf %mul3A_820, %get3A_240 : vector<16xf32>
          %add3A_822 = arith.addf %mul3A_821, %get3A_272 : vector<16xf32>
          %mul3A_823 = arith.constant 16 : i32
          %mul3A_824 = arith.muli %scan3A_299, %mul3A_823 : i32
          %add3A_825 = arith.constant 4 : i32
          %add3A_826 = arith.addi %mul3A_824, %add3A_825 : i32
          %swap3A_827 = arith.index_cast %rem3A_200 : i32 to index
          %swap3A_828 = arith.index_cast %add3A_826 : i32 to index
          %swap3A_829 = arith.constant 112 : index
          %swap3A_830 = tpu.vector_load %arg13[%swap3A_827, %swap3A_828, %swap3A_829] {strides = array<i32>} : memref<2x128x128xf32, #tpu.memory_space<vmem>>, vector<1x1x16xf32>,
          %swap3A_831 = vector.shape_cast %swap3A_830 : vector<1x1x16xf32> to vector<16xf32>
          %swap3A_832 = vector.shape_cast %add3A_822 : vector<16xf32> to vector<1x1x16xf32>
          tpu.vector_store %arg13[%swap3A_827, %swap3A_828, %swap3A_829], %swap3A_832 {strides = array<i32>} : memref<2x128x128xf32, #tpu.memory_space<vmem>>, vector<1x1x16xf32>,
          %slice3A_833 = vector.extract_strided_slice %get3A_305 {offsets = [5], sizes = [1], strides = [1]} : vector<16xf32> to vector<1xf32>
          %squeeze3A_834 = vector.extract %slice3A_833[0] : f32 from vector<1xf32>
          %mul3A_835 = vector.broadcast %squeeze3A_834 : f32 to vector<16xf32>
          %mul3A_836 = arith.mulf %mul3A_835, %get3A_212 : vector<16xf32>
          %add3A_837 = arith.addf %mul3A_836, %get3A_244 : vector<16xf32>
          %mul3A_838 = arith.constant 16 : i32
          %mul3A_839 = arith.muli %scan3A_299, %mul3A_838 : i32
          %add3A_840 = arith.constant 5 : i32
          %add3A_841 = arith.addi %mul3A_839, %add3A_840 : i32
          %swap3A_842 = arith.index_cast %rem3A_200 : i32 to index
          %swap3A_843 = arith.index_cast %add3A_841 : i32 to index
          %swap3A_844 = arith.constant 0 : index
          %swap3A_845 = tpu.vector_load %arg13[%swap3A_842, %swap3A_843, %swap3A_844] {strides = array<i32>} : memref<2x128x128xf32, #tpu.memory_space<vmem>>, vector<1x1x16xf32>,
          %swap3A_846 = vector.shape_cast %swap3A_845 : vector<1x1x16xf32> to vector<16xf32>
          %swap3A_847 = vector.shape_cast %add3A_837 : vector<16xf32> to vector<1x1x16xf32>
          tpu.vector_store %arg13[%swap3A_842, %swap3A_843, %swap3A_844], %swap3A_847 {strides = array<i32>} : memref<2x128x128xf32, #tpu.memory_space<vmem>>, vector<1x1x16xf32>,
          %mul3A_848 = vector.broadcast %squeeze3A_834 : f32 to vector<16xf32>
          %mul3A_849 = arith.mulf %mul3A_848, %get3A_216 : vector<16xf32>
          %add3A_850 = arith.addf %mul3A_849, %get3A_248 : vector<16xf32>
          %mul3A_851 = arith.constant 16 : i32
          %mul3A_852 = arith.muli %scan3A_299, %mul3A_851 : i32
          %add3A_853 = arith.constant 5 : i32
          %add3A_854 = arith.addi %mul3A_852, %add3A_853 : i32
          %swap3A_855 = arith.index_cast %rem3A_200 : i32 to index
          %swap3A_856 = arith.index_cast %add3A_854 : i32 to index
          %swap3A_857 = arith.constant 16 : index
          %swap3A_858 = tpu.vector_load %arg13[%swap3A_855, %swap3A_856, %swap3A_857] {strides = array<i32>} : memref<2x128x128xf32, #tpu.memory_space<vmem>>, vector<1x1x16xf32>,
          %swap3A_859 = vector.shape_cast %swap3A_858 : vector<1x1x16xf32> to vector<16xf32>
          %swap3A_860 = vector.shape_cast %add3A_850 : vector<16xf32> to vector<1x1x16xf32>
          tpu.vector_store %arg13[%swap3A_855, %swap3A_856, %swap3A_857], %swap3A_860 {strides = array<i32>} : memref<2x128x128xf32, #tpu.memory_space<vmem>>, vector<1x1x16xf32>,
          %mul3A_861 = vector.broadcast %squeeze3A_834 : f32 to vector<16xf32>
          %mul3A_862 = arith.mulf %mul3A_861, %get3A_220 : vector<16xf32>
          %add3A_863 = arith.addf %mul3A_862, %get3A_252 : vector<16xf32>
          %mul3A_864 = arith.constant 16 : i32
          %mul3A_865 = arith.muli %scan3A_299, %mul3A_864 : i32
          %add3A_866 = arith.constant 5 : i32
          %add3A_867 = arith.addi %mul3A_865, %add3A_866 : i32
          %swap3A_868 = arith.index_cast %rem3A_200 : i32 to index
          %swap3A_869 = arith.index_cast %add3A_867 : i32 to index
          %swap3A_870 = arith.constant 32 : index
          %swap3A_871 = tpu.vector_load %arg13[%swap3A_868, %swap3A_869, %swap3A_870] {strides = array<i32>} : memref<2x128x128xf32, #tpu.memory_space<vmem>>, vector<1x1x16xf32>,
          %swap3A_872 = vector.shape_cast %swap3A_871 : vector<1x1x16xf32> to vector<16xf32>
          %swap3A_873 = vector.shape_cast %add3A_863 : vector<16xf32> to vector<1x1x16xf32>
          tpu.vector_store %arg13[%swap3A_868, %swap3A_869, %swap3A_870], %swap3A_873 {strides = array<i32>} : memref<2x128x128xf32, #tpu.memory_space<vmem>>, vector<1x1x16xf32>,
          %mul3A_874 = vector.broadcast %squeeze3A_834 : f32 to vector<16xf32>
          %mul3A_875 = arith.mulf %mul3A_874, %get3A_224 : vector<16xf32>
          %add3A_876 = arith.addf %mul3A_875, %get3A_256 : vector<16xf32>
          %mul3A_877 = arith.constant 16 : i32
          %mul3A_878 = arith.muli %scan3A_299, %mul3A_877 : i32
          %add3A_879 = arith.constant 5 : i32
          %add3A_880 = arith.addi %mul3A_878, %add3A_879 : i32
          %swap3A_881 = arith.index_cast %rem3A_200 : i32 to index
          %swap3A_882 = arith.index_cast %add3A_880 : i32 to index
          %swap3A_883 = arith.constant 48 : index
          %swap3A_884 = tpu.vector_load %arg13[%swap3A_881, %swap3A_882, %swap3A_883] {strides = array<i32>} : memref<2x128x128xf32, #tpu.memory_space<vmem>>, vector<1x1x16xf32>,
          %swap3A_885 = vector.shape_cast %swap3A_884 : vector<1x1x16xf32> to vector<16xf32>
          %swap3A_886 = vector.shape_cast %add3A_876 : vector<16xf32> to vector<1x1x16xf32>
          tpu.vector_store %arg13[%swap3A_881, %swap3A_882, %swap3A_883], %swap3A_886 {strides = array<i32>} : memref<2x128x128xf32, #tpu.memory_space<vmem>>, vector<1x1x16xf32>,
          %mul3A_887 = vector.broadcast %squeeze3A_834 : f32 to vector<16xf32>
          %mul3A_888 = arith.mulf %mul3A_887, %get3A_228 : vector<16xf32>
          %add3A_889 = arith.addf %mul3A_888, %get3A_260 : vector<16xf32>
          %mul3A_890 = arith.constant 16 : i32
          %mul3A_891 = arith.muli %scan3A_299, %mul3A_890 : i32
          %add3A_892 = arith.constant 5 : i32
          %add3A_893 = arith.addi %mul3A_891, %add3A_892 : i32
          %swap3A_894 = arith.index_cast %rem3A_200 : i32 to index
          %swap3A_895 = arith.index_cast %add3A_893 : i32 to index
          %swap3A_896 = arith.constant 64 : index
          %swap3A_897 = tpu.vector_load %arg13[%swap3A_894, %swap3A_895, %swap3A_896] {strides = array<i32>} : memref<2x128x128xf32, #tpu.memory_space<vmem>>, vector<1x1x16xf32>,
          %swap3A_898 = vector.shape_cast %swap3A_897 : vector<1x1x16xf32> to vector<16xf32>
          %swap3A_899 = vector.shape_cast %add3A_889 : vector<16xf32> to vector<1x1x16xf32>
          tpu.vector_store %arg13[%swap3A_894, %swap3A_895, %swap3A_896], %swap3A_899 {strides = array<i32>} : memref<2x128x128xf32, #tpu.memory_space<vmem>>, vector<1x1x16xf32>,
          %mul3A_900 = vector.broadcast %squeeze3A_834 : f32 to vector<16xf32>
          %mul3A_901 = arith.mulf %mul3A_900, %get3A_232 : vector<16xf32>
          %add3A_902 = arith.addf %mul3A_901, %get3A_264 : vector<16xf32>
          %mul3A_903 = arith.constant 16 : i32
          %mul3A_904 = arith.muli %scan3A_299, %mul3A_903 : i32
          %add3A_905 = arith.constant 5 : i32
          %add3A_906 = arith.addi %mul3A_904, %add3A_905 : i32
          %swap3A_907 = arith.index_cast %rem3A_200 : i32 to index
          %swap3A_908 = arith.index_cast %add3A_906 : i32 to index
          %swap3A_909 = arith.constant 80 : index
          %swap3A_910 = tpu.vector_load %arg13[%swap3A_907, %swap3A_908, %swap3A_909] {strides = array<i32>} : memref<2x128x128xf32, #tpu.memory_space<vmem>>, vector<1x1x16xf32>,
          %swap3A_911 = vector.shape_cast %swap3A_910 : vector<1x1x16xf32> to vector<16xf32>
          %swap3A_912 = vector.shape_cast %add3A_902 : vector<16xf32> to vector<1x1x16xf32>
          tpu.vector_store %arg13[%swap3A_907, %swap3A_908, %swap3A_909], %swap3A_912 {strides = array<i32>} : memref<2x128x128xf32, #tpu.memory_space<vmem>>, vector<1x1x16xf32>,
          %mul3A_913 = vector.broadcast %squeeze3A_834 : f32 to vector<16xf32>
          %mul3A_914 = arith.mulf %mul3A_913, %get3A_236 : vector<16xf32>
          %add3A_915 = arith.addf %mul3A_914, %get3A_268 : vector<16xf32>
          %mul3A_916 = arith.constant 16 : i32
          %mul3A_917 = arith.muli %scan3A_299, %mul3A_916 : i32
          %add3A_918 = arith.constant 5 : i32
          %add3A_919 = arith.addi %mul3A_917, %add3A_918 : i32
          %swap3A_920 = arith.index_cast %rem3A_200 : i32 to index
          %swap3A_921 = arith.index_cast %add3A_919 : i32 to index
          %swap3A_922 = arith.constant 96 : index
          %swap3A_923 = tpu.vector_load %arg13[%swap3A_920, %swap3A_921, %swap3A_922] {strides = array<i32>} : memref<2x128x128xf32, #tpu.memory_space<vmem>>, vector<1x1x16xf32>,
          %swap3A_924 = vector.shape_cast %swap3A_923 : vector<1x1x16xf32> to vector<16xf32>
          %swap3A_925 = vector.shape_cast %add3A_915 : vector<16xf32> to vector<1x1x16xf32>
          tpu.vector_store %arg13[%swap3A_920, %swap3A_921, %swap3A_922], %swap3A_925 {strides = array<i32>} : memref<2x128x128xf32, #tpu.memory_space<vmem>>, vector<1x1x16xf32>,
          %mul3A_926 = vector.broadcast %squeeze3A_834 : f32 to vector<16xf32>
          %mul3A_927 = arith.mulf %mul3A_926, %get3A_240 : vector<16xf32>
          %add3A_928 = arith.addf %mul3A_927, %get3A_272 : vector<16xf32>
          %mul3A_929 = arith.constant 16 : i32
          %mul3A_930 = arith.muli %scan3A_299, %mul3A_929 : i32
          %add3A_931 = arith.constant 5 : i32
          %add3A_932 = arith.addi %mul3A_930, %add3A_931 : i32
          %swap3A_933 = arith.index_cast %rem3A_200 : i32 to index
          %swap3A_934 = arith.index_cast %add3A_932 : i32 to index
          %swap3A_935 = arith.constant 112 : index
          %swap3A_936 = tpu.vector_load %arg13[%swap3A_933, %swap3A_934, %swap3A_935] {strides = array<i32>} : memref<2x128x128xf32, #tpu.memory_space<vmem>>, vector<1x1x16xf32>,
          %swap3A_937 = vector.shape_cast %swap3A_936 : vector<1x1x16xf32> to vector<16xf32>
          %swap3A_938 = vector.shape_cast %add3A_928 : vector<16xf32> to vector<1x1x16xf32>
          tpu.vector_store %arg13[%swap3A_933, %swap3A_934, %swap3A_935], %swap3A_938 {strides = array<i32>} : memref<2x128x128xf32, #tpu.memory_space<vmem>>, vector<1x1x16xf32>,
          %slice3A_939 = vector.extract_strided_slice %get3A_305 {offsets = [6], sizes = [1], strides = [1]} : vector<16xf32> to vector<1xf32>
          %squeeze3A_940 = vector.extract %slice3A_939[0] : f32 from vector<1xf32>
          %mul3A_941 = vector.broadcast %squeeze3A_940 : f32 to vector<16xf32>
          %mul3A_942 = arith.mulf %mul3A_941, %get3A_212 : vector<16xf32>
          %add3A_943 = arith.addf %mul3A_942, %get3A_244 : vector<16xf32>
          %mul3A_944 = arith.constant 16 : i32
          %mul3A_945 = arith.muli %scan3A_299, %mul3A_944 : i32
          %add3A_946 = arith.constant 6 : i32
          %add3A_947 = arith.addi %mul3A_945, %add3A_946 : i32
          %swap3A_948 = arith.index_cast %rem3A_200 : i32 to index
          %swap3A_949 = arith.index_cast %add3A_947 : i32 to index
          %swap3A_950 = arith.constant 0 : index
          %swap3A_951 = tpu.vector_load %arg13[%swap3A_948, %swap3A_949, %swap3A_950] {strides = array<i32>} : memref<2x128x128xf32, #tpu.memory_space<vmem>>, vector<1x1x16xf32>,
          %swap3A_952 = vector.shape_cast %swap3A_951 : vector<1x1x16xf32> to vector<16xf32>
          %swap3A_953 = vector.shape_cast %add3A_943 : vector<16xf32> to vector<1x1x16xf32>
          tpu.vector_store %arg13[%swap3A_948, %swap3A_949, %swap3A_950], %swap3A_953 {strides = array<i32>} : memref<2x128x128xf32, #tpu.memory_space<vmem>>, vector<1x1x16xf32>,
          %mul3A_954 = vector.broadcast %squeeze3A_940 : f32 to vector<16xf32>
          %mul3A_955 = arith.mulf %mul3A_954, %get3A_216 : vector<16xf32>
          %add3A_956 = arith.addf %mul3A_955, %get3A_248 : vector<16xf32>
          %mul3A_957 = arith.constant 16 : i32
          %mul3A_958 = arith.muli %scan3A_299, %mul3A_957 : i32
          %add3A_959 = arith.constant 6 : i32
          %add3A_960 = arith.addi %mul3A_958, %add3A_959 : i32
          %swap3A_961 = arith.index_cast %rem3A_200 : i32 to index
          %swap3A_962 = arith.index_cast %add3A_960 : i32 to index
          %swap3A_963 = arith.constant 16 : index
          %swap3A_964 = tpu.vector_load %arg13[%swap3A_961, %swap3A_962, %swap3A_963] {strides = array<i32>} : memref<2x128x128xf32, #tpu.memory_space<vmem>>, vector<1x1x16xf32>,
          %swap3A_965 = vector.shape_cast %swap3A_964 : vector<1x1x16xf32> to vector<16xf32>
          %swap3A_966 = vector.shape_cast %add3A_956 : vector<16xf32> to vector<1x1x16xf32>
          tpu.vector_store %arg13[%swap3A_961, %swap3A_962, %swap3A_963], %swap3A_966 {strides = array<i32>} : memref<2x128x128xf32, #tpu.memory_space<vmem>>, vector<1x1x16xf32>,
          %mul3A_967 = vector.broadcast %squeeze3A_940 : f32 to vector<16xf32>
          %mul3A_968 = arith.mulf %mul3A_967, %get3A_220 : vector<16xf32>
          %add3A_969 = arith.addf %mul3A_968, %get3A_252 : vector<16xf32>
          %mul3A_970 = arith.constant 16 : i32
          %mul3A_971 = arith.muli %scan3A_299, %mul3A_970 : i32
          %add3A_972 = arith.constant 6 : i32
          %add3A_973 = arith.addi %mul3A_971, %add3A_972 : i32
          %swap3A_974 = arith.index_cast %rem3A_200 : i32 to index
          %swap3A_975 = arith.index_cast %add3A_973 : i32 to index
          %swap3A_976 = arith.constant 32 : index
          %swap3A_977 = tpu.vector_load %arg13[%swap3A_974, %swap3A_975, %swap3A_976] {strides = array<i32>} : memref<2x128x128xf32, #tpu.memory_space<vmem>>, vector<1x1x16xf32>,
          %swap3A_978 = vector.shape_cast %swap3A_977 : vector<1x1x16xf32> to vector<16xf32>
          %swap3A_979 = vector.shape_cast %add3A_969 : vector<16xf32> to vector<1x1x16xf32>
          tpu.vector_store %arg13[%swap3A_974, %swap3A_975, %swap3A_976], %swap3A_979 {strides = array<i32>} : memref<2x128x128xf32, #tpu.memory_space<vmem>>, vector<1x1x16xf32>,
          %mul3A_980 = vector.broadcast %squeeze3A_940 : f32 to vector<16xf32>
          %mul3A_981 = arith.mulf %mul3A_980, %get3A_224 : vector<16xf32>
          %add3A_982 = arith.addf %mul3A_981, %get3A_256 : vector<16xf32>
          %mul3A_983 = arith.constant 16 : i32
          %mul3A_984 = arith.muli %scan3A_299, %mul3A_983 : i32
          %add3A_985 = arith.constant 6 : i32
          %add3A_986 = arith.addi %mul3A_984, %add3A_985 : i32
          %swap3A_987 = arith.index_cast %rem3A_200 : i32 to index
          %swap3A_988 = arith.index_cast %add3A_986 : i32 to index
          %swap3A_989 = arith.constant 48 : index
          %swap3A_990 = tpu.vector_load %arg13[%swap3A_987, %swap3A_988, %swap3A_989] {strides = array<i32>} : memref<2x128x128xf32, #tpu.memory_space<vmem>>, vector<1x1x16xf32>,
          %swap3A_991 = vector.shape_cast %swap3A_990 : vector<1x1x16xf32> to vector<16xf32>
          %swap3A_992 = vector.shape_cast %add3A_982 : vector<16xf32> to vector<1x1x16xf32>
          tpu.vector_store %arg13[%swap3A_987, %swap3A_988, %swap3A_989], %swap3A_992 {strides = array<i32>} : memref<2x128x128xf32, #tpu.memory_space<vmem>>, vector<1x1x16xf32>,
          %mul3A_993 = vector.broadcast %squeeze3A_940 : f32 to vector<16xf32>
          %mul3A_994 = arith.mulf %mul3A_993, %get3A_228 : vector<16xf32>
          %add3A_995 = arith.addf %mul3A_994, %get3A_260 : vector<16xf32>
          %mul3A_996 = arith.constant 16 : i32
          %mul3A_997 = arith.muli %scan3A_299, %mul3A_996 : i32
          %add3A_998 = arith.constant 6 : i32
          %add3A_999 = arith.addi %mul3A_997, %add3A_998 : i32
          %swap3A_1000 = arith.index_cast %rem3A_200 : i32 to index
          %swap3A_1001 = arith.index_cast %add3A_999 : i32 to index
          %swap3A_1002 = arith.constant 64 : index
          %swap3A_1003 = tpu.vector_load %arg13[%swap3A_1000, %swap3A_1001, %swap3A_1002] {strides = array<i32>} : memref<2x128x128xf32, #tpu.memory_space<vmem>>, vector<1x1x16xf32>,
          %swap3A_1004 = vector.shape_cast %swap3A_1003 : vector<1x1x16xf32> to vector<16xf32>
          %swap3A_1005 = vector.shape_cast %add3A_995 : vector<16xf32> to vector<1x1x16xf32>
          tpu.vector_store %arg13[%swap3A_1000, %swap3A_1001, %swap3A_1002], %swap3A_1005 {strides = array<i32>} : memref<2x128x128xf32, #tpu.memory_space<vmem>>, vector<1x1x16xf32>,
          %mul3A_1006 = vector.broadcast %squeeze3A_940 : f32 to vector<16xf32>
          %mul3A_1007 = arith.mulf %mul3A_1006, %get3A_232 : vector<16xf32>
          %add3A_1008 = arith.addf %mul3A_1007, %get3A_264 : vector<16xf32>
          %mul3A_1009 = arith.constant 16 : i32
          %mul3A_1010 = arith.muli %scan3A_299, %mul3A_1009 : i32
          %add3A_1011 = arith.constant 6 : i32
          %add3A_1012 = arith.addi %mul3A_1010, %add3A_1011 : i32
          %swap3A_1013 = arith.index_cast %rem3A_200 : i32 to index
          %swap3A_1014 = arith.index_cast %add3A_1012 : i32 to index
          %swap3A_1015 = arith.constant 80 : index
          %swap3A_1016 = tpu.vector_load %arg13[%swap3A_1013, %swap3A_1014, %swap3A_1015] {strides = array<i32>} : memref<2x128x128xf32, #tpu.memory_space<vmem>>, vector<1x1x16xf32>,
          %swap3A_1017 = vector.shape_cast %swap3A_1016 : vector<1x1x16xf32> to vector<16xf32>
          %swap3A_1018 = vector.shape_cast %add3A_1008 : vector<16xf32> to vector<1x1x16xf32>
          tpu.vector_store %arg13[%swap3A_1013, %swap3A_1014, %swap3A_1015], %swap3A_1018 {strides = array<i32>} : memref<2x128x128xf32, #tpu.memory_space<vmem>>, vector<1x1x16xf32>,
          %mul3A_1019 = vector.broadcast %squeeze3A_940 : f32 to vector<16xf32>
          %mul3A_1020 = arith.mulf %mul3A_1019, %get3A_236 : vector<16xf32>
          %add3A_1021 = arith.addf %mul3A_1020, %get3A_268 : vector<16xf32>
          %mul3A_1022 = arith.constant 16 : i32
          %mul3A_1023 = arith.muli %scan3A_299, %mul3A_1022 : i32
          %add3A_1024 = arith.constant 6 : i32
          %add3A_1025 = arith.addi %mul3A_1023, %add3A_1024 : i32
          %swap3A_1026 = arith.index_cast %rem3A_200 : i32 to index
          %swap3A_1027 = arith.index_cast %add3A_1025 : i32 to index
          %swap3A_1028 = arith.constant 96 : index
          %swap3A_1029 = tpu.vector_load %arg13[%swap3A_1026, %swap3A_1027, %swap3A_1028] {strides = array<i32>} : memref<2x128x128xf32, #tpu.memory_space<vmem>>, vector<1x1x16xf32>,
          %swap3A_1030 = vector.shape_cast %swap3A_1029 : vector<1x1x16xf32> to vector<16xf32>
          %swap3A_1031 = vector.shape_cast %add3A_1021 : vector<16xf32> to vector<1x1x16xf32>
          tpu.vector_store %arg13[%swap3A_1026, %swap3A_1027, %swap3A_1028], %swap3A_1031 {strides = array<i32>} : memref<2x128x128xf32, #tpu.memory_space<vmem>>, vector<1x1x16xf32>,
          %mul3A_1032 = vector.broadcast %squeeze3A_940 : f32 to vector<16xf32>
          %mul3A_1033 = arith.mulf %mul3A_1032, %get3A_240 : vector<16xf32>
          %add3A_1034 = arith.addf %mul3A_1033, %get3A_272 : vector<16xf32>
          %mul3A_1035 = arith.constant 16 : i32
          %mul3A_1036 = arith.muli %scan3A_299, %mul3A_1035 : i32
          %add3A_1037 = arith.constant 6 : i32
          %add3A_1038 = arith.addi %mul3A_1036, %add3A_1037 : i32
          %swap3A_1039 = arith.index_cast %rem3A_200 : i32 to index
          %swap3A_1040 = arith.index_cast %add3A_1038 : i32 to index
          %swap3A_1041 = arith.constant 112 : index
          %swap3A_1042 = tpu.vector_load %arg13[%swap3A_1039, %swap3A_1040, %swap3A_1041] {strides = array<i32>} : memref<2x128x128xf32, #tpu.memory_space<vmem>>, vector<1x1x16xf32>,
          %swap3A_1043 = vector.shape_cast %swap3A_1042 : vector<1x1x16xf32> to vector<16xf32>
          %swap3A_1044 = vector.shape_cast %add3A_1034 : vector<16xf32> to vector<1x1x16xf32>
          tpu.vector_store %arg13[%swap3A_1039, %swap3A_1040, %swap3A_1041], %swap3A_1044 {strides = array<i32>} : memref<2x128x128xf32, #tpu.memory_space<vmem>>, vector<1x1x16xf32>,
          %slice3A_1045 = vector.extract_strided_slice %get3A_305 {offsets = [7], sizes = [1], strides = [1]} : vector<16xf32> to vector<1xf32>
          %squeeze3A_1046 = vector.extract %slice3A_1045[0] : f32 from vector<1xf32>
          %mul3A_1047 = vector.broadcast %squeeze3A_1046 : f32 to vector<16xf32>
          %mul3A_1048 = arith.mulf %mul3A_1047, %get3A_212 : vector<16xf32>
          %add3A_1049 = arith.addf %mul3A_1048, %get3A_244 : vector<16xf32>
          %mul3A_1050 = arith.constant 16 : i32
          %mul3A_1051 = arith.muli %scan3A_299, %mul3A_1050 : i32
          %add3A_1052 = arith.constant 7 : i32
          %add3A_1053 = arith.addi %mul3A_1051, %add3A_1052 : i32
          %swap3A_1054 = arith.index_cast %rem3A_200 : i32 to index
          %swap3A_1055 = arith.index_cast %add3A_1053 : i32 to index
          %swap3A_1056 = arith.constant 0 : index
          %swap3A_1057 = tpu.vector_load %arg13[%swap3A_1054, %swap3A_1055, %swap3A_1056] {strides = array<i32>} : memref<2x128x128xf32, #tpu.memory_space<vmem>>, vector<1x1x16xf32>,
          %swap3A_1058 = vector.shape_cast %swap3A_1057 : vector<1x1x16xf32> to vector<16xf32>
          %swap3A_1059 = vector.shape_cast %add3A_1049 : vector<16xf32> to vector<1x1x16xf32>
          tpu.vector_store %arg13[%swap3A_1054, %swap3A_1055, %swap3A_1056], %swap3A_1059 {strides = array<i32>} : memref<2x128x128xf32, #tpu.memory_space<vmem>>, vector<1x1x16xf32>,
          %mul3A_1060 = vector.broadcast %squeeze3A_1046 : f32 to vector<16xf32>
          %mul3A_1061 = arith.mulf %mul3A_1060, %get3A_216 : vector<16xf32>
          %add3A_1062 = arith.addf %mul3A_1061, %get3A_248 : vector<16xf32>
          %mul3A_1063 = arith.constant 16 : i32
          %mul3A_1064 = arith.muli %scan3A_299, %mul3A_1063 : i32
          %add3A_1065 = arith.constant 7 : i32
          %add3A_1066 = arith.addi %mul3A_1064, %add3A_1065 : i32
          %swap3A_1067 = arith.index_cast %rem3A_200 : i32 to index
          %swap3A_1068 = arith.index_cast %add3A_1066 : i32 to index
          %swap3A_1069 = arith.constant 16 : index
          %swap3A_1070 = tpu.vector_load %arg13[%swap3A_1067, %swap3A_1068, %swap3A_1069] {strides = array<i32>} : memref<2x128x128xf32, #tpu.memory_space<vmem>>, vector<1x1x16xf32>,
          %swap3A_1071 = vector.shape_cast %swap3A_1070 : vector<1x1x16xf32> to vector<16xf32>
          %swap3A_1072 = vector.shape_cast %add3A_1062 : vector<16xf32> to vector<1x1x16xf32>
          tpu.vector_store %arg13[%swap3A_1067, %swap3A_1068, %swap3A_1069], %swap3A_1072 {strides = array<i32>} : memref<2x128x128xf32, #tpu.memory_space<vmem>>, vector<1x1x16xf32>,
          %mul3A_1073 = vector.broadcast %squeeze3A_1046 : f32 to vector<16xf32>
          %mul3A_1074 = arith.mulf %mul3A_1073, %get3A_220 : vector<16xf32>
          %add3A_1075 = arith.addf %mul3A_1074, %get3A_252 : vector<16xf32>
          %mul3A_1076 = arith.constant 16 : i32
          %mul3A_1077 = arith.muli %scan3A_299, %mul3A_1076 : i32
          %add3A_1078 = arith.constant 7 : i32
          %add3A_1079 = arith.addi %mul3A_1077, %add3A_1078 : i32
          %swap3A_1080 = arith.index_cast %rem3A_200 : i32 to index
          %swap3A_1081 = arith.index_cast %add3A_1079 : i32 to index
          %swap3A_1082 = arith.constant 32 : index
          %swap3A_1083 = tpu.vector_load %arg13[%swap3A_1080, %swap3A_1081, %swap3A_1082] {strides = array<i32>} : memref<2x128x128xf32, #tpu.memory_space<vmem>>, vector<1x1x16xf32>,
          %swap3A_1084 = vector.shape_cast %swap3A_1083 : vector<1x1x16xf32> to vector<16xf32>
          %swap3A_1085 = vector.shape_cast %add3A_1075 : vector<16xf32> to vector<1x1x16xf32>
          tpu.vector_store %arg13[%swap3A_1080, %swap3A_1081, %swap3A_1082], %swap3A_1085 {strides = array<i32>} : memref<2x128x128xf32, #tpu.memory_space<vmem>>, vector<1x1x16xf32>,
          %mul3A_1086 = vector.broadcast %squeeze3A_1046 : f32 to vector<16xf32>
          %mul3A_1087 = arith.mulf %mul3A_1086, %get3A_224 : vector<16xf32>
          %add3A_1088 = arith.addf %mul3A_1087, %get3A_256 : vector<16xf32>
          %mul3A_1089 = arith.constant 16 : i32
          %mul3A_1090 = arith.muli %scan3A_299, %mul3A_1089 : i32
          %add3A_1091 = arith.constant 7 : i32
          %add3A_1092 = arith.addi %mul3A_1090, %add3A_1091 : i32
          %swap3A_1093 = arith.index_cast %rem3A_200 : i32 to index
          %swap3A_1094 = arith.index_cast %add3A_1092 : i32 to index
          %swap3A_1095 = arith.constant 48 : index
          %swap3A_1096 = tpu.vector_load %arg13[%swap3A_1093, %swap3A_1094, %swap3A_1095] {strides = array<i32>} : memref<2x128x128xf32, #tpu.memory_space<vmem>>, vector<1x1x16xf32>,
          %swap3A_1097 = vector.shape_cast %swap3A_1096 : vector<1x1x16xf32> to vector<16xf32>
          %swap3A_1098 = vector.shape_cast %add3A_1088 : vector<16xf32> to vector<1x1x16xf32>
          tpu.vector_store %arg13[%swap3A_1093, %swap3A_1094, %swap3A_1095], %swap3A_1098 {strides = array<i32>} : memref<2x128x128xf32, #tpu.memory_space<vmem>>, vector<1x1x16xf32>,
          %mul3A_1099 = vector.broadcast %squeeze3A_1046 : f32 to vector<16xf32>
          %mul3A_1100 = arith.mulf %mul3A_1099, %get3A_228 : vector<16xf32>
          %add3A_1101 = arith.addf %mul3A_1100, %get3A_260 : vector<16xf32>
          %mul3A_1102 = arith.constant 16 : i32
          %mul3A_1103 = arith.muli %scan3A_299, %mul3A_1102 : i32
          %add3A_1104 = arith.constant 7 : i32
          %add3A_1105 = arith.addi %mul3A_1103, %add3A_1104 : i32
          %swap3A_1106 = arith.index_cast %rem3A_200 : i32 to index
          %swap3A_1107 = arith.index_cast %add3A_1105 : i32 to index
          %swap3A_1108 = arith.constant 64 : index
          %swap3A_1109 = tpu.vector_load %arg13[%swap3A_1106, %swap3A_1107, %swap3A_1108] {strides = array<i32>} : memref<2x128x128xf32, #tpu.memory_space<vmem>>, vector<1x1x16xf32>,
          %swap3A_1110 = vector.shape_cast %swap3A_1109 : vector<1x1x16xf32> to vector<16xf32>
          %swap3A_1111 = vector.shape_cast %add3A_1101 : vector<16xf32> to vector<1x1x16xf32>
          tpu.vector_store %arg13[%swap3A_1106, %swap3A_1107, %swap3A_1108], %swap3A_1111 {strides = array<i32>} : memref<2x128x128xf32, #tpu.memory_space<vmem>>, vector<1x1x16xf32>,
          %mul3A_1112 = vector.broadcast %squeeze3A_1046 : f32 to vector<16xf32>
          %mul3A_1113 = arith.mulf %mul3A_1112, %get3A_232 : vector<16xf32>
          %add3A_1114 = arith.addf %mul3A_1113, %get3A_264 : vector<16xf32>
          %mul3A_1115 = arith.constant 16 : i32
          %mul3A_1116 = arith.muli %scan3A_299, %mul3A_1115 : i32
          %add3A_1117 = arith.constant 7 : i32
          %add3A_1118 = arith.addi %mul3A_1116, %add3A_1117 : i32
          %swap3A_1119 = arith.index_cast %rem3A_200 : i32 to index
          %swap3A_1120 = arith.index_cast %add3A_1118 : i32 to index
          %swap3A_1121 = arith.constant 80 : index
          %swap3A_1122 = tpu.vector_load %arg13[%swap3A_1119, %swap3A_1120, %swap3A_1121] {strides = array<i32>} : memref<2x128x128xf32, #tpu.memory_space<vmem>>, vector<1x1x16xf32>,
          %swap3A_1123 = vector.shape_cast %swap3A_1122 : vector<1x1x16xf32> to vector<16xf32>
          %swap3A_1124 = vector.shape_cast %add3A_1114 : vector<16xf32> to vector<1x1x16xf32>
          tpu.vector_store %arg13[%swap3A_1119, %swap3A_1120, %swap3A_1121], %swap3A_1124 {strides = array<i32>} : memref<2x128x128xf32, #tpu.memory_space<vmem>>, vector<1x1x16xf32>,
          %mul3A_1125 = vector.broadcast %squeeze3A_1046 : f32 to vector<16xf32>
          %mul3A_1126 = arith.mulf %mul3A_1125, %get3A_236 : vector<16xf32>
          %add3A_1127 = arith.addf %mul3A_1126, %get3A_268 : vector<16xf32>
          %mul3A_1128 = arith.constant 16 : i32
          %mul3A_1129 = arith.muli %scan3A_299, %mul3A_1128 : i32
          %add3A_1130 = arith.constant 7 : i32
          %add3A_1131 = arith.addi %mul3A_1129, %add3A_1130 : i32
          %swap3A_1132 = arith.index_cast %rem3A_200 : i32 to index
          %swap3A_1133 = arith.index_cast %add3A_1131 : i32 to index
          %swap3A_1134 = arith.constant 96 : index
          %swap3A_1135 = tpu.vector_load %arg13[%swap3A_1132, %swap3A_1133, %swap3A_1134] {strides = array<i32>} : memref<2x128x128xf32, #tpu.memory_space<vmem>>, vector<1x1x16xf32>,
          %swap3A_1136 = vector.shape_cast %swap3A_1135 : vector<1x1x16xf32> to vector<16xf32>
          %swap3A_1137 = vector.shape_cast %add3A_1127 : vector<16xf32> to vector<1x1x16xf32>
          tpu.vector_store %arg13[%swap3A_1132, %swap3A_1133, %swap3A_1134], %swap3A_1137 {strides = array<i32>} : memref<2x128x128xf32, #tpu.memory_space<vmem>>, vector<1x1x16xf32>,
          %mul3A_1138 = vector.broadcast %squeeze3A_1046 : f32 to vector<16xf32>
          %mul3A_1139 = arith.mulf %mul3A_1138, %get3A_240 : vector<16xf32>
          %add3A_1140 = arith.addf %mul3A_1139, %get3A_272 : vector<16xf32>
          %mul3A_1141 = arith.constant 16 : i32
          %mul3A_1142 = arith.muli %scan3A_299, %mul3A_1141 : i32
          %add3A_1143 = arith.constant 7 : i32
          %add3A_1144 = arith.addi %mul3A_1142, %add3A_1143 : i32
          %swap3A_1145 = arith.index_cast %rem3A_200 : i32 to index
          %swap3A_1146 = arith.index_cast %add3A_1144 : i32 to index
          %swap3A_1147 = arith.constant 112 : index
          %swap3A_1148 = tpu.vector_load %arg13[%swap3A_1145, %swap3A_1146, %swap3A_1147] {strides = array<i32>} : memref<2x128x128xf32, #tpu.memory_space<vmem>>, vector<1x1x16xf32>,
          %swap3A_1149 = vector.shape_cast %swap3A_1148 : vector<1x1x16xf32> to vector<16xf32>
          %swap3A_1150 = vector.shape_cast %add3A_1140 : vector<16xf32> to vector<1x1x16xf32>
          tpu.vector_store %arg13[%swap3A_1145, %swap3A_1146, %swap3A_1147], %swap3A_1150 {strides = array<i32>} : memref<2x128x128xf32, #tpu.memory_space<vmem>>, vector<1x1x16xf32>,
          %slice3A_1151 = vector.extract_strided_slice %get3A_305 {offsets = [8], sizes = [1], strides = [1]} : vector<16xf32> to vector<1xf32>
          %squeeze3A_1152 = vector.extract %slice3A_1151[0] : f32 from vector<1xf32>
          %mul3A_1153 = vector.broadcast %squeeze3A_1152 : f32 to vector<16xf32>
          %mul3A_1154 = arith.mulf %mul3A_1153, %get3A_212 : vector<16xf32>
          %add3A_1155 = arith.addf %mul3A_1154, %get3A_244 : vector<16xf32>
          %mul3A_1156 = arith.constant 16 : i32
          %mul3A_1157 = arith.muli %scan3A_299, %mul3A_1156 : i32
          %add3A_1158 = arith.constant 8 : i32
          %add3A_1159 = arith.addi %mul3A_1157, %add3A_1158 : i32
          %swap3A_1160 = arith.index_cast %rem3A_200 : i32 to index
          %swap3A_1161 = arith.index_cast %add3A_1159 : i32 to index
          %swap3A_1162 = arith.constant 0 : index
          %swap3A_1163 = tpu.vector_load %arg13[%swap3A_1160, %swap3A_1161, %swap3A_1162] {strides = array<i32>} : memref<2x128x128xf32, #tpu.memory_space<vmem>>, vector<1x1x16xf32>,
          %swap3A_1164 = vector.shape_cast %swap3A_1163 : vector<1x1x16xf32> to vector<16xf32>
          %swap3A_1165 = vector.shape_cast %add3A_1155 : vector<16xf32> to vector<1x1x16xf32>
          tpu.vector_store %arg13[%swap3A_1160, %swap3A_1161, %swap3A_1162], %swap3A_1165 {strides = array<i32>} : memref<2x128x128xf32, #tpu.memory_space<vmem>>, vector<1x1x16xf32>,
          %mul3A_1166 = vector.broadcast %squeeze3A_1152 : f32 to vector<16xf32>
          %mul3A_1167 = arith.mulf %mul3A_1166, %get3A_216 : vector<16xf32>
          %add3A_1168 = arith.addf %mul3A_1167, %get3A_248 : vector<16xf32>
          %mul3A_1169 = arith.constant 16 : i32
          %mul3A_1170 = arith.muli %scan3A_299, %mul3A_1169 : i32
          %add3A_1171 = arith.constant 8 : i32
          %add3A_1172 = arith.addi %mul3A_1170, %add3A_1171 : i32
          %swap3A_1173 = arith.index_cast %rem3A_200 : i32 to index
          %swap3A_1174 = arith.index_cast %add3A_1172 : i32 to index
          %swap3A_1175 = arith.constant 16 : index
          %swap3A_1176 = tpu.vector_load %arg13[%swap3A_1173, %swap3A_1174, %swap3A_1175] {strides = array<i32>} : memref<2x128x128xf32, #tpu.memory_space<vmem>>, vector<1x1x16xf32>,
          %swap3A_1177 = vector.shape_cast %swap3A_1176 : vector<1x1x16xf32> to vector<16xf32>
          %swap3A_1178 = vector.shape_cast %add3A_1168 : vector<16xf32> to vector<1x1x16xf32>
          tpu.vector_store %arg13[%swap3A_1173, %swap3A_1174, %swap3A_1175], %swap3A_1178 {strides = array<i32>} : memref<2x128x128xf32, #tpu.memory_space<vmem>>, vector<1x1x16xf32>,
          %mul3A_1179 = vector.broadcast %squeeze3A_1152 : f32 to vector<16xf32>
          %mul3A_1180 = arith.mulf %mul3A_1179, %get3A_220 : vector<16xf32>
          %add3A_1181 = arith.addf %mul3A_1180, %get3A_252 : vector<16xf32>
          %mul3A_1182 = arith.constant 16 : i32
          %mul3A_1183 = arith.muli %scan3A_299, %mul3A_1182 : i32
          %add3A_1184 = arith.constant 8 : i32
          %add3A_1185 = arith.addi %mul3A_1183, %add3A_1184 : i32
          %swap3A_1186 = arith.index_cast %rem3A_200 : i32 to index
          %swap3A_1187 = arith.index_cast %add3A_1185 : i32 to index
          %swap3A_1188 = arith.constant 32 : index
          %swap3A_1189 = tpu.vector_load %arg13[%swap3A_1186, %swap3A_1187, %swap3A_1188] {strides = array<i32>} : memref<2x128x128xf32, #tpu.memory_space<vmem>>, vector<1x1x16xf32>,
          %swap3A_1190 = vector.shape_cast %swap3A_1189 : vector<1x1x16xf32> to vector<16xf32>
          %swap3A_1191 = vector.shape_cast %add3A_1181 : vector<16xf32> to vector<1x1x16xf32>
          tpu.vector_store %arg13[%swap3A_1186, %swap3A_1187, %swap3A_1188], %swap3A_1191 {strides = array<i32>} : memref<2x128x128xf32, #tpu.memory_space<vmem>>, vector<1x1x16xf32>,
          %mul3A_1192 = vector.broadcast %squeeze3A_1152 : f32 to vector<16xf32>
          %mul3A_1193 = arith.mulf %mul3A_1192, %get3A_224 : vector<16xf32>
          %add3A_1194 = arith.addf %mul3A_1193, %get3A_256 : vector<16xf32>
          %mul3A_1195 = arith.constant 16 : i32
          %mul3A_1196 = arith.muli %scan3A_299, %mul3A_1195 : i32
          %add3A_1197 = arith.constant 8 : i32
          %add3A_1198 = arith.addi %mul3A_1196, %add3A_1197 : i32
          %swap3A_1199 = arith.index_cast %rem3A_200 : i32 to index
          %swap3A_1200 = arith.index_cast %add3A_1198 : i32 to index
          %swap3A_1201 = arith.constant 48 : index
          %swap3A_1202 = tpu.vector_load %arg13[%swap3A_1199, %swap3A_1200, %swap3A_1201] {strides = array<i32>} : memref<2x128x128xf32, #tpu.memory_space<vmem>>, vector<1x1x16xf32>,
          %swap3A_1203 = vector.shape_cast %swap3A_1202 : vector<1x1x16xf32> to vector<16xf32>
          %swap3A_1204 = vector.shape_cast %add3A_1194 : vector<16xf32> to vector<1x1x16xf32>
          tpu.vector_store %arg13[%swap3A_1199, %swap3A_1200, %swap3A_1201], %swap3A_1204 {strides = array<i32>} : memref<2x128x128xf32, #tpu.memory_space<vmem>>, vector<1x1x16xf32>,
          %mul3A_1205 = vector.broadcast %squeeze3A_1152 : f32 to vector<16xf32>
          %mul3A_1206 = arith.mulf %mul3A_1205, %get3A_228 : vector<16xf32>
          %add3A_1207 = arith.addf %mul3A_1206, %get3A_260 : vector<16xf32>
          %mul3A_1208 = arith.constant 16 : i32
          %mul3A_1209 = arith.muli %scan3A_299, %mul3A_1208 : i32
          %add3A_1210 = arith.constant 8 : i32
          %add3A_1211 = arith.addi %mul3A_1209, %add3A_1210 : i32
          %swap3A_1212 = arith.index_cast %rem3A_200 : i32 to index
          %swap3A_1213 = arith.index_cast %add3A_1211 : i32 to index
          %swap3A_1214 = arith.constant 64 : index
          %swap3A_1215 = tpu.vector_load %arg13[%swap3A_1212, %swap3A_1213, %swap3A_1214] {strides = array<i32>} : memref<2x128x128xf32, #tpu.memory_space<vmem>>, vector<1x1x16xf32>,
          %swap3A_1216 = vector.shape_cast %swap3A_1215 : vector<1x1x16xf32> to vector<16xf32>
          %swap3A_1217 = vector.shape_cast %add3A_1207 : vector<16xf32> to vector<1x1x16xf32>
          tpu.vector_store %arg13[%swap3A_1212, %swap3A_1213, %swap3A_1214], %swap3A_1217 {strides = array<i32>} : memref<2x128x128xf32, #tpu.memory_space<vmem>>, vector<1x1x16xf32>,
          %mul3A_1218 = vector.broadcast %squeeze3A_1152 : f32 to vector<16xf32>
          %mul3A_1219 = arith.mulf %mul3A_1218, %get3A_232 : vector<16xf32>
          %add3A_1220 = arith.addf %mul3A_1219, %get3A_264 : vector<16xf32>
          %mul3A_1221 = arith.constant 16 : i32
          %mul3A_1222 = arith.muli %scan3A_299, %mul3A_1221 : i32
          %add3A_1223 = arith.constant 8 : i32
          %add3A_1224 = arith.addi %mul3A_1222, %add3A_1223 : i32
          %swap3A_1225 = arith.index_cast %rem3A_200 : i32 to index
          %swap3A_1226 = arith.index_cast %add3A_1224 : i32 to index
          %swap3A_1227 = arith.constant 80 : index
          %swap3A_1228 = tpu.vector_load %arg13[%swap3A_1225, %swap3A_1226, %swap3A_1227] {strides = array<i32>} : memref<2x128x128xf32, #tpu.memory_space<vmem>>, vector<1x1x16xf32>,
          %swap3A_1229 = vector.shape_cast %swap3A_1228 : vector<1x1x16xf32> to vector<16xf32>
          %swap3A_1230 = vector.shape_cast %add3A_1220 : vector<16xf32> to vector<1x1x16xf32>
          tpu.vector_store %arg13[%swap3A_1225, %swap3A_1226, %swap3A_1227], %swap3A_1230 {strides = array<i32>} : memref<2x128x128xf32, #tpu.memory_space<vmem>>, vector<1x1x16xf32>,
          %mul3A_1231 = vector.broadcast %squeeze3A_1152 : f32 to vector<16xf32>
          %mul3A_1232 = arith.mulf %mul3A_1231, %get3A_236 : vector<16xf32>
          %add3A_1233 = arith.addf %mul3A_1232, %get3A_268 : vector<16xf32>
          %mul3A_1234 = arith.constant 16 : i32
          %mul3A_1235 = arith.muli %scan3A_299, %mul3A_1234 : i32
          %add3A_1236 = arith.constant 8 : i32
          %add3A_1237 = arith.addi %mul3A_1235, %add3A_1236 : i32
          %swap3A_1238 = arith.index_cast %rem3A_200 : i32 to index
          %swap3A_1239 = arith.index_cast %add3A_1237 : i32 to index
          %swap3A_1240 = arith.constant 96 : index
          %swap3A_1241 = tpu.vector_load %arg13[%swap3A_1238, %swap3A_1239, %swap3A_1240] {strides = array<i32>} : memref<2x128x128xf32, #tpu.memory_space<vmem>>, vector<1x1x16xf32>,
          %swap3A_1242 = vector.shape_cast %swap3A_1241 : vector<1x1x16xf32> to vector<16xf32>
          %swap3A_1243 = vector.shape_cast %add3A_1233 : vector<16xf32> to vector<1x1x16xf32>
          tpu.vector_store %arg13[%swap3A_1238, %swap3A_1239, %swap3A_1240], %swap3A_1243 {strides = array<i32>} : memref<2x128x128xf32, #tpu.memory_space<vmem>>, vector<1x1x16xf32>,
          %mul3A_1244 = vector.broadcast %squeeze3A_1152 : f32 to vector<16xf32>
          %mul3A_1245 = arith.mulf %mul3A_1244, %get3A_240 : vector<16xf32>
          %add3A_1246 = arith.addf %mul3A_1245, %get3A_272 : vector<16xf32>
          %mul3A_1247 = arith.constant 16 : i32
          %mul3A_1248 = arith.muli %scan3A_299, %mul3A_1247 : i32
          %add3A_1249 = arith.constant 8 : i32
          %add3A_1250 = arith.addi %mul3A_1248, %add3A_1249 : i32
          %swap3A_1251 = arith.index_cast %rem3A_200 : i32 to index
          %swap3A_1252 = arith.index_cast %add3A_1250 : i32 to index
          %swap3A_1253 = arith.constant 112 : index
          %swap3A_1254 = tpu.vector_load %arg13[%swap3A_1251, %swap3A_1252, %swap3A_1253] {strides = array<i32>} : memref<2x128x128xf32, #tpu.memory_space<vmem>>, vector<1x1x16xf32>,
          %swap3A_1255 = vector.shape_cast %swap3A_1254 : vector<1x1x16xf32> to vector<16xf32>
          %swap3A_1256 = vector.shape_cast %add3A_1246 : vector<16xf32> to vector<1x1x16xf32>
          tpu.vector_store %arg13[%swap3A_1251, %swap3A_1252, %swap3A_1253], %swap3A_1256 {strides = array<i32>} : memref<2x128x128xf32, #tpu.memory_space<vmem>>, vector<1x1x16xf32>,
          %slice3A_1257 = vector.extract_strided_slice %get3A_305 {offsets = [9], sizes = [1], strides = [1]} : vector<16xf32> to vector<1xf32>
          %squeeze3A_1258 = vector.extract %slice3A_1257[0] : f32 from vector<1xf32>
          %mul3A_1259 = vector.broadcast %squeeze3A_1258 : f32 to vector<16xf32>
          %mul3A_1260 = arith.mulf %mul3A_1259, %get3A_212 : vector<16xf32>
          %add3A_1261 = arith.addf %mul3A_1260, %get3A_244 : vector<16xf32>
          %mul3A_1262 = arith.constant 16 : i32
          %mul3A_1263 = arith.muli %scan3A_299, %mul3A_1262 : i32
          %add3A_1264 = arith.constant 9 : i32
          %add3A_1265 = arith.addi %mul3A_1263, %add3A_1264 : i32
          %swap3A_1266 = arith.index_cast %rem3A_200 : i32 to index
          %swap3A_1267 = arith.index_cast %add3A_1265 : i32 to index
          %swap3A_1268 = arith.constant 0 : index
          %swap3A_1269 = tpu.vector_load %arg13[%swap3A_1266, %swap3A_1267, %swap3A_1268] {strides = array<i32>} : memref<2x128x128xf32, #tpu.memory_space<vmem>>, vector<1x1x16xf32>,
          %swap3A_1270 = vector.shape_cast %swap3A_1269 : vector<1x1x16xf32> to vector<16xf32>
          %swap3A_1271 = vector.shape_cast %add3A_1261 : vector<16xf32> to vector<1x1x16xf32>
          tpu.vector_store %arg13[%swap3A_1266, %swap3A_1267, %swap3A_1268], %swap3A_1271 {strides = array<i32>} : memref<2x128x128xf32, #tpu.memory_space<vmem>>, vector<1x1x16xf32>,
          %mul3A_1272 = vector.broadcast %squeeze3A_1258 : f32 to vector<16xf32>
          %mul3A_1273 = arith.mulf %mul3A_1272, %get3A_216 : vector<16xf32>
          %add3A_1274 = arith.addf %mul3A_1273, %get3A_248 : vector<16xf32>
          %mul3A_1275 = arith.constant 16 : i32
          %mul3A_1276 = arith.muli %scan3A_299, %mul3A_1275 : i32
          %add3A_1277 = arith.constant 9 : i32
          %add3A_1278 = arith.addi %mul3A_1276, %add3A_1277 : i32
          %swap3A_1279 = arith.index_cast %rem3A_200 : i32 to index
          %swap3A_1280 = arith.index_cast %add3A_1278 : i32 to index
          %swap3A_1281 = arith.constant 16 : index
          %swap3A_1282 = tpu.vector_load %arg13[%swap3A_1279, %swap3A_1280, %swap3A_1281] {strides = array<i32>} : memref<2x128x128xf32, #tpu.memory_space<vmem>>, vector<1x1x16xf32>,
          %swap3A_1283 = vector.shape_cast %swap3A_1282 : vector<1x1x16xf32> to vector<16xf32>
          %swap3A_1284 = vector.shape_cast %add3A_1274 : vector<16xf32> to vector<1x1x16xf32>
          tpu.vector_store %arg13[%swap3A_1279, %swap3A_1280, %swap3A_1281], %swap3A_1284 {strides = array<i32>} : memref<2x128x128xf32, #tpu.memory_space<vmem>>, vector<1x1x16xf32>,
          %mul3A_1285 = vector.broadcast %squeeze3A_1258 : f32 to vector<16xf32>
          %mul3A_1286 = arith.mulf %mul3A_1285, %get3A_220 : vector<16xf32>
          %add3A_1287 = arith.addf %mul3A_1286, %get3A_252 : vector<16xf32>
          %mul3A_1288 = arith.constant 16 : i32
          %mul3A_1289 = arith.muli %scan3A_299, %mul3A_1288 : i32
          %add3A_1290 = arith.constant 9 : i32
          %add3A_1291 = arith.addi %mul3A_1289, %add3A_1290 : i32
          %swap3A_1292 = arith.index_cast %rem3A_200 : i32 to index
          %swap3A_1293 = arith.index_cast %add3A_1291 : i32 to index
          %swap3A_1294 = arith.constant 32 : index
          %swap3A_1295 = tpu.vector_load %arg13[%swap3A_1292, %swap3A_1293, %swap3A_1294] {strides = array<i32>} : memref<2x128x128xf32, #tpu.memory_space<vmem>>, vector<1x1x16xf32>,
          %swap3A_1296 = vector.shape_cast %swap3A_1295 : vector<1x1x16xf32> to vector<16xf32>
          %swap3A_1297 = vector.shape_cast %add3A_1287 : vector<16xf32> to vector<1x1x16xf32>
          tpu.vector_store %arg13[%swap3A_1292, %swap3A_1293, %swap3A_1294], %swap3A_1297 {strides = array<i32>} : memref<2x128x128xf32, #tpu.memory_space<vmem>>, vector<1x1x16xf32>,
          %mul3A_1298 = vector.broadcast %squeeze3A_1258 : f32 to vector<16xf32>
          %mul3A_1299 = arith.mulf %mul3A_1298, %get3A_224 : vector<16xf32>
          %add3A_1300 = arith.addf %mul3A_1299, %get3A_256 : vector<16xf32>
          %mul3A_1301 = arith.constant 16 : i32
          %mul3A_1302 = arith.muli %scan3A_299, %mul3A_1301 : i32
          %add3A_1303 = arith.constant 9 : i32
          %add3A_1304 = arith.addi %mul3A_1302, %add3A_1303 : i32
          %swap3A_1305 = arith.index_cast %rem3A_200 : i32 to index
          %swap3A_1306 = arith.index_cast %add3A_1304 : i32 to index
          %swap3A_1307 = arith.constant 48 : index
          %swap3A_1308 = tpu.vector_load %arg13[%swap3A_1305, %swap3A_1306, %swap3A_1307] {strides = array<i32>} : memref<2x128x128xf32, #tpu.memory_space<vmem>>, vector<1x1x16xf32>,
          %swap3A_1309 = vector.shape_cast %swap3A_1308 : vector<1x1x16xf32> to vector<16xf32>
          %swap3A_1310 = vector.shape_cast %add3A_1300 : vector<16xf32> to vector<1x1x16xf32>
          tpu.vector_store %arg13[%swap3A_1305, %swap3A_1306, %swap3A_1307], %swap3A_1310 {strides = array<i32>} : memref<2x128x128xf32, #tpu.memory_space<vmem>>, vector<1x1x16xf32>,
          %mul3A_1311 = vector.broadcast %squeeze3A_1258 : f32 to vector<16xf32>
          %mul3A_1312 = arith.mulf %mul3A_1311, %get3A_228 : vector<16xf32>
          %add3A_1313 = arith.addf %mul3A_1312, %get3A_260 : vector<16xf32>
          %mul3A_1314 = arith.constant 16 : i32
          %mul3A_1315 = arith.muli %scan3A_299, %mul3A_1314 : i32
          %add3A_1316 = arith.constant 9 : i32
          %add3A_1317 = arith.addi %mul3A_1315, %add3A_1316 : i32
          %swap3A_1318 = arith.index_cast %rem3A_200 : i32 to index
          %swap3A_1319 = arith.index_cast %add3A_1317 : i32 to index
          %swap3A_1320 = arith.constant 64 : index
          %swap3A_1321 = tpu.vector_load %arg13[%swap3A_1318, %swap3A_1319, %swap3A_1320] {strides = array<i32>} : memref<2x128x128xf32, #tpu.memory_space<vmem>>, vector<1x1x16xf32>,
          %swap3A_1322 = vector.shape_cast %swap3A_1321 : vector<1x1x16xf32> to vector<16xf32>
          %swap3A_1323 = vector.shape_cast %add3A_1313 : vector<16xf32> to vector<1x1x16xf32>
          tpu.vector_store %arg13[%swap3A_1318, %swap3A_1319, %swap3A_1320], %swap3A_1323 {strides = array<i32>} : memref<2x128x128xf32, #tpu.memory_space<vmem>>, vector<1x1x16xf32>,
          %mul3A_1324 = vector.broadcast %squeeze3A_1258 : f32 to vector<16xf32>
          %mul3A_1325 = arith.mulf %mul3A_1324, %get3A_232 : vector<16xf32>
          %add3A_1326 = arith.addf %mul3A_1325, %get3A_264 : vector<16xf32>
          %mul3A_1327 = arith.constant 16 : i32
          %mul3A_1328 = arith.muli %scan3A_299, %mul3A_1327 : i32
          %add3A_1329 = arith.constant 9 : i32
          %add3A_1330 = arith.addi %mul3A_1328, %add3A_1329 : i32
          %swap3A_1331 = arith.index_cast %rem3A_200 : i32 to index
          %swap3A_1332 = arith.index_cast %add3A_1330 : i32 to index
          %swap3A_1333 = arith.constant 80 : index
          %swap3A_1334 = tpu.vector_load %arg13[%swap3A_1331, %swap3A_1332, %swap3A_1333] {strides = array<i32>} : memref<2x128x128xf32, #tpu.memory_space<vmem>>, vector<1x1x16xf32>,
          %swap3A_1335 = vector.shape_cast %swap3A_1334 : vector<1x1x16xf32> to vector<16xf32>
          %swap3A_1336 = vector.shape_cast %add3A_1326 : vector<16xf32> to vector<1x1x16xf32>
          tpu.vector_store %arg13[%swap3A_1331, %swap3A_1332, %swap3A_1333], %swap3A_1336 {strides = array<i32>} : memref<2x128x128xf32, #tpu.memory_space<vmem>>, vector<1x1x16xf32>,
          %mul3A_1337 = vector.broadcast %squeeze3A_1258 : f32 to vector<16xf32>
          %mul3A_1338 = arith.mulf %mul3A_1337, %get3A_236 : vector<16xf32>
          %add3A_1339 = arith.addf %mul3A_1338, %get3A_268 : vector<16xf32>
          %mul3A_1340 = arith.constant 16 : i32
          %mul3A_1341 = arith.muli %scan3A_299, %mul3A_1340 : i32
          %add3A_1342 = arith.constant 9 : i32
          %add3A_1343 = arith.addi %mul3A_1341, %add3A_1342 : i32
          %swap3A_1344 = arith.index_cast %rem3A_200 : i32 to index
          %swap3A_1345 = arith.index_cast %add3A_1343 : i32 to index
          %swap3A_1346 = arith.constant 96 : index
          %swap3A_1347 = tpu.vector_load %arg13[%swap3A_1344, %swap3A_1345, %swap3A_1346] {strides = array<i32>} : memref<2x128x128xf32, #tpu.memory_space<vmem>>, vector<1x1x16xf32>,
          %swap3A_1348 = vector.shape_cast %swap3A_1347 : vector<1x1x16xf32> to vector<16xf32>
          %swap3A_1349 = vector.shape_cast %add3A_1339 : vector<16xf32> to vector<1x1x16xf32>
          tpu.vector_store %arg13[%swap3A_1344, %swap3A_1345, %swap3A_1346], %swap3A_1349 {strides = array<i32>} : memref<2x128x128xf32, #tpu.memory_space<vmem>>, vector<1x1x16xf32>,
          %mul3A_1350 = vector.broadcast %squeeze3A_1258 : f32 to vector<16xf32>
          %mul3A_1351 = arith.mulf %mul3A_1350, %get3A_240 : vector<16xf32>
          %add3A_1352 = arith.addf %mul3A_1351, %get3A_272 : vector<16xf32>
          %mul3A_1353 = arith.constant 16 : i32
          %mul3A_1354 = arith.muli %scan3A_299, %mul3A_1353 : i32
          %add3A_1355 = arith.constant 9 : i32
          %add3A_1356 = arith.addi %mul3A_1354, %add3A_1355 : i32
          %swap3A_1357 = arith.index_cast %rem3A_200 : i32 to index
          %swap3A_1358 = arith.index_cast %add3A_1356 : i32 to index
          %swap3A_1359 = arith.constant 112 : index
          %swap3A_1360 = tpu.vector_load %arg13[%swap3A_1357, %swap3A_1358, %swap3A_1359] {strides = array<i32>} : memref<2x128x128xf32, #tpu.memory_space<vmem>>, vector<1x1x16xf32>,
          %swap3A_1361 = vector.shape_cast %swap3A_1360 : vector<1x1x16xf32> to vector<16xf32>
          %swap3A_1362 = vector.shape_cast %add3A_1352 : vector<16xf32> to vector<1x1x16xf32>
          tpu.vector_store %arg13[%swap3A_1357, %swap3A_1358, %swap3A_1359], %swap3A_1362 {strides = array<i32>} : memref<2x128x128xf32, #tpu.memory_space<vmem>>, vector<1x1x16xf32>,
          %slice3A_1363 = vector.extract_strided_slice %get3A_305 {offsets = [10], sizes = [1], strides = [1]} : vector<16xf32> to vector<1xf32>
          %squeeze3A_1364 = vector.extract %slice3A_1363[0] : f32 from vector<1xf32>
          %mul3A_1365 = vector.broadcast %squeeze3A_1364 : f32 to vector<16xf32>
          %mul3A_1366 = arith.mulf %mul3A_1365, %get3A_212 : vector<16xf32>
          %add3A_1367 = arith.addf %mul3A_1366, %get3A_244 : vector<16xf32>
          %mul3A_1368 = arith.constant 16 : i32
          %mul3A_1369 = arith.muli %scan3A_299, %mul3A_1368 : i32
          %add3A_1370 = arith.constant 10 : i32
          %add3A_1371 = arith.addi %mul3A_1369, %add3A_1370 : i32
          %swap3A_1372 = arith.index_cast %rem3A_200 : i32 to index
          %swap3A_1373 = arith.index_cast %add3A_1371 : i32 to index
          %swap3A_1374 = arith.constant 0 : index
          %swap3A_1375 = tpu.vector_load %arg13[%swap3A_1372, %swap3A_1373, %swap3A_1374] {strides = array<i32>} : memref<2x128x128xf32, #tpu.memory_space<vmem>>, vector<1x1x16xf32>,
          %swap3A_1376 = vector.shape_cast %swap3A_1375 : vector<1x1x16xf32> to vector<16xf32>
          %swap3A_1377 = vector.shape_cast %add3A_1367 : vector<16xf32> to vector<1x1x16xf32>
          tpu.vector_store %arg13[%swap3A_1372, %swap3A_1373, %swap3A_1374], %swap3A_1377 {strides = array<i32>} : memref<2x128x128xf32, #tpu.memory_space<vmem>>, vector<1x1x16xf32>,
          %mul3A_1378 = vector.broadcast %squeeze3A_1364 : f32 to vector<16xf32>
          %mul3A_1379 = arith.mulf %mul3A_1378, %get3A_216 : vector<16xf32>
          %add3A_1380 = arith.addf %mul3A_1379, %get3A_248 : vector<16xf32>
          %mul3A_1381 = arith.constant 16 : i32
          %mul3A_1382 = arith.muli %scan3A_299, %mul3A_1381 : i32
          %add3A_1383 = arith.constant 10 : i32
          %add3A_1384 = arith.addi %mul3A_1382, %add3A_1383 : i32
          %swap3A_1385 = arith.index_cast %rem3A_200 : i32 to index
          %swap3A_1386 = arith.index_cast %add3A_1384 : i32 to index
          %swap3A_1387 = arith.constant 16 : index
          %swap3A_1388 = tpu.vector_load %arg13[%swap3A_1385, %swap3A_1386, %swap3A_1387] {strides = array<i32>} : memref<2x128x128xf32, #tpu.memory_space<vmem>>, vector<1x1x16xf32>,
          %swap3A_1389 = vector.shape_cast %swap3A_1388 : vector<1x1x16xf32> to vector<16xf32>
          %swap3A_1390 = vector.shape_cast %add3A_1380 : vector<16xf32> to vector<1x1x16xf32>
          tpu.vector_store %arg13[%swap3A_1385, %swap3A_1386, %swap3A_1387], %swap3A_1390 {strides = array<i32>} : memref<2x128x128xf32, #tpu.memory_space<vmem>>, vector<1x1x16xf32>,
          %mul3A_1391 = vector.broadcast %squeeze3A_1364 : f32 to vector<16xf32>
          %mul3A_1392 = arith.mulf %mul3A_1391, %get3A_220 : vector<16xf32>
          %add3A_1393 = arith.addf %mul3A_1392, %get3A_252 : vector<16xf32>
          %mul3A_1394 = arith.constant 16 : i32
          %mul3A_1395 = arith.muli %scan3A_299, %mul3A_1394 : i32
          %add3A_1396 = arith.constant 10 : i32
          %add3A_1397 = arith.addi %mul3A_1395, %add3A_1396 : i32
          %swap3A_1398 = arith.index_cast %rem3A_200 : i32 to index
          %swap3A_1399 = arith.index_cast %add3A_1397 : i32 to index
          %swap3A_1400 = arith.constant 32 : index
          %swap3A_1401 = tpu.vector_load %arg13[%swap3A_1398, %swap3A_1399, %swap3A_1400] {strides = array<i32>} : memref<2x128x128xf32, #tpu.memory_space<vmem>>, vector<1x1x16xf32>,
          %swap3A_1402 = vector.shape_cast %swap3A_1401 : vector<1x1x16xf32> to vector<16xf32>
          %swap3A_1403 = vector.shape_cast %add3A_1393 : vector<16xf32> to vector<1x1x16xf32>
          tpu.vector_store %arg13[%swap3A_1398, %swap3A_1399, %swap3A_1400], %swap3A_1403 {strides = array<i32>} : memref<2x128x128xf32, #tpu.memory_space<vmem>>, vector<1x1x16xf32>,
          %mul3A_1404 = vector.broadcast %squeeze3A_1364 : f32 to vector<16xf32>
          %mul3A_1405 = arith.mulf %mul3A_1404, %get3A_224 : vector<16xf32>
          %add3A_1406 = arith.addf %mul3A_1405, %get3A_256 : vector<16xf32>
          %mul3A_1407 = arith.constant 16 : i32
          %mul3A_1408 = arith.muli %scan3A_299, %mul3A_1407 : i32
          %add3A_1409 = arith.constant 10 : i32
          %add3A_1410 = arith.addi %mul3A_1408, %add3A_1409 : i32
          %swap3A_1411 = arith.index_cast %rem3A_200 : i32 to index
          %swap3A_1412 = arith.index_cast %add3A_1410 : i32 to index
          %swap3A_1413 = arith.constant 48 : index
          %swap3A_1414 = tpu.vector_load %arg13[%swap3A_1411, %swap3A_1412, %swap3A_1413] {strides = array<i32>} : memref<2x128x128xf32, #tpu.memory_space<vmem>>, vector<1x1x16xf32>,
          %swap3A_1415 = vector.shape_cast %swap3A_1414 : vector<1x1x16xf32> to vector<16xf32>
          %swap3A_1416 = vector.shape_cast %add3A_1406 : vector<16xf32> to vector<1x1x16xf32>
          tpu.vector_store %arg13[%swap3A_1411, %swap3A_1412, %swap3A_1413], %swap3A_1416 {strides = array<i32>} : memref<2x128x128xf32, #tpu.memory_space<vmem>>, vector<1x1x16xf32>,
          %mul3A_1417 = vector.broadcast %squeeze3A_1364 : f32 to vector<16xf32>
          %mul3A_1418 = arith.mulf %mul3A_1417, %get3A_228 : vector<16xf32>
          %add3A_1419 = arith.addf %mul3A_1418, %get3A_260 : vector<16xf32>
          %mul3A_1420 = arith.constant 16 : i32
          %mul3A_1421 = arith.muli %scan3A_299, %mul3A_1420 : i32
          %add3A_1422 = arith.constant 10 : i32
          %add3A_1423 = arith.addi %mul3A_1421, %add3A_1422 : i32
          %swap3A_1424 = arith.index_cast %rem3A_200 : i32 to index
          %swap3A_1425 = arith.index_cast %add3A_1423 : i32 to index
          %swap3A_1426 = arith.constant 64 : index
          %swap3A_1427 = tpu.vector_load %arg13[%swap3A_1424, %swap3A_1425, %swap3A_1426] {strides = array<i32>} : memref<2x128x128xf32, #tpu.memory_space<vmem>>, vector<1x1x16xf32>,
          %swap3A_1428 = vector.shape_cast %swap3A_1427 : vector<1x1x16xf32> to vector<16xf32>
          %swap3A_1429 = vector.shape_cast %add3A_1419 : vector<16xf32> to vector<1x1x16xf32>
          tpu.vector_store %arg13[%swap3A_1424, %swap3A_1425, %swap3A_1426], %swap3A_1429 {strides = array<i32>} : memref<2x128x128xf32, #tpu.memory_space<vmem>>, vector<1x1x16xf32>,
          %mul3A_1430 = vector.broadcast %squeeze3A_1364 : f32 to vector<16xf32>
          %mul3A_1431 = arith.mulf %mul3A_1430, %get3A_232 : vector<16xf32>
          %add3A_1432 = arith.addf %mul3A_1431, %get3A_264 : vector<16xf32>
          %mul3A_1433 = arith.constant 16 : i32
          %mul3A_1434 = arith.muli %scan3A_299, %mul3A_1433 : i32
          %add3A_1435 = arith.constant 10 : i32
          %add3A_1436 = arith.addi %mul3A_1434, %add3A_1435 : i32
          %swap3A_1437 = arith.index_cast %rem3A_200 : i32 to index
          %swap3A_1438 = arith.index_cast %add3A_1436 : i32 to index
          %swap3A_1439 = arith.constant 80 : index
          %swap3A_1440 = tpu.vector_load %arg13[%swap3A_1437, %swap3A_1438, %swap3A_1439] {strides = array<i32>} : memref<2x128x128xf32, #tpu.memory_space<vmem>>, vector<1x1x16xf32>,
          %swap3A_1441 = vector.shape_cast %swap3A_1440 : vector<1x1x16xf32> to vector<16xf32>
          %swap3A_1442 = vector.shape_cast %add3A_1432 : vector<16xf32> to vector<1x1x16xf32>
          tpu.vector_store %arg13[%swap3A_1437, %swap3A_1438, %swap3A_1439], %swap3A_1442 {strides = array<i32>} : memref<2x128x128xf32, #tpu.memory_space<vmem>>, vector<1x1x16xf32>,
          %mul3A_1443 = vector.broadcast %squeeze3A_1364 : f32 to vector<16xf32>
          %mul3A_1444 = arith.mulf %mul3A_1443, %get3A_236 : vector<16xf32>
          %add3A_1445 = arith.addf %mul3A_1444, %get3A_268 : vector<16xf32>
          %mul3A_1446 = arith.constant 16 : i32
          %mul3A_1447 = arith.muli %scan3A_299, %mul3A_1446 : i32
          %add3A_1448 = arith.constant 10 : i32
          %add3A_1449 = arith.addi %mul3A_1447, %add3A_1448 : i32
          %swap3A_1450 = arith.index_cast %rem3A_200 : i32 to index
          %swap3A_1451 = arith.index_cast %add3A_1449 : i32 to index
          %swap3A_1452 = arith.constant 96 : index
          %swap3A_1453 = tpu.vector_load %arg13[%swap3A_1450, %swap3A_1451, %swap3A_1452] {strides = array<i32>} : memref<2x128x128xf32, #tpu.memory_space<vmem>>, vector<1x1x16xf32>,
          %swap3A_1454 = vector.shape_cast %swap3A_1453 : vector<1x1x16xf32> to vector<16xf32>
          %swap3A_1455 = vector.shape_cast %add3A_1445 : vector<16xf32> to vector<1x1x16xf32>
          tpu.vector_store %arg13[%swap3A_1450, %swap3A_1451, %swap3A_1452], %swap3A_1455 {strides = array<i32>} : memref<2x128x128xf32, #tpu.memory_space<vmem>>, vector<1x1x16xf32>,
          %mul3A_1456 = vector.broadcast %squeeze3A_1364 : f32 to vector<16xf32>
          %mul3A_1457 = arith.mulf %mul3A_1456, %get3A_240 : vector<16xf32>
          %add3A_1458 = arith.addf %mul3A_1457, %get3A_272 : vector<16xf32>
          %mul3A_1459 = arith.constant 16 : i32
          %mul3A_1460 = arith.muli %scan3A_299, %mul3A_1459 : i32
          %add3A_1461 = arith.constant 10 : i32
          %add3A_1462 = arith.addi %mul3A_1460, %add3A_1461 : i32
          %swap3A_1463 = arith.index_cast %rem3A_200 : i32 to index
          %swap3A_1464 = arith.index_cast %add3A_1462 : i32 to index
          %swap3A_1465 = arith.constant 112 : index
          %swap3A_1466 = tpu.vector_load %arg13[%swap3A_1463, %swap3A_1464, %swap3A_1465] {strides = array<i32>} : memref<2x128x128xf32, #tpu.memory_space<vmem>>, vector<1x1x16xf32>,
          %swap3A_1467 = vector.shape_cast %swap3A_1466 : vector<1x1x16xf32> to vector<16xf32>
          %swap3A_1468 = vector.shape_cast %add3A_1458 : vector<16xf32> to vector<1x1x16xf32>
          tpu.vector_store %arg13[%swap3A_1463, %swap3A_1464, %swap3A_1465], %swap3A_1468 {strides = array<i32>} : memref<2x128x128xf32, #tpu.memory_space<vmem>>, vector<1x1x16xf32>,
          %slice3A_1469 = vector.extract_strided_slice %get3A_305 {offsets = [11], sizes = [1], strides = [1]} : vector<16xf32> to vector<1xf32>
          %squeeze3A_1470 = vector.extract %slice3A_1469[0] : f32 from vector<1xf32>
          %mul3A_1471 = vector.broadcast %squeeze3A_1470 : f32 to vector<16xf32>
          %mul3A_1472 = arith.mulf %mul3A_1471, %get3A_212 : vector<16xf32>
          %add3A_1473 = arith.addf %mul3A_1472, %get3A_244 : vector<16xf32>
          %mul3A_1474 = arith.constant 16 : i32
          %mul3A_1475 = arith.muli %scan3A_299, %mul3A_1474 : i32
          %add3A_1476 = arith.constant 11 : i32
          %add3A_1477 = arith.addi %mul3A_1475, %add3A_1476 : i32
          %swap3A_1478 = arith.index_cast %rem3A_200 : i32 to index
          %swap3A_1479 = arith.index_cast %add3A_1477 : i32 to index
          %swap3A_1480 = arith.constant 0 : index
          %swap3A_1481 = tpu.vector_load %arg13[%swap3A_1478, %swap3A_1479, %swap3A_1480] {strides = array<i32>} : memref<2x128x128xf32, #tpu.memory_space<vmem>>, vector<1x1x16xf32>,
          %swap3A_1482 = vector.shape_cast %swap3A_1481 : vector<1x1x16xf32> to vector<16xf32>
          %swap3A_1483 = vector.shape_cast %add3A_1473 : vector<16xf32> to vector<1x1x16xf32>
          tpu.vector_store %arg13[%swap3A_1478, %swap3A_1479, %swap3A_1480], %swap3A_1483 {strides = array<i32>} : memref<2x128x128xf32, #tpu.memory_space<vmem>>, vector<1x1x16xf32>,
          %mul3A_1484 = vector.broadcast %squeeze3A_1470 : f32 to vector<16xf32>
          %mul3A_1485 = arith.mulf %mul3A_1484, %get3A_216 : vector<16xf32>
          %add3A_1486 = arith.addf %mul3A_1485, %get3A_248 : vector<16xf32>
          %mul3A_1487 = arith.constant 16 : i32
          %mul3A_1488 = arith.muli %scan3A_299, %mul3A_1487 : i32
          %add3A_1489 = arith.constant 11 : i32
          %add3A_1490 = arith.addi %mul3A_1488, %add3A_1489 : i32
          %swap3A_1491 = arith.index_cast %rem3A_200 : i32 to index
          %swap3A_1492 = arith.index_cast %add3A_1490 : i32 to index
          %swap3A_1493 = arith.constant 16 : index
          %swap3A_1494 = tpu.vector_load %arg13[%swap3A_1491, %swap3A_1492, %swap3A_1493] {strides = array<i32>} : memref<2x128x128xf32, #tpu.memory_space<vmem>>, vector<1x1x16xf32>,
          %swap3A_1495 = vector.shape_cast %swap3A_1494 : vector<1x1x16xf32> to vector<16xf32>
          %swap3A_1496 = vector.shape_cast %add3A_1486 : vector<16xf32> to vector<1x1x16xf32>
          tpu.vector_store %arg13[%swap3A_1491, %swap3A_1492, %swap3A_1493], %swap3A_1496 {strides = array<i32>} : memref<2x128x128xf32, #tpu.memory_space<vmem>>, vector<1x1x16xf32>,
          %mul3A_1497 = vector.broadcast %squeeze3A_1470 : f32 to vector<16xf32>
          %mul3A_1498 = arith.mulf %mul3A_1497, %get3A_220 : vector<16xf32>
          %add3A_1499 = arith.addf %mul3A_1498, %get3A_252 : vector<16xf32>
          %mul3A_1500 = arith.constant 16 : i32
          %mul3A_1501 = arith.muli %scan3A_299, %mul3A_1500 : i32
          %add3A_1502 = arith.constant 11 : i32
          %add3A_1503 = arith.addi %mul3A_1501, %add3A_1502 : i32
          %swap3A_1504 = arith.index_cast %rem3A_200 : i32 to index
          %swap3A_1505 = arith.index_cast %add3A_1503 : i32 to index
          %swap3A_1506 = arith.constant 32 : index
          %swap3A_1507 = tpu.vector_load %arg13[%swap3A_1504, %swap3A_1505, %swap3A_1506] {strides = array<i32>} : memref<2x128x128xf32, #tpu.memory_space<vmem>>, vector<1x1x16xf32>,
          %swap3A_1508 = vector.shape_cast %swap3A_1507 : vector<1x1x16xf32> to vector<16xf32>
          %swap3A_1509 = vector.shape_cast %add3A_1499 : vector<16xf32> to vector<1x1x16xf32>
          tpu.vector_store %arg13[%swap3A_1504, %swap3A_1505, %swap3A_1506], %swap3A_1509 {strides = array<i32>} : memref<2x128x128xf32, #tpu.memory_space<vmem>>, vector<1x1x16xf32>,
          %mul3A_1510 = vector.broadcast %squeeze3A_1470 : f32 to vector<16xf32>
          %mul3A_1511 = arith.mulf %mul3A_1510, %get3A_224 : vector<16xf32>
          %add3A_1512 = arith.addf %mul3A_1511, %get3A_256 : vector<16xf32>
          %mul3A_1513 = arith.constant 16 : i32
          %mul3A_1514 = arith.muli %scan3A_299, %mul3A_1513 : i32
          %add3A_1515 = arith.constant 11 : i32
          %add3A_1516 = arith.addi %mul3A_1514, %add3A_1515 : i32
          %swap3A_1517 = arith.index_cast %rem3A_200 : i32 to index
          %swap3A_1518 = arith.index_cast %add3A_1516 : i32 to index
          %swap3A_1519 = arith.constant 48 : index
          %swap3A_1520 = tpu.vector_load %arg13[%swap3A_1517, %swap3A_1518, %swap3A_1519] {strides = array<i32>} : memref<2x128x128xf32, #tpu.memory_space<vmem>>, vector<1x1x16xf32>,
          %swap3A_1521 = vector.shape_cast %swap3A_1520 : vector<1x1x16xf32> to vector<16xf32>
          %swap3A_1522 = vector.shape_cast %add3A_1512 : vector<16xf32> to vector<1x1x16xf32>
          tpu.vector_store %arg13[%swap3A_1517, %swap3A_1518, %swap3A_1519], %swap3A_1522 {strides = array<i32>} : memref<2x128x128xf32, #tpu.memory_space<vmem>>, vector<1x1x16xf32>,
          %mul3A_1523 = vector.broadcast %squeeze3A_1470 : f32 to vector<16xf32>
          %mul3A_1524 = arith.mulf %mul3A_1523, %get3A_228 : vector<16xf32>
          %add3A_1525 = arith.addf %mul3A_1524, %get3A_260 : vector<16xf32>
          %mul3A_1526 = arith.constant 16 : i32
          %mul3A_1527 = arith.muli %scan3A_299, %mul3A_1526 : i32
          %add3A_1528 = arith.constant 11 : i32
          %add3A_1529 = arith.addi %mul3A_1527, %add3A_1528 : i32
          %swap3A_1530 = arith.index_cast %rem3A_200 : i32 to index
          %swap3A_1531 = arith.index_cast %add3A_1529 : i32 to index
          %swap3A_1532 = arith.constant 64 : index
          %swap3A_1533 = tpu.vector_load %arg13[%swap3A_1530, %swap3A_1531, %swap3A_1532] {strides = array<i32>} : memref<2x128x128xf32, #tpu.memory_space<vmem>>, vector<1x1x16xf32>,
          %swap3A_1534 = vector.shape_cast %swap3A_1533 : vector<1x1x16xf32> to vector<16xf32>
          %swap3A_1535 = vector.shape_cast %add3A_1525 : vector<16xf32> to vector<1x1x16xf32>
          tpu.vector_store %arg13[%swap3A_1530, %swap3A_1531, %swap3A_1532], %swap3A_1535 {strides = array<i32>} : memref<2x128x128xf32, #tpu.memory_space<vmem>>, vector<1x1x16xf32>,
          %mul3A_1536 = vector.broadcast %squeeze3A_1470 : f32 to vector<16xf32>
          %mul3A_1537 = arith.mulf %mul3A_1536, %get3A_232 : vector<16xf32>
          %add3A_1538 = arith.addf %mul3A_1537, %get3A_264 : vector<16xf32>
          %mul3A_1539 = arith.constant 16 : i32
          %mul3A_1540 = arith.muli %scan3A_299, %mul3A_1539 : i32
          %add3A_1541 = arith.constant 11 : i32
          %add3A_1542 = arith.addi %mul3A_1540, %add3A_1541 : i32
          %swap3A_1543 = arith.index_cast %rem3A_200 : i32 to index
          %swap3A_1544 = arith.index_cast %add3A_1542 : i32 to index
          %swap3A_1545 = arith.constant 80 : index
          %swap3A_1546 = tpu.vector_load %arg13[%swap3A_1543, %swap3A_1544, %swap3A_1545] {strides = array<i32>} : memref<2x128x128xf32, #tpu.memory_space<vmem>>, vector<1x1x16xf32>,
          %swap3A_1547 = vector.shape_cast %swap3A_1546 : vector<1x1x16xf32> to vector<16xf32>
          %swap3A_1548 = vector.shape_cast %add3A_1538 : vector<16xf32> to vector<1x1x16xf32>
          tpu.vector_store %arg13[%swap3A_1543, %swap3A_1544, %swap3A_1545], %swap3A_1548 {strides = array<i32>} : memref<2x128x128xf32, #tpu.memory_space<vmem>>, vector<1x1x16xf32>,
          %mul3A_1549 = vector.broadcast %squeeze3A_1470 : f32 to vector<16xf32>
          %mul3A_1550 = arith.mulf %mul3A_1549, %get3A_236 : vector<16xf32>
          %add3A_1551 = arith.addf %mul3A_1550, %get3A_268 : vector<16xf32>
          %mul3A_1552 = arith.constant 16 : i32
          %mul3A_1553 = arith.muli %scan3A_299, %mul3A_1552 : i32
          %add3A_1554 = arith.constant 11 : i32
          %add3A_1555 = arith.addi %mul3A_1553, %add3A_1554 : i32
          %swap3A_1556 = arith.index_cast %rem3A_200 : i32 to index
          %swap3A_1557 = arith.index_cast %add3A_1555 : i32 to index
          %swap3A_1558 = arith.constant 96 : index
          %swap3A_1559 = tpu.vector_load %arg13[%swap3A_1556, %swap3A_1557, %swap3A_1558] {strides = array<i32>} : memref<2x128x128xf32, #tpu.memory_space<vmem>>, vector<1x1x16xf32>,
          %swap3A_1560 = vector.shape_cast %swap3A_1559 : vector<1x1x16xf32> to vector<16xf32>
          %swap3A_1561 = vector.shape_cast %add3A_1551 : vector<16xf32> to vector<1x1x16xf32>
          tpu.vector_store %arg13[%swap3A_1556, %swap3A_1557, %swap3A_1558], %swap3A_1561 {strides = array<i32>} : memref<2x128x128xf32, #tpu.memory_space<vmem>>, vector<1x1x16xf32>,
          %mul3A_1562 = vector.broadcast %squeeze3A_1470 : f32 to vector<16xf32>
          %mul3A_1563 = arith.mulf %mul3A_1562, %get3A_240 : vector<16xf32>
          %add3A_1564 = arith.addf %mul3A_1563, %get3A_272 : vector<16xf32>
          %mul3A_1565 = arith.constant 16 : i32
          %mul3A_1566 = arith.muli %scan3A_299, %mul3A_1565 : i32
          %add3A_1567 = arith.constant 11 : i32
          %add3A_1568 = arith.addi %mul3A_1566, %add3A_1567 : i32
          %swap3A_1569 = arith.index_cast %rem3A_200 : i32 to index
          %swap3A_1570 = arith.index_cast %add3A_1568 : i32 to index
          %swap3A_1571 = arith.constant 112 : index
          %swap3A_1572 = tpu.vector_load %arg13[%swap3A_1569, %swap3A_1570, %swap3A_1571] {strides = array<i32>} : memref<2x128x128xf32, #tpu.memory_space<vmem>>, vector<1x1x16xf32>,
          %swap3A_1573 = vector.shape_cast %swap3A_1572 : vector<1x1x16xf32> to vector<16xf32>
          %swap3A_1574 = vector.shape_cast %add3A_1564 : vector<16xf32> to vector<1x1x16xf32>
          tpu.vector_store %arg13[%swap3A_1569, %swap3A_1570, %swap3A_1571], %swap3A_1574 {strides = array<i32>} : memref<2x128x128xf32, #tpu.memory_space<vmem>>, vector<1x1x16xf32>,
          %slice3A_1575 = vector.extract_strided_slice %get3A_305 {offsets = [12], sizes = [1], strides = [1]} : vector<16xf32> to vector<1xf32>
          %squeeze3A_1576 = vector.extract %slice3A_1575[0] : f32 from vector<1xf32>
          %mul3A_1577 = vector.broadcast %squeeze3A_1576 : f32 to vector<16xf32>
          %mul3A_1578 = arith.mulf %mul3A_1577, %get3A_212 : vector<16xf32>
          %add3A_1579 = arith.addf %mul3A_1578, %get3A_244 : vector<16xf32>
          %mul3A_1580 = arith.constant 16 : i32
          %mul3A_1581 = arith.muli %scan3A_299, %mul3A_1580 : i32
          %add3A_1582 = arith.constant 12 : i32
          %add3A_1583 = arith.addi %mul3A_1581, %add3A_1582 : i32
          %swap3A_1584 = arith.index_cast %rem3A_200 : i32 to index
          %swap3A_1585 = arith.index_cast %add3A_1583 : i32 to index
          %swap3A_1586 = arith.constant 0 : index
          %swap3A_1587 = tpu.vector_load %arg13[%swap3A_1584, %swap3A_1585, %swap3A_1586] {strides = array<i32>} : memref<2x128x128xf32, #tpu.memory_space<vmem>>, vector<1x1x16xf32>,
          %swap3A_1588 = vector.shape_cast %swap3A_1587 : vector<1x1x16xf32> to vector<16xf32>
          %swap3A_1589 = vector.shape_cast %add3A_1579 : vector<16xf32> to vector<1x1x16xf32>
          tpu.vector_store %arg13[%swap3A_1584, %swap3A_1585, %swap3A_1586], %swap3A_1589 {strides = array<i32>} : memref<2x128x128xf32, #tpu.memory_space<vmem>>, vector<1x1x16xf32>,
          %mul3A_1590 = vector.broadcast %squeeze3A_1576 : f32 to vector<16xf32>
          %mul3A_1591 = arith.mulf %mul3A_1590, %get3A_216 : vector<16xf32>
          %add3A_1592 = arith.addf %mul3A_1591, %get3A_248 : vector<16xf32>
          %mul3A_1593 = arith.constant 16 : i32
          %mul3A_1594 = arith.muli %scan3A_299, %mul3A_1593 : i32
          %add3A_1595 = arith.constant 12 : i32
          %add3A_1596 = arith.addi %mul3A_1594, %add3A_1595 : i32
          %swap3A_1597 = arith.index_cast %rem3A_200 : i32 to index
          %swap3A_1598 = arith.index_cast %add3A_1596 : i32 to index
          %swap3A_1599 = arith.constant 16 : index
          %swap3A_1600 = tpu.vector_load %arg13[%swap3A_1597, %swap3A_1598, %swap3A_1599] {strides = array<i32>} : memref<2x128x128xf32, #tpu.memory_space<vmem>>, vector<1x1x16xf32>,
          %swap3A_1601 = vector.shape_cast %swap3A_1600 : vector<1x1x16xf32> to vector<16xf32>
          %swap3A_1602 = vector.shape_cast %add3A_1592 : vector<16xf32> to vector<1x1x16xf32>
          tpu.vector_store %arg13[%swap3A_1597, %swap3A_1598, %swap3A_1599], %swap3A_1602 {strides = array<i32>} : memref<2x128x128xf32, #tpu.memory_space<vmem>>, vector<1x1x16xf32>,
          %mul3A_1603 = vector.broadcast %squeeze3A_1576 : f32 to vector<16xf32>
          %mul3A_1604 = arith.mulf %mul3A_1603, %get3A_220 : vector<16xf32>
          %add3A_1605 = arith.addf %mul3A_1604, %get3A_252 : vector<16xf32>
          %mul3A_1606 = arith.constant 16 : i32
          %mul3A_1607 = arith.muli %scan3A_299, %mul3A_1606 : i32
          %add3A_1608 = arith.constant 12 : i32
          %add3A_1609 = arith.addi %mul3A_1607, %add3A_1608 : i32
          %swap3A_1610 = arith.index_cast %rem3A_200 : i32 to index
          %swap3A_1611 = arith.index_cast %add3A_1609 : i32 to index
          %swap3A_1612 = arith.constant 32 : index
          %swap3A_1613 = tpu.vector_load %arg13[%swap3A_1610, %swap3A_1611, %swap3A_1612] {strides = array<i32>} : memref<2x128x128xf32, #tpu.memory_space<vmem>>, vector<1x1x16xf32>,
          %swap3A_1614 = vector.shape_cast %swap3A_1613 : vector<1x1x16xf32> to vector<16xf32>
          %swap3A_1615 = vector.shape_cast %add3A_1605 : vector<16xf32> to vector<1x1x16xf32>
          tpu.vector_store %arg13[%swap3A_1610, %swap3A_1611, %swap3A_1612], %swap3A_1615 {strides = array<i32>} : memref<2x128x128xf32, #tpu.memory_space<vmem>>, vector<1x1x16xf32>,
          %mul3A_1616 = vector.broadcast %squeeze3A_1576 : f32 to vector<16xf32>
          %mul3A_1617 = arith.mulf %mul3A_1616, %get3A_224 : vector<16xf32>
          %add3A_1618 = arith.addf %mul3A_1617, %get3A_256 : vector<16xf32>
          %mul3A_1619 = arith.constant 16 : i32
          %mul3A_1620 = arith.muli %scan3A_299, %mul3A_1619 : i32
          %add3A_1621 = arith.constant 12 : i32
          %add3A_1622 = arith.addi %mul3A_1620, %add3A_1621 : i32
          %swap3A_1623 = arith.index_cast %rem3A_200 : i32 to index
          %swap3A_1624 = arith.index_cast %add3A_1622 : i32 to index
          %swap3A_1625 = arith.constant 48 : index
          %swap3A_1626 = tpu.vector_load %arg13[%swap3A_1623, %swap3A_1624, %swap3A_1625] {strides = array<i32>} : memref<2x128x128xf32, #tpu.memory_space<vmem>>, vector<1x1x16xf32>,
          %swap3A_1627 = vector.shape_cast %swap3A_1626 : vector<1x1x16xf32> to vector<16xf32>
          %swap3A_1628 = vector.shape_cast %add3A_1618 : vector<16xf32> to vector<1x1x16xf32>
          tpu.vector_store %arg13[%swap3A_1623, %swap3A_1624, %swap3A_1625], %swap3A_1628 {strides = array<i32>} : memref<2x128x128xf32, #tpu.memory_space<vmem>>, vector<1x1x16xf32>,
          %mul3A_1629 = vector.broadcast %squeeze3A_1576 : f32 to vector<16xf32>
          %mul3A_1630 = arith.mulf %mul3A_1629, %get3A_228 : vector<16xf32>
          %add3A_1631 = arith.addf %mul3A_1630, %get3A_260 : vector<16xf32>
          %mul3A_1632 = arith.constant 16 : i32
          %mul3A_1633 = arith.muli %scan3A_299, %mul3A_1632 : i32
          %add3A_1634 = arith.constant 12 : i32
          %add3A_1635 = arith.addi %mul3A_1633, %add3A_1634 : i32
          %swap3A_1636 = arith.index_cast %rem3A_200 : i32 to index
          %swap3A_1637 = arith.index_cast %add3A_1635 : i32 to index
          %swap3A_1638 = arith.constant 64 : index
          %swap3A_1639 = tpu.vector_load %arg13[%swap3A_1636, %swap3A_1637, %swap3A_1638] {strides = array<i32>} : memref<2x128x128xf32, #tpu.memory_space<vmem>>, vector<1x1x16xf32>,
          %swap3A_1640 = vector.shape_cast %swap3A_1639 : vector<1x1x16xf32> to vector<16xf32>
          %swap3A_1641 = vector.shape_cast %add3A_1631 : vector<16xf32> to vector<1x1x16xf32>
          tpu.vector_store %arg13[%swap3A_1636, %swap3A_1637, %swap3A_1638], %swap3A_1641 {strides = array<i32>} : memref<2x128x128xf32, #tpu.memory_space<vmem>>, vector<1x1x16xf32>,
          %mul3A_1642 = vector.broadcast %squeeze3A_1576 : f32 to vector<16xf32>
          %mul3A_1643 = arith.mulf %mul3A_1642, %get3A_232 : vector<16xf32>
          %add3A_1644 = arith.addf %mul3A_1643, %get3A_264 : vector<16xf32>
          %mul3A_1645 = arith.constant 16 : i32
          %mul3A_1646 = arith.muli %scan3A_299, %mul3A_1645 : i32
          %add3A_1647 = arith.constant 12 : i32
          %add3A_1648 = arith.addi %mul3A_1646, %add3A_1647 : i32
          %swap3A_1649 = arith.index_cast %rem3A_200 : i32 to index
          %swap3A_1650 = arith.index_cast %add3A_1648 : i32 to index
          %swap3A_1651 = arith.constant 80 : index
          %swap3A_1652 = tpu.vector_load %arg13[%swap3A_1649, %swap3A_1650, %swap3A_1651] {strides = array<i32>} : memref<2x128x128xf32, #tpu.memory_space<vmem>>, vector<1x1x16xf32>,
          %swap3A_1653 = vector.shape_cast %swap3A_1652 : vector<1x1x16xf32> to vector<16xf32>
          %swap3A_1654 = vector.shape_cast %add3A_1644 : vector<16xf32> to vector<1x1x16xf32>
          tpu.vector_store %arg13[%swap3A_1649, %swap3A_1650, %swap3A_1651], %swap3A_1654 {strides = array<i32>} : memref<2x128x128xf32, #tpu.memory_space<vmem>>, vector<1x1x16xf32>,
          %mul3A_1655 = vector.broadcast %squeeze3A_1576 : f32 to vector<16xf32>
          %mul3A_1656 = arith.mulf %mul3A_1655, %get3A_236 : vector<16xf32>
          %add3A_1657 = arith.addf %mul3A_1656, %get3A_268 : vector<16xf32>
          %mul3A_1658 = arith.constant 16 : i32
          %mul3A_1659 = arith.muli %scan3A_299, %mul3A_1658 : i32
          %add3A_1660 = arith.constant 12 : i32
          %add3A_1661 = arith.addi %mul3A_1659, %add3A_1660 : i32
          %swap3A_1662 = arith.index_cast %rem3A_200 : i32 to index
          %swap3A_1663 = arith.index_cast %add3A_1661 : i32 to index
          %swap3A_1664 = arith.constant 96 : index
          %swap3A_1665 = tpu.vector_load %arg13[%swap3A_1662, %swap3A_1663, %swap3A_1664] {strides = array<i32>} : memref<2x128x128xf32, #tpu.memory_space<vmem>>, vector<1x1x16xf32>,
          %swap3A_1666 = vector.shape_cast %swap3A_1665 : vector<1x1x16xf32> to vector<16xf32>
          %swap3A_1667 = vector.shape_cast %add3A_1657 : vector<16xf32> to vector<1x1x16xf32>
          tpu.vector_store %arg13[%swap3A_1662, %swap3A_1663, %swap3A_1664], %swap3A_1667 {strides = array<i32>} : memref<2x128x128xf32, #tpu.memory_space<vmem>>, vector<1x1x16xf32>,
          %mul3A_1668 = vector.broadcast %squeeze3A_1576 : f32 to vector<16xf32>
          %mul3A_1669 = arith.mulf %mul3A_1668, %get3A_240 : vector<16xf32>
          %add3A_1670 = arith.addf %mul3A_1669, %get3A_272 : vector<16xf32>
          %mul3A_1671 = arith.constant 16 : i32
          %mul3A_1672 = arith.muli %scan3A_299, %mul3A_1671 : i32
          %add3A_1673 = arith.constant 12 : i32
          %add3A_1674 = arith.addi %mul3A_1672, %add3A_1673 : i32
          %swap3A_1675 = arith.index_cast %rem3A_200 : i32 to index
          %swap3A_1676 = arith.index_cast %add3A_1674 : i32 to index
          %swap3A_1677 = arith.constant 112 : index
          %swap3A_1678 = tpu.vector_load %arg13[%swap3A_1675, %swap3A_1676, %swap3A_1677] {strides = array<i32>} : memref<2x128x128xf32, #tpu.memory_space<vmem>>, vector<1x1x16xf32>,
          %swap3A_1679 = vector.shape_cast %swap3A_1678 : vector<1x1x16xf32> to vector<16xf32>
          %swap3A_1680 = vector.shape_cast %add3A_1670 : vector<16xf32> to vector<1x1x16xf32>
          tpu.vector_store %arg13[%swap3A_1675, %swap3A_1676, %swap3A_1677], %swap3A_1680 {strides = array<i32>} : memref<2x128x128xf32, #tpu.memory_space<vmem>>, vector<1x1x16xf32>,
          %slice3A_1681 = vector.extract_strided_slice %get3A_305 {offsets = [13], sizes = [1], strides = [1]} : vector<16xf32> to vector<1xf32>
          %squeeze3A_1682 = vector.extract %slice3A_1681[0] : f32 from vector<1xf32>
          %mul3A_1683 = vector.broadcast %squeeze3A_1682 : f32 to vector<16xf32>
          %mul3A_1684 = arith.mulf %mul3A_1683, %get3A_212 : vector<16xf32>
          %add3A_1685 = arith.addf %mul3A_1684, %get3A_244 : vector<16xf32>
          %mul3A_1686 = arith.constant 16 : i32
          %mul3A_1687 = arith.muli %scan3A_299, %mul3A_1686 : i32
          %add3A_1688 = arith.constant 13 : i32
          %add3A_1689 = arith.addi %mul3A_1687, %add3A_1688 : i32
          %swap3A_1690 = arith.index_cast %rem3A_200 : i32 to index
          %swap3A_1691 = arith.index_cast %add3A_1689 : i32 to index
          %swap3A_1692 = arith.constant 0 : index
          %swap3A_1693 = tpu.vector_load %arg13[%swap3A_1690, %swap3A_1691, %swap3A_1692] {strides = array<i32>} : memref<2x128x128xf32, #tpu.memory_space<vmem>>, vector<1x1x16xf32>,
          %swap3A_1694 = vector.shape_cast %swap3A_1693 : vector<1x1x16xf32> to vector<16xf32>
          %swap3A_1695 = vector.shape_cast %add3A_1685 : vector<16xf32> to vector<1x1x16xf32>
          tpu.vector_store %arg13[%swap3A_1690, %swap3A_1691, %swap3A_1692], %swap3A_1695 {strides = array<i32>} : memref<2x128x128xf32, #tpu.memory_space<vmem>>, vector<1x1x16xf32>,
          %mul3A_1696 = vector.broadcast %squeeze3A_1682 : f32 to vector<16xf32>
          %mul3A_1697 = arith.mulf %mul3A_1696, %get3A_216 : vector<16xf32>
          %add3A_1698 = arith.addf %mul3A_1697, %get3A_248 : vector<16xf32>
          %mul3A_1699 = arith.constant 16 : i32
          %mul3A_1700 = arith.muli %scan3A_299, %mul3A_1699 : i32
          %add3A_1701 = arith.constant 13 : i32
          %add3A_1702 = arith.addi %mul3A_1700, %add3A_1701 : i32
          %swap3A_1703 = arith.index_cast %rem3A_200 : i32 to index
          %swap3A_1704 = arith.index_cast %add3A_1702 : i32 to index
          %swap3A_1705 = arith.constant 16 : index
          %swap3A_1706 = tpu.vector_load %arg13[%swap3A_1703, %swap3A_1704, %swap3A_1705] {strides = array<i32>} : memref<2x128x128xf32, #tpu.memory_space<vmem>>, vector<1x1x16xf32>,
          %swap3A_1707 = vector.shape_cast %swap3A_1706 : vector<1x1x16xf32> to vector<16xf32>
          %swap3A_1708 = vector.shape_cast %add3A_1698 : vector<16xf32> to vector<1x1x16xf32>
          tpu.vector_store %arg13[%swap3A_1703, %swap3A_1704, %swap3A_1705], %swap3A_1708 {strides = array<i32>} : memref<2x128x128xf32, #tpu.memory_space<vmem>>, vector<1x1x16xf32>,
          %mul3A_1709 = vector.broadcast %squeeze3A_1682 : f32 to vector<16xf32>
          %mul3A_1710 = arith.mulf %mul3A_1709, %get3A_220 : vector<16xf32>
          %add3A_1711 = arith.addf %mul3A_1710, %get3A_252 : vector<16xf32>
          %mul3A_1712 = arith.constant 16 : i32
          %mul3A_1713 = arith.muli %scan3A_299, %mul3A_1712 : i32
          %add3A_1714 = arith.constant 13 : i32
          %add3A_1715 = arith.addi %mul3A_1713, %add3A_1714 : i32
          %swap3A_1716 = arith.index_cast %rem3A_200 : i32 to index
          %swap3A_1717 = arith.index_cast %add3A_1715 : i32 to index
          %swap3A_1718 = arith.constant 32 : index
          %swap3A_1719 = tpu.vector_load %arg13[%swap3A_1716, %swap3A_1717, %swap3A_1718] {strides = array<i32>} : memref<2x128x128xf32, #tpu.memory_space<vmem>>, vector<1x1x16xf32>,
          %swap3A_1720 = vector.shape_cast %swap3A_1719 : vector<1x1x16xf32> to vector<16xf32>
          %swap3A_1721 = vector.shape_cast %add3A_1711 : vector<16xf32> to vector<1x1x16xf32>
          tpu.vector_store %arg13[%swap3A_1716, %swap3A_1717, %swap3A_1718], %swap3A_1721 {strides = array<i32>} : memref<2x128x128xf32, #tpu.memory_space<vmem>>, vector<1x1x16xf32>,
          %mul3A_1722 = vector.broadcast %squeeze3A_1682 : f32 to vector<16xf32>
          %mul3A_1723 = arith.mulf %mul3A_1722, %get3A_224 : vector<16xf32>
          %add3A_1724 = arith.addf %mul3A_1723, %get3A_256 : vector<16xf32>
          %mul3A_1725 = arith.constant 16 : i32
          %mul3A_1726 = arith.muli %scan3A_299, %mul3A_1725 : i32
          %add3A_1727 = arith.constant 13 : i32
          %add3A_1728 = arith.addi %mul3A_1726, %add3A_1727 : i32
          %swap3A_1729 = arith.index_cast %rem3A_200 : i32 to index
          %swap3A_1730 = arith.index_cast %add3A_1728 : i32 to index
          %swap3A_1731 = arith.constant 48 : index
          %swap3A_1732 = tpu.vector_load %arg13[%swap3A_1729, %swap3A_1730, %swap3A_1731] {strides = array<i32>} : memref<2x128x128xf32, #tpu.memory_space<vmem>>, vector<1x1x16xf32>,
          %swap3A_1733 = vector.shape_cast %swap3A_1732 : vector<1x1x16xf32> to vector<16xf32>
          %swap3A_1734 = vector.shape_cast %add3A_1724 : vector<16xf32> to vector<1x1x16xf32>
          tpu.vector_store %arg13[%swap3A_1729, %swap3A_1730, %swap3A_1731], %swap3A_1734 {strides = array<i32>} : memref<2x128x128xf32, #tpu.memory_space<vmem>>, vector<1x1x16xf32>,
          %mul3A_1735 = vector.broadcast %squeeze3A_1682 : f32 to vector<16xf32>
          %mul3A_1736 = arith.mulf %mul3A_1735, %get3A_228 : vector<16xf32>
          %add3A_1737 = arith.addf %mul3A_1736, %get3A_260 : vector<16xf32>
          %mul3A_1738 = arith.constant 16 : i32
          %mul3A_1739 = arith.muli %scan3A_299, %mul3A_1738 : i32
          %add3A_1740 = arith.constant 13 : i32
          %add3A_1741 = arith.addi %mul3A_1739, %add3A_1740 : i32
          %swap3A_1742 = arith.index_cast %rem3A_200 : i32 to index
          %swap3A_1743 = arith.index_cast %add3A_1741 : i32 to index
          %swap3A_1744 = arith.constant 64 : index
          %swap3A_1745 = tpu.vector_load %arg13[%swap3A_1742, %swap3A_1743, %swap3A_1744] {strides = array<i32>} : memref<2x128x128xf32, #tpu.memory_space<vmem>>, vector<1x1x16xf32>,
          %swap3A_1746 = vector.shape_cast %swap3A_1745 : vector<1x1x16xf32> to vector<16xf32>
          %swap3A_1747 = vector.shape_cast %add3A_1737 : vector<16xf32> to vector<1x1x16xf32>
          tpu.vector_store %arg13[%swap3A_1742, %swap3A_1743, %swap3A_1744], %swap3A_1747 {strides = array<i32>} : memref<2x128x128xf32, #tpu.memory_space<vmem>>, vector<1x1x16xf32>,
          %mul3A_1748 = vector.broadcast %squeeze3A_1682 : f32 to vector<16xf32>
          %mul3A_1749 = arith.mulf %mul3A_1748, %get3A_232 : vector<16xf32>
          %add3A_1750 = arith.addf %mul3A_1749, %get3A_264 : vector<16xf32>
          %mul3A_1751 = arith.constant 16 : i32
          %mul3A_1752 = arith.muli %scan3A_299, %mul3A_1751 : i32
          %add3A_1753 = arith.constant 13 : i32
          %add3A_1754 = arith.addi %mul3A_1752, %add3A_1753 : i32
          %swap3A_1755 = arith.index_cast %rem3A_200 : i32 to index
          %swap3A_1756 = arith.index_cast %add3A_1754 : i32 to index
          %swap3A_1757 = arith.constant 80 : index
          %swap3A_1758 = tpu.vector_load %arg13[%swap3A_1755, %swap3A_1756, %swap3A_1757] {strides = array<i32>} : memref<2x128x128xf32, #tpu.memory_space<vmem>>, vector<1x1x16xf32>,
          %swap3A_1759 = vector.shape_cast %swap3A_1758 : vector<1x1x16xf32> to vector<16xf32>
          %swap3A_1760 = vector.shape_cast %add3A_1750 : vector<16xf32> to vector<1x1x16xf32>
          tpu.vector_store %arg13[%swap3A_1755, %swap3A_1756, %swap3A_1757], %swap3A_1760 {strides = array<i32>} : memref<2x128x128xf32, #tpu.memory_space<vmem>>, vector<1x1x16xf32>,
          %mul3A_1761 = vector.broadcast %squeeze3A_1682 : f32 to vector<16xf32>
          %mul3A_1762 = arith.mulf %mul3A_1761, %get3A_236 : vector<16xf32>
          %add3A_1763 = arith.addf %mul3A_1762, %get3A_268 : vector<16xf32>
          %mul3A_1764 = arith.constant 16 : i32
          %mul3A_1765 = arith.muli %scan3A_299, %mul3A_1764 : i32
          %add3A_1766 = arith.constant 13 : i32
          %add3A_1767 = arith.addi %mul3A_1765, %add3A_1766 : i32
          %swap3A_1768 = arith.index_cast %rem3A_200 : i32 to index
          %swap3A_1769 = arith.index_cast %add3A_1767 : i32 to index
          %swap3A_1770 = arith.constant 96 : index
          %swap3A_1771 = tpu.vector_load %arg13[%swap3A_1768, %swap3A_1769, %swap3A_1770] {strides = array<i32>} : memref<2x128x128xf32, #tpu.memory_space<vmem>>, vector<1x1x16xf32>,
          %swap3A_1772 = vector.shape_cast %swap3A_1771 : vector<1x1x16xf32> to vector<16xf32>
          %swap3A_1773 = vector.shape_cast %add3A_1763 : vector<16xf32> to vector<1x1x16xf32>
          tpu.vector_store %arg13[%swap3A_1768, %swap3A_1769, %swap3A_1770], %swap3A_1773 {strides = array<i32>} : memref<2x128x128xf32, #tpu.memory_space<vmem>>, vector<1x1x16xf32>,
          %mul3A_1774 = vector.broadcast %squeeze3A_1682 : f32 to vector<16xf32>
          %mul3A_1775 = arith.mulf %mul3A_1774, %get3A_240 : vector<16xf32>
          %add3A_1776 = arith.addf %mul3A_1775, %get3A_272 : vector<16xf32>
          %mul3A_1777 = arith.constant 16 : i32
          %mul3A_1778 = arith.muli %scan3A_299, %mul3A_1777 : i32
          %add3A_1779 = arith.constant 13 : i32
          %add3A_1780 = arith.addi %mul3A_1778, %add3A_1779 : i32
          %swap3A_1781 = arith.index_cast %rem3A_200 : i32 to index
          %swap3A_1782 = arith.index_cast %add3A_1780 : i32 to index
          %swap3A_1783 = arith.constant 112 : index
          %swap3A_1784 = tpu.vector_load %arg13[%swap3A_1781, %swap3A_1782, %swap3A_1783] {strides = array<i32>} : memref<2x128x128xf32, #tpu.memory_space<vmem>>, vector<1x1x16xf32>,
          %swap3A_1785 = vector.shape_cast %swap3A_1784 : vector<1x1x16xf32> to vector<16xf32>
          %swap3A_1786 = vector.shape_cast %add3A_1776 : vector<16xf32> to vector<1x1x16xf32>
          tpu.vector_store %arg13[%swap3A_1781, %swap3A_1782, %swap3A_1783], %swap3A_1786 {strides = array<i32>} : memref<2x128x128xf32, #tpu.memory_space<vmem>>, vector<1x1x16xf32>,
          %slice3A_1787 = vector.extract_strided_slice %get3A_305 {offsets = [14], sizes = [1], strides = [1]} : vector<16xf32> to vector<1xf32>
          %squeeze3A_1788 = vector.extract %slice3A_1787[0] : f32 from vector<1xf32>
          %mul3A_1789 = vector.broadcast %squeeze3A_1788 : f32 to vector<16xf32>
          %mul3A_1790 = arith.mulf %mul3A_1789, %get3A_212 : vector<16xf32>
          %add3A_1791 = arith.addf %mul3A_1790, %get3A_244 : vector<16xf32>
          %mul3A_1792 = arith.constant 16 : i32
          %mul3A_1793 = arith.muli %scan3A_299, %mul3A_1792 : i32
          %add3A_1794 = arith.constant 14 : i32
          %add3A_1795 = arith.addi %mul3A_1793, %add3A_1794 : i32
          %swap3A_1796 = arith.index_cast %rem3A_200 : i32 to index
          %swap3A_1797 = arith.index_cast %add3A_1795 : i32 to index
          %swap3A_1798 = arith.constant 0 : index
          %swap3A_1799 = tpu.vector_load %arg13[%swap3A_1796, %swap3A_1797, %swap3A_1798] {strides = array<i32>} : memref<2x128x128xf32, #tpu.memory_space<vmem>>, vector<1x1x16xf32>,
          %swap3A_1800 = vector.shape_cast %swap3A_1799 : vector<1x1x16xf32> to vector<16xf32>
          %swap3A_1801 = vector.shape_cast %add3A_1791 : vector<16xf32> to vector<1x1x16xf32>
          tpu.vector_store %arg13[%swap3A_1796, %swap3A_1797, %swap3A_1798], %swap3A_1801 {strides = array<i32>} : memref<2x128x128xf32, #tpu.memory_space<vmem>>, vector<1x1x16xf32>,
          %mul3A_1802 = vector.broadcast %squeeze3A_1788 : f32 to vector<16xf32>
          %mul3A_1803 = arith.mulf %mul3A_1802, %get3A_216 : vector<16xf32>
          %add3A_1804 = arith.addf %mul3A_1803, %get3A_248 : vector<16xf32>
          %mul3A_1805 = arith.constant 16 : i32
          %mul3A_1806 = arith.muli %scan3A_299, %mul3A_1805 : i32
          %add3A_1807 = arith.constant 14 : i32
          %add3A_1808 = arith.addi %mul3A_1806, %add3A_1807 : i32
          %swap3A_1809 = arith.index_cast %rem3A_200 : i32 to index
          %swap3A_1810 = arith.index_cast %add3A_1808 : i32 to index
          %swap3A_1811 = arith.constant 16 : index
          %swap3A_1812 = tpu.vector_load %arg13[%swap3A_1809, %swap3A_1810, %swap3A_1811] {strides = array<i32>} : memref<2x128x128xf32, #tpu.memory_space<vmem>>, vector<1x1x16xf32>,
          %swap3A_1813 = vector.shape_cast %swap3A_1812 : vector<1x1x16xf32> to vector<16xf32>
          %swap3A_1814 = vector.shape_cast %add3A_1804 : vector<16xf32> to vector<1x1x16xf32>
          tpu.vector_store %arg13[%swap3A_1809, %swap3A_1810, %swap3A_1811], %swap3A_1814 {strides = array<i32>} : memref<2x128x128xf32, #tpu.memory_space<vmem>>, vector<1x1x16xf32>,
          %mul3A_1815 = vector.broadcast %squeeze3A_1788 : f32 to vector<16xf32>
          %mul3A_1816 = arith.mulf %mul3A_1815, %get3A_220 : vector<16xf32>
          %add3A_1817 = arith.addf %mul3A_1816, %get3A_252 : vector<16xf32>
          %mul3A_1818 = arith.constant 16 : i32
          %mul3A_1819 = arith.muli %scan3A_299, %mul3A_1818 : i32
          %add3A_1820 = arith.constant 14 : i32
          %add3A_1821 = arith.addi %mul3A_1819, %add3A_1820 : i32
          %swap3A_1822 = arith.index_cast %rem3A_200 : i32 to index
          %swap3A_1823 = arith.index_cast %add3A_1821 : i32 to index
          %swap3A_1824 = arith.constant 32 : index
          %swap3A_1825 = tpu.vector_load %arg13[%swap3A_1822, %swap3A_1823, %swap3A_1824] {strides = array<i32>} : memref<2x128x128xf32, #tpu.memory_space<vmem>>, vector<1x1x16xf32>,
          %swap3A_1826 = vector.shape_cast %swap3A_1825 : vector<1x1x16xf32> to vector<16xf32>
          %swap3A_1827 = vector.shape_cast %add3A_1817 : vector<16xf32> to vector<1x1x16xf32>
          tpu.vector_store %arg13[%swap3A_1822, %swap3A_1823, %swap3A_1824], %swap3A_1827 {strides = array<i32>} : memref<2x128x128xf32, #tpu.memory_space<vmem>>, vector<1x1x16xf32>,
          %mul3A_1828 = vector.broadcast %squeeze3A_1788 : f32 to vector<16xf32>
          %mul3A_1829 = arith.mulf %mul3A_1828, %get3A_224 : vector<16xf32>
          %add3A_1830 = arith.addf %mul3A_1829, %get3A_256 : vector<16xf32>
          %mul3A_1831 = arith.constant 16 : i32
          %mul3A_1832 = arith.muli %scan3A_299, %mul3A_1831 : i32
          %add3A_1833 = arith.constant 14 : i32
          %add3A_1834 = arith.addi %mul3A_1832, %add3A_1833 : i32
          %swap3A_1835 = arith.index_cast %rem3A_200 : i32 to index
          %swap3A_1836 = arith.index_cast %add3A_1834 : i32 to index
          %swap3A_1837 = arith.constant 48 : index
          %swap3A_1838 = tpu.vector_load %arg13[%swap3A_1835, %swap3A_1836, %swap3A_1837] {strides = array<i32>} : memref<2x128x128xf32, #tpu.memory_space<vmem>>, vector<1x1x16xf32>,
          %swap3A_1839 = vector.shape_cast %swap3A_1838 : vector<1x1x16xf32> to vector<16xf32>
          %swap3A_1840 = vector.shape_cast %add3A_1830 : vector<16xf32> to vector<1x1x16xf32>
          tpu.vector_store %arg13[%swap3A_1835, %swap3A_1836, %swap3A_1837], %swap3A_1840 {strides = array<i32>} : memref<2x128x128xf32, #tpu.memory_space<vmem>>, vector<1x1x16xf32>,
          %mul3A_1841 = vector.broadcast %squeeze3A_1788 : f32 to vector<16xf32>
          %mul3A_1842 = arith.mulf %mul3A_1841, %get3A_228 : vector<16xf32>
          %add3A_1843 = arith.addf %mul3A_1842, %get3A_260 : vector<16xf32>
          %mul3A_1844 = arith.constant 16 : i32
          %mul3A_1845 = arith.muli %scan3A_299, %mul3A_1844 : i32
          %add3A_1846 = arith.constant 14 : i32
          %add3A_1847 = arith.addi %mul3A_1845, %add3A_1846 : i32
          %swap3A_1848 = arith.index_cast %rem3A_200 : i32 to index
          %swap3A_1849 = arith.index_cast %add3A_1847 : i32 to index
          %swap3A_1850 = arith.constant 64 : index
          %swap3A_1851 = tpu.vector_load %arg13[%swap3A_1848, %swap3A_1849, %swap3A_1850] {strides = array<i32>} : memref<2x128x128xf32, #tpu.memory_space<vmem>>, vector<1x1x16xf32>,
          %swap3A_1852 = vector.shape_cast %swap3A_1851 : vector<1x1x16xf32> to vector<16xf32>
          %swap3A_1853 = vector.shape_cast %add3A_1843 : vector<16xf32> to vector<1x1x16xf32>
          tpu.vector_store %arg13[%swap3A_1848, %swap3A_1849, %swap3A_1850], %swap3A_1853 {strides = array<i32>} : memref<2x128x128xf32, #tpu.memory_space<vmem>>, vector<1x1x16xf32>,
          %mul3A_1854 = vector.broadcast %squeeze3A_1788 : f32 to vector<16xf32>
          %mul3A_1855 = arith.mulf %mul3A_1854, %get3A_232 : vector<16xf32>
          %add3A_1856 = arith.addf %mul3A_1855, %get3A_264 : vector<16xf32>
          %mul3A_1857 = arith.constant 16 : i32
          %mul3A_1858 = arith.muli %scan3A_299, %mul3A_1857 : i32
          %add3A_1859 = arith.constant 14 : i32
          %add3A_1860 = arith.addi %mul3A_1858, %add3A_1859 : i32
          %swap3A_1861 = arith.index_cast %rem3A_200 : i32 to index
          %swap3A_1862 = arith.index_cast %add3A_1860 : i32 to index
          %swap3A_1863 = arith.constant 80 : index
          %swap3A_1864 = tpu.vector_load %arg13[%swap3A_1861, %swap3A_1862, %swap3A_1863] {strides = array<i32>} : memref<2x128x128xf32, #tpu.memory_space<vmem>>, vector<1x1x16xf32>,
          %swap3A_1865 = vector.shape_cast %swap3A_1864 : vector<1x1x16xf32> to vector<16xf32>
          %swap3A_1866 = vector.shape_cast %add3A_1856 : vector<16xf32> to vector<1x1x16xf32>
          tpu.vector_store %arg13[%swap3A_1861, %swap3A_1862, %swap3A_1863], %swap3A_1866 {strides = array<i32>} : memref<2x128x128xf32, #tpu.memory_space<vmem>>, vector<1x1x16xf32>,
          %mul3A_1867 = vector.broadcast %squeeze3A_1788 : f32 to vector<16xf32>
          %mul3A_1868 = arith.mulf %mul3A_1867, %get3A_236 : vector<16xf32>
          %add3A_1869 = arith.addf %mul3A_1868, %get3A_268 : vector<16xf32>
          %mul3A_1870 = arith.constant 16 : i32
          %mul3A_1871 = arith.muli %scan3A_299, %mul3A_1870 : i32
          %add3A_1872 = arith.constant 14 : i32
          %add3A_1873 = arith.addi %mul3A_1871, %add3A_1872 : i32
          %swap3A_1874 = arith.index_cast %rem3A_200 : i32 to index
          %swap3A_1875 = arith.index_cast %add3A_1873 : i32 to index
          %swap3A_1876 = arith.constant 96 : index
          %swap3A_1877 = tpu.vector_load %arg13[%swap3A_1874, %swap3A_1875, %swap3A_1876] {strides = array<i32>} : memref<2x128x128xf32, #tpu.memory_space<vmem>>, vector<1x1x16xf32>,
          %swap3A_1878 = vector.shape_cast %swap3A_1877 : vector<1x1x16xf32> to vector<16xf32>
          %swap3A_1879 = vector.shape_cast %add3A_1869 : vector<16xf32> to vector<1x1x16xf32>
          tpu.vector_store %arg13[%swap3A_1874, %swap3A_1875, %swap3A_1876], %swap3A_1879 {strides = array<i32>} : memref<2x128x128xf32, #tpu.memory_space<vmem>>, vector<1x1x16xf32>,
          %mul3A_1880 = vector.broadcast %squeeze3A_1788 : f32 to vector<16xf32>
          %mul3A_1881 = arith.mulf %mul3A_1880, %get3A_240 : vector<16xf32>
          %add3A_1882 = arith.addf %mul3A_1881, %get3A_272 : vector<16xf32>
          %mul3A_1883 = arith.constant 16 : i32
          %mul3A_1884 = arith.muli %scan3A_299, %mul3A_1883 : i32
          %add3A_1885 = arith.constant 14 : i32
          %add3A_1886 = arith.addi %mul3A_1884, %add3A_1885 : i32
          %swap3A_1887 = arith.index_cast %rem3A_200 : i32 to index
          %swap3A_1888 = arith.index_cast %add3A_1886 : i32 to index
          %swap3A_1889 = arith.constant 112 : index
          %swap3A_1890 = tpu.vector_load %arg13[%swap3A_1887, %swap3A_1888, %swap3A_1889] {strides = array<i32>} : memref<2x128x128xf32, #tpu.memory_space<vmem>>, vector<1x1x16xf32>,
          %swap3A_1891 = vector.shape_cast %swap3A_1890 : vector<1x1x16xf32> to vector<16xf32>
          %swap3A_1892 = vector.shape_cast %add3A_1882 : vector<16xf32> to vector<1x1x16xf32>
          tpu.vector_store %arg13[%swap3A_1887, %swap3A_1888, %swap3A_1889], %swap3A_1892 {strides = array<i32>} : memref<2x128x128xf32, #tpu.memory_space<vmem>>, vector<1x1x16xf32>,
          %slice3A_1893 = vector.extract_strided_slice %get3A_305 {offsets = [15], sizes = [1], strides = [1]} : vector<16xf32> to vector<1xf32>
          %squeeze3A_1894 = vector.extract %slice3A_1893[0] : f32 from vector<1xf32>
          %mul3A_1895 = vector.broadcast %squeeze3A_1894 : f32 to vector<16xf32>
          %mul3A_1896 = arith.mulf %mul3A_1895, %get3A_212 : vector<16xf32>
          %add3A_1897 = arith.addf %mul3A_1896, %get3A_244 : vector<16xf32>
          %mul3A_1898 = arith.constant 16 : i32
          %mul3A_1899 = arith.muli %scan3A_299, %mul3A_1898 : i32
          %add3A_1900 = arith.constant 15 : i32
          %add3A_1901 = arith.addi %mul3A_1899, %add3A_1900 : i32
          %swap3A_1902 = arith.index_cast %rem3A_200 : i32 to index
          %swap3A_1903 = arith.index_cast %add3A_1901 : i32 to index
          %swap3A_1904 = arith.constant 0 : index
          %swap3A_1905 = tpu.vector_load %arg13[%swap3A_1902, %swap3A_1903, %swap3A_1904] {strides = array<i32>} : memref<2x128x128xf32, #tpu.memory_space<vmem>>, vector<1x1x16xf32>,
          %swap3A_1906 = vector.shape_cast %swap3A_1905 : vector<1x1x16xf32> to vector<16xf32>
          %swap3A_1907 = vector.shape_cast %add3A_1897 : vector<16xf32> to vector<1x1x16xf32>
          tpu.vector_store %arg13[%swap3A_1902, %swap3A_1903, %swap3A_1904], %swap3A_1907 {strides = array<i32>} : memref<2x128x128xf32, #tpu.memory_space<vmem>>, vector<1x1x16xf32>,
          %mul3A_1908 = vector.broadcast %squeeze3A_1894 : f32 to vector<16xf32>
          %mul3A_1909 = arith.mulf %mul3A_1908, %get3A_216 : vector<16xf32>
          %add3A_1910 = arith.addf %mul3A_1909, %get3A_248 : vector<16xf32>
          %mul3A_1911 = arith.constant 16 : i32
          %mul3A_1912 = arith.muli %scan3A_299, %mul3A_1911 : i32
          %add3A_1913 = arith.constant 15 : i32
          %add3A_1914 = arith.addi %mul3A_1912, %add3A_1913 : i32
          %swap3A_1915 = arith.index_cast %rem3A_200 : i32 to index
          %swap3A_1916 = arith.index_cast %add3A_1914 : i32 to index
          %swap3A_1917 = arith.constant 16 : index
          %swap3A_1918 = tpu.vector_load %arg13[%swap3A_1915, %swap3A_1916, %swap3A_1917] {strides = array<i32>} : memref<2x128x128xf32, #tpu.memory_space<vmem>>, vector<1x1x16xf32>,
          %swap3A_1919 = vector.shape_cast %swap3A_1918 : vector<1x1x16xf32> to vector<16xf32>
          %swap3A_1920 = vector.shape_cast %add3A_1910 : vector<16xf32> to vector<1x1x16xf32>
          tpu.vector_store %arg13[%swap3A_1915, %swap3A_1916, %swap3A_1917], %swap3A_1920 {strides = array<i32>} : memref<2x128x128xf32, #tpu.memory_space<vmem>>, vector<1x1x16xf32>,
          %mul3A_1921 = vector.broadcast %squeeze3A_1894 : f32 to vector<16xf32>
          %mul3A_1922 = arith.mulf %mul3A_1921, %get3A_220 : vector<16xf32>
          %add3A_1923 = arith.addf %mul3A_1922, %get3A_252 : vector<16xf32>
          %mul3A_1924 = arith.constant 16 : i32
          %mul3A_1925 = arith.muli %scan3A_299, %mul3A_1924 : i32
          %add3A_1926 = arith.constant 15 : i32
          %add3A_1927 = arith.addi %mul3A_1925, %add3A_1926 : i32
          %swap3A_1928 = arith.index_cast %rem3A_200 : i32 to index
          %swap3A_1929 = arith.index_cast %add3A_1927 : i32 to index
          %swap3A_1930 = arith.constant 32 : index
          %swap3A_1931 = tpu.vector_load %arg13[%swap3A_1928, %swap3A_1929, %swap3A_1930] {strides = array<i32>} : memref<2x128x128xf32, #tpu.memory_space<vmem>>, vector<1x1x16xf32>,
          %swap3A_1932 = vector.shape_cast %swap3A_1931 : vector<1x1x16xf32> to vector<16xf32>
          %swap3A_1933 = vector.shape_cast %add3A_1923 : vector<16xf32> to vector<1x1x16xf32>
          tpu.vector_store %arg13[%swap3A_1928, %swap3A_1929, %swap3A_1930], %swap3A_1933 {strides = array<i32>} : memref<2x128x128xf32, #tpu.memory_space<vmem>>, vector<1x1x16xf32>,
          %mul3A_1934 = vector.broadcast %squeeze3A_1894 : f32 to vector<16xf32>
          %mul3A_1935 = arith.mulf %mul3A_1934, %get3A_224 : vector<16xf32>
          %add3A_1936 = arith.addf %mul3A_1935, %get3A_256 : vector<16xf32>
          %mul3A_1937 = arith.constant 16 : i32
          %mul3A_1938 = arith.muli %scan3A_299, %mul3A_1937 : i32
          %add3A_1939 = arith.constant 15 : i32
          %add3A_1940 = arith.addi %mul3A_1938, %add3A_1939 : i32
          %swap3A_1941 = arith.index_cast %rem3A_200 : i32 to index
          %swap3A_1942 = arith.index_cast %add3A_1940 : i32 to index
          %swap3A_1943 = arith.constant 48 : index
          %swap3A_1944 = tpu.vector_load %arg13[%swap3A_1941, %swap3A_1942, %swap3A_1943] {strides = array<i32>} : memref<2x128x128xf32, #tpu.memory_space<vmem>>, vector<1x1x16xf32>,
          %swap3A_1945 = vector.shape_cast %swap3A_1944 : vector<1x1x16xf32> to vector<16xf32>
          %swap3A_1946 = vector.shape_cast %add3A_1936 : vector<16xf32> to vector<1x1x16xf32>
          tpu.vector_store %arg13[%swap3A_1941, %swap3A_1942, %swap3A_1943], %swap3A_1946 {strides = array<i32>} : memref<2x128x128xf32, #tpu.memory_space<vmem>>, vector<1x1x16xf32>,
          %mul3A_1947 = vector.broadcast %squeeze3A_1894 : f32 to vector<16xf32>
          %mul3A_1948 = arith.mulf %mul3A_1947, %get3A_228 : vector<16xf32>
          %add3A_1949 = arith.addf %mul3A_1948, %get3A_260 : vector<16xf32>
          %mul3A_1950 = arith.constant 16 : i32
          %mul3A_1951 = arith.muli %scan3A_299, %mul3A_1950 : i32
          %add3A_1952 = arith.constant 15 : i32
          %add3A_1953 = arith.addi %mul3A_1951, %add3A_1952 : i32
          %swap3A_1954 = arith.index_cast %rem3A_200 : i32 to index
          %swap3A_1955 = arith.index_cast %add3A_1953 : i32 to index
          %swap3A_1956 = arith.constant 64 : index
          %swap3A_1957 = tpu.vector_load %arg13[%swap3A_1954, %swap3A_1955, %swap3A_1956] {strides = array<i32>} : memref<2x128x128xf32, #tpu.memory_space<vmem>>, vector<1x1x16xf32>,
          %swap3A_1958 = vector.shape_cast %swap3A_1957 : vector<1x1x16xf32> to vector<16xf32>
          %swap3A_1959 = vector.shape_cast %add3A_1949 : vector<16xf32> to vector<1x1x16xf32>
          tpu.vector_store %arg13[%swap3A_1954, %swap3A_1955, %swap3A_1956], %swap3A_1959 {strides = array<i32>} : memref<2x128x128xf32, #tpu.memory_space<vmem>>, vector<1x1x16xf32>,
          %mul3A_1960 = vector.broadcast %squeeze3A_1894 : f32 to vector<16xf32>
          %mul3A_1961 = arith.mulf %mul3A_1960, %get3A_232 : vector<16xf32>
          %add3A_1962 = arith.addf %mul3A_1961, %get3A_264 : vector<16xf32>
          %mul3A_1963 = arith.constant 16 : i32
          %mul3A_1964 = arith.muli %scan3A_299, %mul3A_1963 : i32
          %add3A_1965 = arith.constant 15 : i32
          %add3A_1966 = arith.addi %mul3A_1964, %add3A_1965 : i32
          %swap3A_1967 = arith.index_cast %rem3A_200 : i32 to index
          %swap3A_1968 = arith.index_cast %add3A_1966 : i32 to index
          %swap3A_1969 = arith.constant 80 : index
          %swap3A_1970 = tpu.vector_load %arg13[%swap3A_1967, %swap3A_1968, %swap3A_1969] {strides = array<i32>} : memref<2x128x128xf32, #tpu.memory_space<vmem>>, vector<1x1x16xf32>,
          %swap3A_1971 = vector.shape_cast %swap3A_1970 : vector<1x1x16xf32> to vector<16xf32>
          %swap3A_1972 = vector.shape_cast %add3A_1962 : vector<16xf32> to vector<1x1x16xf32>
          tpu.vector_store %arg13[%swap3A_1967, %swap3A_1968, %swap3A_1969], %swap3A_1972 {strides = array<i32>} : memref<2x128x128xf32, #tpu.memory_space<vmem>>, vector<1x1x16xf32>,
          %mul3A_1973 = vector.broadcast %squeeze3A_1894 : f32 to vector<16xf32>
          %mul3A_1974 = arith.mulf %mul3A_1973, %get3A_236 : vector<16xf32>
          %add3A_1975 = arith.addf %mul3A_1974, %get3A_268 : vector<16xf32>
          %mul3A_1976 = arith.constant 16 : i32
          %mul3A_1977 = arith.muli %scan3A_299, %mul3A_1976 : i32
          %add3A_1978 = arith.constant 15 : i32
          %add3A_1979 = arith.addi %mul3A_1977, %add3A_1978 : i32
          %swap3A_1980 = arith.index_cast %rem3A_200 : i32 to index
          %swap3A_1981 = arith.index_cast %add3A_1979 : i32 to index
          %swap3A_1982 = arith.constant 96 : index
          %swap3A_1983 = tpu.vector_load %arg13[%swap3A_1980, %swap3A_1981, %swap3A_1982] {strides = array<i32>} : memref<2x128x128xf32, #tpu.memory_space<vmem>>, vector<1x1x16xf32>,
          %swap3A_1984 = vector.shape_cast %swap3A_1983 : vector<1x1x16xf32> to vector<16xf32>
          %swap3A_1985 = vector.shape_cast %add3A_1975 : vector<16xf32> to vector<1x1x16xf32>
          tpu.vector_store %arg13[%swap3A_1980, %swap3A_1981, %swap3A_1982], %swap3A_1985 {strides = array<i32>} : memref<2x128x128xf32, #tpu.memory_space<vmem>>, vector<1x1x16xf32>,
          %mul3A_1986 = vector.broadcast %squeeze3A_1894 : f32 to vector<16xf32>
          %mul3A_1987 = arith.mulf %mul3A_1986, %get3A_240 : vector<16xf32>
          %add3A_1988 = arith.addf %mul3A_1987, %get3A_272 : vector<16xf32>
          %mul3A_1989 = arith.constant 16 : i32
          %mul3A_1990 = arith.muli %scan3A_299, %mul3A_1989 : i32
          %add3A_1991 = arith.constant 15 : i32
          %add3A_1992 = arith.addi %mul3A_1990, %add3A_1991 : i32
          %swap3A_1993 = arith.index_cast %rem3A_200 : i32 to index
          %swap3A_1994 = arith.index_cast %add3A_1992 : i32 to index
          %swap3A_1995 = arith.constant 112 : index
          %swap3A_1996 = tpu.vector_load %arg13[%swap3A_1993, %swap3A_1994, %swap3A_1995] {strides = array<i32>} : memref<2x128x128xf32, #tpu.memory_space<vmem>>, vector<1x1x16xf32>,
          %swap3A_1997 = vector.shape_cast %swap3A_1996 : vector<1x1x16xf32> to vector<16xf32>
          %swap3A_1998 = vector.shape_cast %add3A_1988 : vector<16xf32> to vector<1x1x16xf32>
          tpu.vector_store %arg13[%swap3A_1993, %swap3A_1994, %swap3A_1995], %swap3A_1998 {strides = array<i32>} : memref<2x128x128xf32, #tpu.memory_space<vmem>>, vector<1x1x16xf32>,
        }
        %scan3A_278 = arith.constant 8 : i32
        %mul3A_279 = arith.constant 16384 : i32
        %mul3A_280 = arith.muli %div3A_207, %mul3A_279 : i32
        %mul3A_281 = arith.constant 512 : i32
        %mul3A_282 = arith.muli %add3A, %mul3A_281 : i32
        %add3A_283 = arith.addi %mul3A_280, %mul3A_282 : i32
        %mul3A_284 = arith.constant 128 : i32
        %mul3A_285 = arith.muli %rem3A_209, %mul3A_284 : i32
        %add3A_286 = arith.addi %add3A_283, %mul3A_285 : i32
        %dma_start3A_287 = arith.constant 0 : i32
        %dma_start3A_288 = arith.constant 0 : i32
        %dma_start3A_289 = tpu.memref_slice %arg13[%rem3A_200, %dma_start3A_287, %dma_start3A_288] : memref<2x128x128xf32, #tpu.memory_space<vmem>> -> memref<1x128x128xf32, #tpu.memory_space<vmem>>
        %dma_start3A_290 = tpu.memref_squeeze %dma_start3A_289 : memref<1x128x128xf32, #tpu.memory_space<vmem>> -> memref<128x128xf32, #tpu.memory_space<vmem>>
        %dma_start3A_291 = arith.constant 0 : i32
        %dma_start3A_292 = tpu.memref_slice %arg7[%add3A_286, %dma_start3A_291] : memref<638976x128xf32, #tpu.memory_space<hbm>> -> memref<128x128xf32, #tpu.memory_space<hbm>>
        %dma_start3A_293 = arith.constant 0 : i32
        %dma_start3A_294 = tpu.memref_slice %arg7[%add3A_286, %dma_start3A_293] : memref<638976x128xf32, #tpu.memory_space<hbm>> -> memref<128x128xf32, #tpu.memory_space<hbm>>
        %dma_start3A_295 = arith.constant 0 : i32
        %dma_start3A_296 = arith.constant 0 : i32
        %dma_start3A_297 = tpu.memref_slice %arg13[%rem3A_200, %dma_start3A_295, %dma_start3A_296] : memref<2x128x128xf32, #tpu.memory_space<vmem>> -> memref<1x128x128xf32, #tpu.memory_space<vmem>>
        %dma_start3A_298 = tpu.memref_squeeze %dma_start3A_297 : memref<1x128x128xf32, #tpu.memory_space<vmem>> -> memref<128x128xf32, #tpu.memory_space<vmem>>
        tpu.enqueue_dma source(%dma_start3A_298 : memref<128x128xf32, #tpu.memory_space<vmem>>) target(%dma_start3A_294 : memref<128x128xf32, #tpu.memory_space<hbm>>) target_semaphore(%arg16 : memref<!tpu.dma_semaphore, #tpu.memory_space<semaphore_mem>>)
      } else {
      }
    }
    %scan3A_30 = arith.constant 52 : i32
    %dma_wait3A = arith.constant 0 : i32
    %dma_wait3A_31 = arith.constant 0 : i32
    %dma_wait3A_32 = arith.constant 0 : i32
    %dma_wait3A_33 = arith.constant 0 : i32
    %dma_wait3A_34 = tpu.memref_slice %arg12[%dma_wait3A, %dma_wait3A_31, %dma_wait3A_32, %dma_wait3A_33] : memref<2x2x128x128xf32, #tpu.memory_space<vmem>> -> memref<1x1x128x128xf32, #tpu.memory_space<vmem>>
    %dma_wait3A_35 = tpu.memref_squeeze %dma_wait3A_34 : memref<1x1x128x128xf32, #tpu.memory_space<vmem>> -> memref<128x128xf32, #tpu.memory_space<vmem>>
    %dma_wait3A_36 = arith.constant 0 : i32
    %dma_wait3A_37 = arith.constant 0 : i32
    %dma_wait3A_38 = tpu.memref_slice %arg7[%dma_wait3A_36, %dma_wait3A_37] : memref<638976x128xf32, #tpu.memory_space<hbm>> -> memref<128x128xf32, #tpu.memory_space<hbm>>
    %dma_wait3A_39 = arith.constant 0 : i32
    %dma_wait3A_40 = arith.constant 0 : i32
    %dma_wait3A_41 = tpu.memref_slice %arg7[%dma_wait3A_39, %dma_wait3A_40] : memref<638976x128xf32, #tpu.memory_space<hbm>> -> memref<128x128xf32, #tpu.memory_space<hbm>>
    %dma_wait3A_42 = arith.constant 0 : i32
    %dma_wait3A_43 = arith.constant 0 : i32
    %dma_wait3A_44 = tpu.memref_slice %arg12[%dma_wait3A, %dma_wait3A_31, %dma_wait3A_42, %dma_wait3A_43] : memref<2x2x128x128xf32, #tpu.memory_space<vmem>> -> memref<1x1x128x128xf32, #tpu.memory_space<vmem>>
    %dma_wait3A_45 = tpu.memref_squeeze %dma_wait3A_44 : memref<1x1x128x128xf32, #tpu.memory_space<vmem>> -> memref<128x128xf32, #tpu.memory_space<vmem>>
    tpu.wait_dma2 semaphore(%arg15 : memref<!tpu.dma_semaphore, #tpu.memory_space<semaphore_mem>>) src(%dma_wait3A_45 : memref<128x128xf32, #tpu.memory_space<vmem>>) dst(%dma_wait3A_41 : memref<128x128xf32, #tpu.memory_space<hbm>>)
    %dma_wait3A_46 = arith.constant 0 : i32
    %dma_wait3A_47 = arith.constant 0 : i32
    %dma_wait3A_48 = arith.constant 0 : i32
    %dma_wait3A_49 = arith.constant 0 : i32
    %dma_wait3A_50 = tpu.memref_slice %arg12[%dma_wait3A_46, %dma_wait3A_47, %dma_wait3A_48, %dma_wait3A_49] : memref<2x2x128x128xf32, #tpu.memory_space<vmem>> -> memref<1x1x128x128xf32, #tpu.memory_space<vmem>>
    %dma_wait3A_51 = tpu.memref_squeeze %dma_wait3A_50 : memref<1x1x128x128xf32, #tpu.memory_space<vmem>> -> memref<128x128xf32, #tpu.memory_space<vmem>>
    %dma_wait3A_52 = arith.constant 0 : i32
    %dma_wait3A_53 = arith.constant 0 : i32
    %dma_wait3A_54 = tpu.memref_slice %arg7[%dma_wait3A_52, %dma_wait3A_53] : memref<638976x128xf32, #tpu.memory_space<hbm>> -> memref<128x128xf32, #tpu.memory_space<hbm>>
    %dma_wait3A_55 = arith.constant 0 : i32
    %dma_wait3A_56 = arith.constant 0 : i32
    %dma_wait3A_57 = tpu.memref_slice %arg7[%dma_wait3A_55, %dma_wait3A_56] : memref<638976x128xf32, #tpu.memory_space<hbm>> -> memref<128x128xf32, #tpu.memory_space<hbm>>
    %dma_wait3A_58 = arith.constant 0 : i32
    %dma_wait3A_59 = arith.constant 0 : i32
    %dma_wait3A_60 = tpu.memref_slice %arg12[%dma_wait3A_46, %dma_wait3A_47, %dma_wait3A_58, %dma_wait3A_59] : memref<2x2x128x128xf32, #tpu.memory_space<vmem>> -> memref<1x1x128x128xf32, #tpu.memory_space<vmem>>
    %dma_wait3A_61 = tpu.memref_squeeze %dma_wait3A_60 : memref<1x1x128x128xf32, #tpu.memory_space<vmem>> -> memref<128x128xf32, #tpu.memory_space<vmem>>
    tpu.wait_dma2 semaphore(%arg15 : memref<!tpu.dma_semaphore, #tpu.memory_space<semaphore_mem>>) src(%dma_wait3A_61 : memref<128x128xf32, #tpu.memory_space<vmem>>) dst(%dma_wait3A_57 : memref<128x128xf32, #tpu.memory_space<hbm>>)
    %scan3A_62 = arith.constant 0 : i32
    %scan3A_63 = arith.constant 52 : i32
    %scan3A_64 = arith.constant 0 : i32
    %scan3A_65 = arith.addi %scan3A_63, %scan3A_64 : i32
    %scan3A_66 = arith.constant 0 : i32
    %dma_wait3A_67 = arith.constant 0 : i32
    %dma_wait3A_68 = arith.constant 0 : i32
    %dma_wait3A_69 = arith.constant 0 : i32
    %dma_wait3A_70 = tpu.memref_slice %arg13[%dma_wait3A_67, %dma_wait3A_68, %dma_wait3A_69] : memref<2x128x128xf32, #tpu.memory_space<vmem>> -> memref<1x128x128xf32, #tpu.memory_space<vmem>>
    %dma_wait3A_71 = tpu.memref_squeeze %dma_wait3A_70 : memref<1x128x128xf32, #tpu.memory_space<vmem>> -> memref<128x128xf32, #tpu.memory_space<vmem>>
    %dma_wait3A_72 = arith.constant 0 : i32
    %dma_wait3A_73 = arith.constant 0 : i32
    %dma_wait3A_74 = tpu.memref_slice %arg7[%dma_wait3A_72, %dma_wait3A_73] : memref<638976x128xf32, #tpu.memory_space<hbm>> -> memref<128x128xf32, #tpu.memory_space<hbm>>
    %dma_wait3A_75 = arith.constant 0 : i32
    %dma_wait3A_76 = arith.constant 0 : i32
    %dma_wait3A_77 = tpu.memref_slice %arg7[%dma_wait3A_75, %dma_wait3A_76] : memref<638976x128xf32, #tpu.memory_space<hbm>> -> memref<128x128xf32, #tpu.memory_space<hbm>>
    %dma_wait3A_78 = arith.constant 0 : i32
    %dma_wait3A_79 = arith.constant 0 : i32
    %dma_wait3A_80 = tpu.memref_slice %arg13[%dma_wait3A_67, %dma_wait3A_78, %dma_wait3A_79] : memref<2x128x128xf32, #tpu.memory_space<vmem>> -> memref<1x128x128xf32, #tpu.memory_space<vmem>>
    %dma_wait3A_81 = tpu.memref_squeeze %dma_wait3A_80 : memref<1x128x128xf32, #tpu.memory_space<vmem>> -> memref<128x128xf32, #tpu.memory_space<vmem>>
    tpu.wait_dma2 semaphore(%arg16 : memref<!tpu.dma_semaphore, #tpu.memory_space<semaphore_mem>>) src(%dma_wait3A_81 : memref<128x128xf32, #tpu.memory_space<vmem>>) dst(%dma_wait3A_77 : memref<128x128xf32, #tpu.memory_space<hbm>>)
    %dma_wait3A_82 = arith.constant 0 : i32
    %dma_wait3A_83 = arith.constant 0 : i32
    %dma_wait3A_84 = arith.constant 0 : i32
    %dma_wait3A_85 = tpu.memref_slice %arg13[%dma_wait3A_82, %dma_wait3A_83, %dma_wait3A_84] : memref<2x128x128xf32, #tpu.memory_space<vmem>> -> memref<1x128x128xf32, #tpu.memory_space<vmem>>
    %dma_wait3A_86 = tpu.memref_squeeze %dma_wait3A_85 : memref<1x128x128xf32, #tpu.memory_space<vmem>> -> memref<128x128xf32, #tpu.memory_space<vmem>>
    %dma_wait3A_87 = arith.constant 0 : i32
    %dma_wait3A_88 = arith.constant 0 : i32
    %dma_wait3A_89 = tpu.memref_slice %arg7[%dma_wait3A_87, %dma_wait3A_88] : memref<638976x128xf32, #tpu.memory_space<hbm>> -> memref<128x128xf32, #tpu.memory_space<hbm>>
    %dma_wait3A_90 = arith.constant 0 : i32
    %dma_wait3A_91 = arith.constant 0 : i32
    %dma_wait3A_92 = tpu.memref_slice %arg7[%dma_wait3A_90, %dma_wait3A_91] : memref<638976x128xf32, #tpu.memory_space<hbm>> -> memref<128x128xf32, #tpu.memory_space<hbm>>
    %dma_wait3A_93 = arith.constant 0 : i32
    %dma_wait3A_94 = arith.constant 0 : i32
    %dma_wait3A_95 = tpu.memref_slice %arg13[%dma_wait3A_82, %dma_wait3A_93, %dma_wait3A_94] : memref<2x128x128xf32, #tpu.memory_space<vmem>> -> memref<1x128x128xf32, #tpu.memory_space<vmem>>
    %dma_wait3A_96 = tpu.memref_squeeze %dma_wait3A_95 : memref<1x128x128xf32, #tpu.memory_space<vmem>> -> memref<128x128xf32, #tpu.memory_space<vmem>>
    tpu.wait_dma2 semaphore(%arg16 : memref<!tpu.dma_semaphore, #tpu.memory_space<semaphore_mem>>) src(%dma_wait3A_96 : memref<128x128xf32, #tpu.memory_space<vmem>>) dst(%dma_wait3A_92 : memref<128x128xf32, #tpu.memory_space<hbm>>)
    return
  }
}

</mosaic_0001>

<sc_bundles>
// kernel: kernel.3.cloned.1.call-start
scs
__scs_entry_jumppad:
0x0: {  	(pc) =	sbr.rel $0x88, $3  }
0x1: {  	(tag) =	ssettag $0x0;
	lr =	simm.s32 $0x1  }
0x2: {  	[smem:$0x3F9C] =	sst lr;
	_ =	strace $0xD0000000  }
0x3: {  	_ = 	snop  }
0x4: {  	_ = 	snop  }
0x5: {  	_ = 	snop  }
0x6: {  	_ = 	snop  }
0x7: {  	_ = 	snop  }
__scs_overlays_trampoline_lowered:
0x8: {  	[smem:$0x3FAB] =	sst s0  }
0x9: {  	[smem:$0x3FAC] =	sst s1  }
0xa: {  	[smem:$0x3FAD] =	sst s2  }
0xb: {  	[smem:$0x3FAE] =	sst s3  }
0xc: {  	[smem:$0x3FAF] =	sst s4  }
0xd: {  	[smem:$0x3FB0] =	sst s5  }
0xe: {  	[smem:$0x3FB1] =	sst s6  }
0xf: {  	[smem:$0x3FB2] =	sst s7  }
0x10: {  	[smem:$0x3FB3] =	sst s8  }
0x11: {  	[smem:$0x3FB4] =	sst s9;
	s0 =	simm.s32 @!p0 $0x0  }
0x12: {  	s1 =	sld [smem:$0x3F9A];
	s0 =	simm.s32 @p0 $0x1  }
0x13: {  	[smem:$0x3FB5] =	sst s0;
	s0 =	simm.s32 @!p1 $0x0  }
0x14: {  	s2 =	sld [smem:$0x3F99];
	s0 =	simm.s32 @p1 $0x1  }
0x15: {  	[smem:$0x3FB6] =	sst s0;
	s0 =	simm.s32 @!p2 $0x0  }
0x16: {  	s3 =	sld [smem:$0x3FDB];
	s0 =	simm.s32 @p2 $0x1  }
0x17: {  	s4 =	simm.s32 $0x1BF5;
	[smem:$0x3FB8] =	sst s0  }
0x18: {  	s0 =	sld [smem:$0x3F9B];
	_ =	swait.ge [sflag:s4], $0x0  }
0x19: {  	s7 =	sld [smem:$0x3F9C]  }
0x1a: {  	s8 =	sadd.s32 $0xFFFFE003, lr  }
0x1b: {  	s9 =	sadd.s32 $0xFFFFFEF7, lr;
	s5 =	simm.s32 $0xFFFFFFFF;
	p2 =	slt.u32 s8, $0xFFFFF086  }
0x1c: {  	p1 =	slt.u32 s9, $0xF7A;
	s5 =	simm.s32 @!p2 $0x0  }
0x1d: {  	s5 =	simm.s32 @p1 $0x1;
	p0 =	seq.s32 s7, s2  }
0x1e: {  	s7 =	smul.u32 @!p0 $0xF7A, s2;
	p2 =	seq.s32 @!p0 s5, $0x0  }
0x1f: {  	s9 =	smul.u32 $0xF7A, s1;
	s8 =	simm.s32 @!p0 $0x1BF5;
	p2 =	por !p2, p0  }
0x20: {  	[sflag:s8] =	ssyncset.s32 @!p0 $0xFFFFF086;
	s6 =	sadd.s32 @!p0 s3, s7;
	s7 =	simm.s32 @!p0 $0x108  }
0x21: {  	s3 =	sadd.s32 s3, s9;
	s6 =	sadd.s32 @!p0 $0x88, s6;
	s7 =	simm.s32 @p2 $0x1082  }
0x22: {  	[simem:s7], [sflag:s8] =	dma.local @!p0 [hbm:s6], $0xF7A  }
0x23: {  	s9 =	sor.u32 $0xD0000000, s2;
	s6 =	simm.s32 $0x108;
	_ =	swait.ge @!p0 [sflag:s8], $0x0  }
0x24: {  	s3 =	sadd.s32 $0x88, s3;
	s6 =	simm.s32 @!p1 $0x1082;
	[sflag:s4] =	ssyncset.s32 $0xFFFFF086  }
0x25: {  	[simem:s6], [sflag:s4] =	dma.local [hbm:s3], $0xF7A  }
0x26: {  	[smem:$0x3F9C] =	sst s1;
	(tag) =	ssettag s2;
	_ =	strace s9  }
0x27: {  	s1 =	sld [smem:$0x3FAC]  }
0x28: {  	s2 =	sld [smem:$0x3FAD]  }
0x29: {  	s4 =	sld [smem:$0x3FAF]  }
0x2a: {  	p0 =	seq.s32 s5, $0x0;
	s5 =	sld [smem:$0x3FB0]  }
0x2b: {  	s6 =	sld [smem:$0x3FB1]  }
0x2c: {  	s7 =	sld [smem:$0x3FB2]  }
0x2d: {  	s3 =	simm.s32 $0x108;
	s8 =	sld [smem:$0x3FB3]  }
0x2e: {  	s3 =	simm.s32 @!p0 $0x1082;
	s9 =	sld [smem:$0x3FB4]  }
0x2f: {  	lr =	sadd.s32 s0, s3;
	s0 =	sld [smem:$0x3FAB]  }
0x30: {  	s3 =	sld [smem:$0x3FAE]  }
0x31: {  	[smem:$0x3FB7] =	sst s10  }
0x32: {  	s10 =	sld [smem:$0x3FB5];
	_ =	sdelay $0x3  }
0x33: {  	p0 =	seq.s32 s10, $0x1;
	s10 =	sld [smem:$0x3FB7];
	_ =	sdelay $0x3  }
0x34: {  	[smem:$0x3FB7] =	sst s10  }
0x35: {  	s10 =	sld [smem:$0x3FB6];
	_ =	sdelay $0x3  }
0x36: {  	p1 =	seq.s32 s10, $0x1;
	s10 =	sld [smem:$0x3FB7];
	_ =	sdelay $0x3  }
0x37: {  	[smem:$0x3FB7] =	sst s10  }
0x38: {  	s10 =	sld [smem:$0x3FB8]  }
0x39: {  	_ = 	snop;
	(pc) =	sbr.ind lr, $3  }
0x3a: {  	_ = 	snop  }
0x3b: {  	_ = 	snop  }
0x3c: {  	p2 =	seq.s32 s10, $0x1;
	s10 =	sld [smem:$0x3FB7]  }
0x3d: {  	_ =	shalt  }
0x3e: {  	_ =	shalt  }
0x3f: {  	_ =	shalt  }
0x40: {  	_ =	shalt  }
0x41: {  	_ =	shalt  }
0x42: {  	_ =	shalt  }
0x43: {  	_ =	shalt  }
0x44: {  	_ =	shalt  }
0x45: {  	_ =	shalt  }
0x46: {  	_ =	shalt  }
0x47: {  	_ =	shalt  }
0x48: {  	_ =	shalt  }
0x49: {  	_ =	shalt  }
0x4a: {  	_ =	shalt  }
0x4b: {  	_ =	shalt  }
0x4c: {  	_ =	shalt  }
0x4d: {  	_ =	shalt  }
0x4e: {  	_ =	shalt  }
0x4f: {  	_ =	shalt  }
0x50: {  	_ =	shalt  }
0x51: {  	_ =	shalt  }
0x52: {  	_ =	shalt  }
0x53: {  	_ =	shalt  }
0x54: {  	_ =	shalt  }
0x55: {  	_ =	shalt  }
0x56: {  	_ =	shalt  }
0x57: {  	_ =	shalt  }
0x58: {  	_ =	shalt  }
0x59: {  	_ =	shalt  }
0x5a: {  	_ =	shalt  }
0x5b: {  	_ =	shalt  }
0x5c: {  	_ =	shalt  }
0x5d: {  	_ =	shalt  }
0x5e: {  	_ =	shalt  }
0x5f: {  	_ =	shalt  }
0x60: {  	_ =	shalt  }
0x61: {  	_ =	shalt  }
0x62: {  	_ =	shalt  }
0x63: {  	_ =	shalt  }
0x64: {  	_ =	shalt  }
0x65: {  	_ =	shalt  }
0x66: {  	_ =	shalt  }
0x67: {  	_ =	shalt  }
0x68: {  	_ =	shalt  }
0x69: {  	_ =	shalt  }
0x6a: {  	_ =	shalt  }
0x6b: {  	_ =	shalt  }
0x6c: {  	_ =	shalt  }
0x6d: {  	_ =	shalt  }
0x6e: {  	_ =	shalt  }
0x6f: {  	_ =	shalt  }
0x70: {  	_ =	shalt  }
0x71: {  	_ =	shalt  }
0x72: {  	_ =	shalt  }
0x73: {  	_ =	shalt  }
0x74: {  	_ =	shalt  }
0x75: {  	_ =	shalt  }
0x76: {  	_ =	shalt  }
0x77: {  	_ =	shalt  }
0x78: {  	_ =	shalt  }
0x79: {  	_ =	shalt  }
0x7a: {  	_ =	shalt  }
0x7b: {  	_ =	shalt  }
0x7c: {  	_ =	shalt  }
0x7d: {  	_ =	shalt  }
0x7e: {  	_ =	shalt  }
0x7f: {  	_ =	shalt  }
0x80: {  	_ =	shalt  }
0x81: {  	_ =	shalt  }
0x82: {  	_ =	shalt  }
0x83: {  	_ =	shalt  }
0x84: {  	_ =	shalt  }
0x85: {  	_ =	shalt  }
0x86: {  	_ =	shalt  }
0x87: {  	_ =	shalt  }
.Lfunc_end0:
.L_simem_size_0:
called_computation_lowered:
.L_overlay_start_0:
0x88: {  	s2 =	sld [smem:$0x3FD9]  }
0x89: {  	s3 =	sld [smem:$0x3FFE];
	_ =	sdelay $0x1  }
0x8a: {  	s1 =	srdreg.scid  }
0x8b: {  	s0 =	sand.u32 $0x1, s1  }
0x8c: {  	s17 =	sshll.u32 s0, $0xA;
	s2 =	sadd.s32 s3, s2  }
0x8d: {  	s2 =	sadd.s32 s2, s17  }
0x8e: {  	[smem:$0x3FC3] =	sst s2  }
0x8f: {  	_ = 	snop  }
0x90: {  	s2 =	sld [smem:$0x3FC7]  }
0x91: {  	s18 =	sld [smem:$0x3FC6]  }
0x92: {  	s4 =	sld [smem:$0x3FC5]  }
0x93: {  	s5 =	sld [smem:$0x3FD0];
	(tm) =	ssettm $0x1  }
0x94: {  	s6 =	sld [smem:$0x3FFB];
	_ =	sdelay $0x3  }
0x95: {  	_ =	strace s6  }
0x96: {  	s6 =	sld [smem:$0x3FFC];
	_ =	sdelay $0x3  }
0x97: {  	_ =	strace s6  }
0x98: {  	s6 =	sld [smem:$0x3FFD];
	_ =	sdelay $0x3  }
0x99: {  	_ =	strace s6  }
0x9a: {  	_ =	strace $0x8FFFFFFF  }
0x9b: {  	s19 =	sld [smem:$0x3FDB];
	_ =	sdelay $0x1  }
0x9c: {  	s7 =	simm.s32 $_scs_section_size  }
0x9d: {  	s8 =	simm.s32 $_size__tile_overlayer_lowered;
	s9 =	simm.s32 $_tile_overlayer_lowered  }
0x9e: {  	s22 =	simm.s32 $0x1BFF;
	s21 =	sshll.u32 s9, $0x1;
	s6 =	sadd.s32 s7, s19  }
0x9f: {  	s10 =	simm.s32 $0x0;
	s20 =	sshll.u32 s8, $0x1;
	s8 =	sadd.s32 s21, s6  }
0xa0: {  	[timem:s10], [sflag:s22] =	dma.local [hbm:s8], s20  }
0xa1: {  	_ =	swait.ge [sflag:s22], s20  }
0xa2: {  	s7 =	ssub.s32 $0x0, s20;
	[sflag:s22] =	ssyncset.done $0x0  }
0xa3: {  	[sflag:s22] =	ssyncadd.s32 s7;
	_ =	sdelay $0x1  }
0xa4: {  	s23 =	simm.s32 $0x1B8B  }
0xa5: {  	_ =	swait.ge [sflag:s23], $0x1  }
0xa6: {  	[sflag:s23] =	ssyncset.done $0x0  }
0xa7: {  	s25 =	simm.s32 $0x1B8E;
	s24 =	sld [smem:$0x3FFE];
	[sflag:s23] =	ssyncadd.s32 $0xFFFFFFFF  }
0xa8: {  	s26 =	simm.s32 $execute0_lowered;
	[smem:$0x3FD2] =	sst s25  }
0xa9: {  	s8 =	sshll.u32 s26, $0x1;
	_ =	strace $0x80000046;
	[dreg:$0x1] =	wrdreg $0xFFFFFFFF  }
0xaa: {  	s28 =	simm.s32 $_size_execute0_lowered;
	s6 =	sadd.s32 s6, s8;
	[dreg:$0x0] =	wrdreg $0x0  }
0xab: {  	s8 =	sshll.u32 s28, $0x1;
	[dreg:$0x2] =	wrdreg s6  }
0xac: {  	[dreg:$0x3] =	wrdreg s8  }
0xad: {  	[dreg:$0x4] =	wrdreg $0xC0  }
0xae: {  	_ =	task [dreg:s10], $0x5FFFF  }
0xaf: {  	[dreg:$0x1] =	wrdreg $0xFFFFFFFF  }
0xb0: {  	[dreg:$0x0] =	wrdreg $0x60  }
0xb1: {  	[dreg:$0x2] =	wrdreg s4  }
0xb2: {  	[dreg:$0x3] =	wrdreg s24  }
0xb3: {  	[dreg:$0x4] =	wrdreg s2  }
0xb4: {  	[dreg:$0x5] =	wrdreg s18  }
0xb5: {  	[dreg:$0x6] =	wrdreg s5  }
0xb6: {  	[dreg:$0x7] =	wrdreg $0x9  }
0xb7: {  	_ =	task.clear_ibuf [dreg:s10], $0x8FFFF;
	_ =	strace $0x90000046  }
0xb8: {  	s29 =	simm.s32 $0x9;
	_ =	strace $0x80000048  }
0xb9: {  	_ =	swait.ge [sflag:s29], $0x1  }
0xba: {  	[sflag:s29] =	ssyncadd.s32 $0xFFFFFFFF  }
0xbb: {  	_ =	strace $0x90000048  }
0xbc: {  	_ =	sfence  }
0xbd: {  	s30 =	sld [smem:$0x0];
	_ =	sdelay $0x2  }
0xbe: {  	s31 =	sshll.u32 s1, $0xD;
	s1 =	sshrl.u32 s1, $0x2  }
0xbf: {  	s3 =	sand.u32 $0x4000, s31;
	s1 =	sadd.s32 s1, s30  }
0xc0: {  	s0 =	sor.u32 s3, s0;
	s1 =	sshll.u32 s1, $0x11  }
0xc1: {  	s0 =	sor.u32 s1, s0  }
0xc2: {  	s0 =	sadd.s32 $0x8F2B, s0  }
0xc3: {  	[sflag:s0] =	ssyncadd.remote.s32 $0x1  }
0xc4: {  	_ =	sfence.sel $0xFFFF  }
0xc5: {  	[dreg:$0x0] =	wrdreg $0xFFFFFFFF;
	(pc) =	sbr.abs _section_cstart, $3  }
0xc6: {  	[dreg:$0x1] =	wrdreg $0xFFFFFFFF  }
0xc7: {  	_ =	task.clear_ibuf [dreg:s10], $0x2FFFF;
	_ =	strace $0x9FFFFFFF  }
0xc8: {  	(tm) =	ssettm $0x7FFFFFFF  }
0xc9: {  	_ =	shalt  }
tec
execute0_lowered:
.L_overlay_start_1:
0x0: {  	(tag) =	ssettag $0x1  }
0x1: {  	s1 =	rddreg [dreg:$0x0]  }
0x2: {  	s7 =	rddreg [dreg:$0x1]  }
0x3: {  	s2 =	rddreg [dreg:$0x2];
	s3 =	srdreg.scid  }
0x4: {  	s0 =	stileid.u32;
	s4 =	rddreg [dreg:$0x3]  }
0x5: {  	s5 =	rddreg [dreg:$0x4];
	s6 =	simm.s32 $0x0;
	s13 =	simm.s32 $0x4  }
0x6: {  	s14 =	simm.s32 $0x80;
	s15 =	simm.s32 $0x6000;
	s16 =	simm.s32 $0xA000  }
0x7: {  	s17 =	simm.s32 $0x3400;
	s18 =	simm.s32 $0x5000;
	s19 =	simm.s32 $0x5800  }
0x8: {  	s20 =	simm.s32 $0x1;
	s21 =	simm.s32 $0x3;
	s22 =	simm.s32 $0x2  }
0x9: {  	s8 =	sand.u32 $0x1, s3;
	s30 =	sshll.u32 s0, $0x1;
	s3 =	rddreg [dreg:$0x5]  }
0xa: {  	s23 =	simm.s32 $0x0;
	[smem:$0x7FF] =	sst s6;
	s9 =	sor.u32 s8, s30  }
0xb: {  	s8 =	ssub.s32 $0x2, s8;
	_ =	strace $0x80000047;
	s10 =	smul.u32 $0x680, s9  }
0xc: {  	s11 =	smul.u32 $0x380, s9;
	s12 =	sshrl.u32 s8, $0x1;
	s31 =	sshll.u32 s9, $0xD  }
0xd: {  	s12 =	ssub.s32 s8, s12;
	s9 =	sor.u32 $0x340000, s31;
	s10 =	sadd.s32 s10, s7  }
0xe: {  	s11 =	sadd.s32 s11, s7;
	s12 =	smax.u32 s12, $0x1;
	s7 =	sadd.s32 $0x7600, s10  }
0xf: {  	s8 =	sadd.s32 $0x600, s11;
	s10 =	sadd.s32 $0x800, s5;
	s11 =	sadd.s32 s5, s31  }
.LBB2_1:
0x10: {  	[tilespmem:s6], [sflag:$0x4] =	stream.linear.gather [hbm4b:s7+s6], $0x3400, $0x38;
	[tilespmem:$0x1E000] =	vst v63  }
0x11: {  	_ =	swait.ge [sflag:s13], $0x3400  }
0x12: {  	[sflag:s13] =	ssyncset.done $0x0  }
0x13: {  	[sflag:s13] =	ssyncadd.s32 $0xFFFFCC00  }
0x14: {  	[tilespmem:s15], [sflag:$0x1] =	stream.indirect.gather [hbm4b:s1+s14], $0x80, s6, s14, $0xb8;
	[tilespmem:$0x1E000] =	vst v63  }
0x15: {  	_ = 	snop  }
0x16: {  	[tilespmem:s16], [sflag:$0x1] =	stream.indirect.gather [hbm4b:s1+s14], $0x80, s14, s14, $0xb8;
	[tilespmem:$0x1E000] =	vst v63  }
0x17: {  	_ = 	snop  }
0x18: {  	[tilespmem:s17], [sflag:$0x4] =	stream.linear.gather [hbm4b:s8+s6], $0x1A00, $0x38;
	[tilespmem:$0x1E000] =	vst v63  }
0x19: {  	_ =	swait.ge [sflag:s13], $0x1A00  }
0x1a: {  	[sflag:s13] =	ssyncset.done $0x0  }
0x1b: {  	[sflag:s13] =	ssyncadd.s32 $0xFFFFE600  }
0x1c: {  	[tilespmem:s18], [sflag:$0x4] =	stream.linear.gather [hbm4b:s2+s6], $0x680, $0x38;
	[tilespmem:$0x1E000] =	vst v63  }
0x1d: {  	_ =	swait.ge [sflag:s13], $0x680  }
0x1e: {  	[sflag:s13] =	ssyncset.done $0x0  }
0x1f: {  	[sflag:s13] =	ssyncadd.s32 $0xFFFFF980  }
0x20: {  	[tilespmem:s19], [sflag:$0x4] =	stream.linear.gather [hbm4b:s4+s6], $0x680, $0x38;
	[tilespmem:$0x1E000] =	vst v63  }
0x21: {  	_ =	swait.ge [sflag:s13], $0x680  }
0x22: {  	[sflag:s13] =	ssyncset.done $0x0  }
0x23: {  	s24 =	simm.s32 $0x0;
	[sflag:s13] =	ssyncadd.s32 $0xFFFFF980  }
.LBB2_2:
0x24: {  	_ =	swait.ge [sflag:s20], $0x4000  }
0x25: {  	s28 =	sand.u32 $0x1, s24;
	s25 =	sshll.u32 s24, $0x11;
	[sflag:s20] =	ssyncset.done $0x0  }
0x26: {  	s26 =	sshll.u32 s24, $0xC;
	s25 =	sand.u32 $0x7C0000, s25;
	[sflag:s20] =	ssyncadd.s32 $0xFFFFC000  }
0x27: {  	s29 =	sand.u32 $0x1000, s26;
	s25 =	sadd.s32 s9, s25;
	_ =	swait.ge [sflag:s20], $0x4000  }
0x28: {  	s26 =	sshll.u32 s28, $0xF;
	s25 =	sor.u32 s29, s25;
	[sflag:s20] =	ssyncset.done $0x0  }
0x29: {  	s31 =	sor.u32 $0x6000, s26;
	s30 =	sadd.s32 s5, s25;
	[sflag:s20] =	ssyncadd.s32 $0xFFFFC000  }
0x2a: {  	[hbm4b:s30+s6] =	stream.linear.scatter [tilespmem:s31], [sflag:$0x2], $0x4000, $0x38;
	[tilespmem:$0x1E000] =	vst v63  }
0x2b: {  	p0 =	seq.s32 s24, $0x0;
	s25 =	sadd.s32 s25, s10;
	s31 =	sadd.s32 $0xA000, s26  }
0x2c: {  	[hbm4b:s25+s6] =	stream.linear.scatter [tilespmem:s31], [sflag:$0x2], $0x4000, $0x38;
	[tilespmem:$0x1E000] =	vst v63  }
0x2d: {  	p1 =	seq.s32 @!p0 s24, $0x33;
	s25 =	simm.s32 @!p0 $0x2  }
0x2e: {  	p1 =	por p0, !p1;
	_ =	swait.ge @!p0 [sflag:s25], $0x4000  }
.Ltmp0:
0x2f: {  	[sflag:s25] =	ssyncset.done @!p0 $0x0;
	(pc) =	sbr.rel @!p1 .LBB2_4-.Ltmp0, $4  }
0x30: {  	[sflag:s25] =	ssyncadd.s32 @!p0 $0xFFFFC000  }
0x31: {  	_ =	swait.ge @!p0 [sflag:s25], $0x4000  }
0x32: {  	[sflag:s25] =	ssyncset.done @!p0 $0x0  }
0x33: {  	[sflag:s25] =	ssyncadd.s32 @!p0 $0xFFFFC000;
	s25 =	simm.s32 @!p0 $0x34  }
0x34: {  	s25 =	sadd.s32 @!p0 $0x1, s24  }
0x35: {  	s25 =	simm.s32 @p0 $0x1;
	p0 =	slt.u32 s24, $0x2  }
.Ltmp1:
0x36: {  	s29 =	sshll.u32 s25, $0x8;
	(pc) =	sbr.rel @p0 .LBB2_5-.Ltmp1, $4  }
0x37: {  	s30 =	ssub.s32 $0xE000, s26;
	s29 =	sand.u32 $0x3FFFFF00, s29  }
0x38: {  	[tilespmem:s30], [sflag:$0x1] =	stream.indirect.gather [hbm4b:s1+s14], $0x80, s29, s14, $0xb8;
	[tilespmem:$0x1E000] =	vst v63  }
0x39: {  	s31 =	ssub.s32 $0x12000, s26;
	s29 =	sor.u32 $0x80, s29  }
0x3a: {  	[tilespmem:s31], [sflag:$0x1] =	stream.indirect.gather [hbm4b:s1+s14], $0x80, s29, s14, $0xb8;
	[tilespmem:$0x1E000] =	vst v63  }
.LBB2_4:
0x3b: {  	_ =	swait.ge [sflag:s21], $0x4000  }
0x3c: {  	[sflag:s21] =	ssyncset.done $0x0  }
0x3d: {  	[sflag:s21] =	ssyncadd.s32 $0xFFFFC000  }
.LBB2_5:
0x3e: {  	s29 =	sshll.u32 s24, $0x7  }
0x3f: {  	s26 =	sshrl.u32 s24, $0x2;
	s29 =	sand.u32 $0x3FFFFF80, s29  }
0x40: {  	s30 =	sshll.u32 s26, $0x7;
	s29 =	sadd.s32 $0x3400, s29  }
0x41: {  	v11 =	vld [tilespmem:s30+$0x5000];
	v16 =	vmov s29  }
0x42: {  	v9 =	vld [tilespmem:s30+$0x5010]  }
0x43: {  	v7 =	vld [tilespmem:s30+$0x5020]  }
0x44: {  	v4 =	vld [tilespmem:s30+$0x5030]  }
0x45: {  	v3 =	vld [tilespmem:s30+$0x5040];
	s29 =	simm.s32 $0x0  }
0x46: {  	v17 =	vld.idx.msk [tilespmem:v16+s29+$0x0 ss:$0x1], $0xffff  }
0x47: {  	v1 =	vld [tilespmem:s30+$0x5050]  }
0x48: {  	v2 =	vld [tilespmem:s30+$0x5060]  }
0x49: {  	v0 =	vld [tilespmem:s30+$0x5070]  }
0x4a: {  	v15 =	vld [tilespmem:s30+$0x5800]  }
0x4b: {  	v14 =	vld [tilespmem:s30+$0x5810];
	v18 =	vbroadcast v17, $0x0  }
0x4c: {  	v13 =	vld [tilespmem:s30+$0x5820]  }
0x4d: {  	v12 =	vld [tilespmem:s30+$0x5830];
	v10 =	vmul.f32 v18, v11  }
0x4e: {  	v8 =	vld [tilespmem:s30+$0x5840];
	v19 =	vmul.f32 v18, v9  }
0x4f: {  	s28 =	sshll.u32 s28, $0xE;
	v5 =	vld [tilespmem:s30+$0x5850];
	v20 =	vmul.f32 v18, v7;
	v21 =	vadd.f32 v10, v15  }
0x50: {  	v6 =	vld [tilespmem:s30+$0x5860];
	s29 =	sadd.s32 $0x16400, s28;
	v22 =	vmul.f32 v18, v4;
	v19 =	vadd.f32 v19, v14  }
0x51: {  	v23 =	vmul.f32 v18, v3;
	v10 =	vld [tilespmem:s30+$0x5870];
	v20 =	vadd.f32 v20, v13;
	[tilespmem:s29+$0xFFFFFC00] =	vst v21  }
0x52: {  	v42 =	vbroadcast v17, $0x3;
	v63 =	vmul.f32 v18, v1;
	v62 =	vadd.f32 v22, v12;
	[tilespmem:s29+$0xFFFFFC10] =	vst v19  }
0x53: {  	v35 =	vbroadcast v17, $0x2;
	v24 =	vmul.f32 v18, v2;
	v23 =	vadd.f32 v23, v8;
	[tilespmem:s29+$0xFFFFFC20] =	vst v20  }
0x54: {  	v51 =	vbroadcast v17, $0x4;
	v47 =	vmul.f32 v42, v4;
	v26 =	vadd.f32 v63, v5;
	[tilespmem:s29+$0xFFFFFC30] =	vst v62  }
0x55: {  	v43 =	vmul.f32 v35, v2;
	v28 =	vadd.f32 v24, v6;
	[tilespmem:s29+$0xFFFFFC40] =	vst v23  }
0x56: {  	v53 =	vmul.f32 v51, v11;
	v22 =	vadd.f32 v47, v12;
	[tilespmem:s29+$0xFFFFFC50] =	vst v26  }
0x57: {  	v49 =	vmul.f32 v42, v1;
	v45 =	vadd.f32 v43, v6;
	[tilespmem:s29+$0xFFFFFC60] =	vst v28  }
0x58: {  	v56 =	vmul.f32 v51, v1;
	v19 =	vbroadcast v17, $0x1;
	[tilespmem:s29+$0xFFFFFDB0] =	vst v22;
	v22 =	vadd.f32 v53, v15  }
0x59: {  	v18 =	vmul.f32 v18, v0;
	v52 =	vadd.f32 v49, v5;
	[tilespmem:s29+$0xFFFFFD60] =	vst v45  }
0x5a: {  	v27 =	vmul.f32 v19, v11;
	[tilespmem:s29+$0xFFFFFE00] =	vst v22;
	v22 =	vadd.f32 v56, v5  }
0x5b: {  	[tilespmem:s29+$0xFFFFFDD0] =	vst v52;
	v29 =	vmul.f32 v19, v9;
	v18 =	vadd.f32 v18, v10  }
0x5c: {  	v30 =	vmul.f32 v19, v7;
	v21 =	vadd.f32 v27, v15;
	[tilespmem:s29+$0xFFFFFE50] =	vst v22  }
0x5d: {  	v32 =	vmul.f32 v19, v4;
	v31 =	vadd.f32 v29, v14;
	[tilespmem:s29+$0xFFFFFC70] =	vst v18  }
0x5e: {  	v33 =	vmul.f32 v19, v3;
	v18 =	vadd.f32 v30, v13;
	[tilespmem:s29+$0xFFFFFC80] =	vst v21  }
0x5f: {  	v34 =	vmul.f32 v19, v1;
	v23 =	vadd.f32 v32, v12;
	[tilespmem:s29+$0xFFFFFC90] =	vst v31  }
0x60: {  	v20 =	vadd.f32 v33, v8;
	[tilespmem:s29+$0xFFFFFCA0] =	vst v18;
	v18 =	vmul.f32 v19, v0  }
0x61: {  	v37 =	vmul.f32 v35, v11;
	v36 =	vmul.f32 v19, v2;
	[tilespmem:s29+$0xFFFFFCB0] =	vst v23;
	v19 =	vadd.f32 v34, v5  }
0x62: {  	[tilespmem:s29+$0xFFFFFCC0] =	vst v20;
	v18 =	vadd.f32 v18, v10  }
0x63: {  	v39 =	vmul.f32 v35, v9;
	[tilespmem:s29+$0xFFFFFCD0] =	vst v19;
	v19 =	vadd.f32 v37, v15  }
0x64: {  	v38 =	vadd.f32 v36, v6;
	[tilespmem:s29+$0xFFFFFCF0] =	vst v18;
	v18 =	vmul.f32 v35, v3  }
0x65: {  	v20 =	vadd.f32 v39, v14;
	[tilespmem:s29+$0xFFFFFD00] =	vst v19;
	v19 =	vmul.f32 v35, v1  }
0x66: {  	v40 =	vmul.f32 v35, v7;
	[tilespmem:s29+$0xFFFFFCE0] =	vst v38;
	v18 =	vadd.f32 v18, v8  }
0x67: {  	v41 =	vmul.f32 v35, v4;
	[tilespmem:s29+$0xFFFFFD10] =	vst v20;
	v19 =	vadd.f32 v19, v5  }
0x68: {  	v21 =	vadd.f32 v40, v13;
	[tilespmem:s29+$0xFFFFFD40] =	vst v18;
	v18 =	vmul.f32 v42, v9  }
0x69: {  	v23 =	vadd.f32 v41, v12;
	[tilespmem:s29+$0xFFFFFD50] =	vst v19;
	v19 =	vmul.f32 v42, v7  }
0x6a: {  	v44 =	vmul.f32 v35, v0;
	[tilespmem:s29+$0xFFFFFD20] =	vst v21;
	v18 =	vadd.f32 v18, v14  }
0x6b: {  	v48 =	vmul.f32 v42, v3;
	[tilespmem:s29+$0xFFFFFD30] =	vst v23;
	v19 =	vadd.f32 v19, v13  }
0x6c: {  	v46 =	vmul.f32 v42, v11;
	v21 =	vadd.f32 v44, v10;
	[tilespmem:s29+$0xFFFFFD90] =	vst v18  }
0x6d: {  	v54 =	vmul.f32 v51, v7;
	v18 =	vadd.f32 v48, v8;
	[tilespmem:s29+$0xFFFFFDA0] =	vst v19;
	v19 =	vmul.f32 v42, v0  }
0x6e: {  	v23 =	vadd.f32 v46, v15;
	[tilespmem:s29+$0xFFFFFD70] =	vst v21  }
0x6f: {  	v20 =	vadd.f32 v54, v13;
	[tilespmem:s29+$0xFFFFFDC0] =	vst v18;
	v18 =	vadd.f32 v19, v10;
	v19 =	vmul.f32 v51, v9  }
0x70: {  	v50 =	vmul.f32 v42, v2;
	[tilespmem:s29+$0xFFFFFD80] =	vst v23  }
0x71: {  	v57 =	vmul.f32 v51, v2;
	[tilespmem:s29+$0xFFFFFE20] =	vst v20;
	v19 =	vadd.f32 v19, v14  }
0x72: {  	v21 =	vadd.f32 v50, v6;
	[tilespmem:s29+$0xFFFFFDF0] =	vst v18;
	v18 =	vmul.f32 v51, v3  }
0x73: {  	v55 =	vmul.f32 v51, v4;
	v23 =	vadd.f32 v57, v6;
	[tilespmem:s29+$0xFFFFFE10] =	vst v19;
	v19 =	vbroadcast v17, $0x5  }
0x74: {  	v58 =	vmul.f32 v51, v0;
	[tilespmem:s29+$0xFFFFFDE0] =	vst v21;
	v18 =	vadd.f32 v18, v8  }
0x75: {  	v21 =	vadd.f32 v55, v12;
	[tilespmem:s29+$0xFFFFFE60] =	vst v23;
	v59 =	vmul.f32 v19, v11  }
0x76: {  	v20 =	vadd.f32 v58, v10;
	[tilespmem:s29+$0xFFFFFE40] =	vst v18;
	v18 =	vmul.f32 v19, v9  }
0x77: {  	[tilespmem:s29+$0xFFFFFE30] =	vst v21;
	v60 =	vmul.f32 v19, v7;
	v21 =	vadd.f32 v59, v15  }
0x78: {  	[tilespmem:s29+$0xFFFFFE70] =	vst v20;
	v61 =	vmul.f32 v19, v4;
	v18 =	vadd.f32 v18, v14  }
0x79: {  	v63 =	vmul.f32 v19, v3;
	v62 =	vadd.f32 v60, v13;
	[tilespmem:s29+$0xFFFFFE80] =	vst v21  }
0x7a: {  	v28 =	vmul.f32 v19, v1;
	v23 =	vadd.f32 v61, v12;
	[tilespmem:s29+$0xFFFFFE90] =	vst v18  }
0x7b: {  	v29 =	vmul.f32 v19, v2;
	v22 =	vadd.f32 v63, v8;
	v18 =	vbroadcast v17, $0x6;
	[tilespmem:s29+$0xFFFFFEA0] =	vst v62  }
0x7c: {  	v19 =	vmul.f32 v19, v0;
	v30 =	vadd.f32 v28, v5;
	[tilespmem:s29+$0xFFFFFEB0] =	vst v23  }
0x7d: {  	v32 =	vadd.f32 v29, v6;
	[tilespmem:s29+$0xFFFFFEC0] =	vst v22;
	v31 =	vmul.f32 v18, v11  }
0x7e: {  	v19 =	vadd.f32 v19, v10;
	[tilespmem:s29+$0xFFFFFED0] =	vst v30;
	v33 =	vmul.f32 v18, v9  }
0x7f: {  	[tilespmem:s29+$0xFFFFFEE0] =	vst v32;
	v35 =	vmul.f32 v18, v7;
	v34 =	vadd.f32 v31, v15  }
0x80: {  	[tilespmem:s29+$0xFFFFFEF0] =	vst v19;
	v36 =	vmul.f32 v18, v4;
	v22 =	vadd.f32 v33, v14  }
0x81: {  	v19 =	vmul.f32 v18, v3;
	v21 =	vadd.f32 v35, v13;
	[tilespmem:s29+$0xFFFFFF00] =	vst v34  }
0x82: {  	v37 =	vmul.f32 v18, v1;
	v23 =	vadd.f32 v36, v12;
	[tilespmem:s29+$0xFFFFFF10] =	vst v22  }
0x83: {  	v62 =	vbroadcast v17, $0xA;
	v38 =	vmul.f32 v18, v2;
	v19 =	vadd.f32 v19, v8;
	[tilespmem:s29+$0xFFFFFF20] =	vst v21  }
0x84: {  	v39 =	vbroadcast v17, $0x7;
	v18 =	vmul.f32 v18, v0;
	v20 =	vadd.f32 v37, v5;
	[tilespmem:s29+$0xFFFFFF30] =	vst v23  }
0x85: {  	v30 =	vmul.f32 v62, v1;
	v40 =	vadd.f32 v38, v6;
	[tilespmem:s29+$0xFFFFFF40] =	vst v19  }
0x86: {  	v41 =	vmul.f32 v39, v11;
	v18 =	vadd.f32 v18, v10;
	[tilespmem:s29+$0xFFFFFF50] =	vst v20  }
0x87: {  	v42 =	vmul.f32 v39, v7;
	v33 =	vadd.f32 v30, v5;
	[tilespmem:s29+$0xFFFFFF60] =	vst v40  }
0x88: {  	v43 =	vmul.f32 v39, v4;
	v22 =	vadd.f32 v41, v15;
	[tilespmem:s29+$0xFFFFFF70] =	vst v18  }
0x89: {  	v19 =	vmul.f32 v39, v9;
	v20 =	vadd.f32 v42, v13;
	[tilespmem:s29+$0x150] =	vst v33  }
0x8a: {  	v45 =	vmul.f32 v39, v2;
	v21 =	vadd.f32 v43, v12;
	[tilespmem:s29+$0xFFFFFF80] =	vst v22  }
0x8b: {  	v18 =	vmul.f32 v39, v3;
	v19 =	vadd.f32 v19, v14;
	[tilespmem:s29+$0xFFFFFFA0] =	vst v20  }
0x8c: {  	v44 =	vmul.f32 v39, v1;
	v38 =	vbroadcast v17, $0xC;
	v23 =	vadd.f32 v45, v6;
	[tilespmem:s29+$0xFFFFFFB0] =	vst v21  }
0x8d: {  	v46 =	vmul.f32 v39, v0;
	v18 =	vadd.f32 v18, v8;
	[tilespmem:s29+$0xFFFFFF90] =	vst v19;
	v19 =	vbroadcast v17, $0x8  }
0x8e: {  	v22 =	vadd.f32 v44, v5;
	[tilespmem:s29+$0xFFFFFFE0] =	vst v23;
	v44 =	vmul.f32 v38, v2  }
0x8f: {  	v20 =	vadd.f32 v46, v10;
	[tilespmem:s29+$0xFFFFFFC0] =	vst v18;
	v47 =	vmul.f32 v19, v11  }
0x90: {  	[tilespmem:s29+$0xFFFFFFD0] =	vst v22;
	v46 =	vadd.f32 v44, v6;
	v18 =	vmul.f32 v19, v9  }
0x91: {  	[tilespmem:s29+$0xFFFFFFF0] =	vst v20;
	v48 =	vmul.f32 v19, v7;
	v21 =	vadd.f32 v47, v15  }
0x92: {  	v49 =	vmul.f32 v19, v4;
	[tilespmem:s29+$0x260] =	vst v46;
	v18 =	vadd.f32 v18, v14  }
0x93: {  	v51 =	vmul.f32 v19, v3;
	v50 =	vadd.f32 v48, v13;
	[tilespmem:s29+$0x0] =	vst v21  }
0x94: {  	v52 =	vmul.f32 v19, v1;
	v23 =	vadd.f32 v49, v12;
	[tilespmem:s29+$0x10] =	vst v18  }
0x95: {  	v53 =	vmul.f32 v19, v2;
	v22 =	vadd.f32 v51, v8;
	v18 =	vbroadcast v17, $0x9;
	[tilespmem:s29+$0x20] =	vst v50  }
0x96: {  	v19 =	vmul.f32 v19, v0;
	v54 =	vadd.f32 v52, v5;
	[tilespmem:s29+$0x30] =	vst v23  }
0x97: {  	v56 =	vadd.f32 v53, v6;
	[tilespmem:s29+$0x40] =	vst v22;
	v55 =	vmul.f32 v18, v11  }
0x98: {  	v19 =	vadd.f32 v19, v10;
	[tilespmem:s29+$0x50] =	vst v54;
	v57 =	vmul.f32 v18, v9  }
0x99: {  	[tilespmem:s29+$0x60] =	vst v56;
	v59 =	vmul.f32 v18, v7;
	v58 =	vadd.f32 v55, v15  }
0x9a: {  	[tilespmem:s29+$0x70] =	vst v19;
	v60 =	vmul.f32 v18, v4;
	v22 =	vadd.f32 v57, v14  }
0x9b: {  	v19 =	vmul.f32 v18, v3;
	v21 =	vadd.f32 v59, v13;
	[tilespmem:s29+$0x80] =	vst v58  }
0x9c: {  	v61 =	vmul.f32 v18, v1;
	v23 =	vadd.f32 v60, v12;
	[tilespmem:s29+$0x90] =	vst v22  }
0x9d: {  	v63 =	vmul.f32 v18, v2;
	v19 =	vadd.f32 v19, v8;
	[tilespmem:s29+$0xA0] =	vst v21  }
0x9e: {  	v18 =	vmul.f32 v18, v0;
	v20 =	vadd.f32 v61, v5;
	[tilespmem:s29+$0xB0] =	vst v23  }
0x9f: {  	v27 =	vmul.f32 v62, v11;
	v26 =	vadd.f32 v63, v6;
	[tilespmem:s29+$0xC0] =	vst v19  }
0xa0: {  	v28 =	vmul.f32 v62, v7;
	v31 =	vbroadcast v17, $0xB;
	v18 =	vadd.f32 v18, v10;
	[tilespmem:s29+$0xD0] =	vst v20  }
0xa1: {  	v29 =	vmul.f32 v62, v4;
	v23 =	vadd.f32 v27, v15;
	[tilespmem:s29+$0xE0] =	vst v26  }
0xa2: {  	v36 =	vmul.f32 v31, v7;
	[tilespmem:s29+$0xF0] =	vst v18;
	v20 =	vadd.f32 v28, v13  }
0xa3: {  	v19 =	vmul.f32 v62, v9;
	v21 =	vadd.f32 v29, v12;
	[tilespmem:s29+$0x100] =	vst v23  }
0xa4: {  	v18 =	vmul.f32 v62, v3;
	v22 =	vadd.f32 v36, v13;
	[tilespmem:s29+$0x120] =	vst v20  }
0xa5: {  	v34 =	vmul.f32 v31, v11;
	v19 =	vadd.f32 v19, v14;
	[tilespmem:s29+$0x130] =	vst v21  }
0xa6: {  	v35 =	vmul.f32 v31, v9;
	v18 =	vadd.f32 v18, v8;
	[tilespmem:s29+$0x1A0] =	vst v22  }
0xa7: {  	v32 =	vmul.f32 v62, v0;
	v21 =	vadd.f32 v34, v15;
	[tilespmem:s29+$0x110] =	vst v19  }
0xa8: {  	v20 =	vadd.f32 v35, v14;
	v19 =	vmul.f32 v62, v2;
	[tilespmem:s29+$0x140] =	vst v18  }
0xa9: {  	v39 =	vmul.f32 v31, v2;
	v18 =	vadd.f32 v32, v10;
	[tilespmem:s29+$0x180] =	vst v21  }
0xaa: {  	v40 =	vmul.f32 v31, v0;
	[tilespmem:s29+$0x190] =	vst v20;
	v19 =	vadd.f32 v19, v6  }
0xab: {  	v23 =	vadd.f32 v39, v6;
	[tilespmem:s29+$0x170] =	vst v18;
	v18 =	vmul.f32 v31, v3  }
0xac: {  	v22 =	vadd.f32 v40, v10;
	[tilespmem:s29+$0x160] =	vst v19;
	v19 =	vmul.f32 v31, v4  }
0xad: {  	v37 =	vmul.f32 v31, v1;
	[tilespmem:s29+$0x1E0] =	vst v23;
	v18 =	vadd.f32 v18, v8  }
0xae: {  	v42 =	vmul.f32 v38, v4;
	[tilespmem:s29+$0x1F0] =	vst v22;
	v19 =	vadd.f32 v19, v12  }
0xaf: {  	v21 =	vadd.f32 v37, v5;
	[tilespmem:s29+$0x1C0] =	vst v18;
	v18 =	vmul.f32 v38, v9  }
0xb0: {  	v23 =	vadd.f32 v42, v12;
	[tilespmem:s29+$0x1B0] =	vst v19;
	v19 =	vmul.f32 v38, v11  }
0xb1: {  	v43 =	vmul.f32 v38, v3;
	[tilespmem:s29+$0x1D0] =	vst v21;
	v18 =	vadd.f32 v18, v14  }
0xb2: {  	v41 =	vmul.f32 v38, v7;
	[tilespmem:s29+$0x230] =	vst v23;
	v19 =	vadd.f32 v19, v15  }
0xb3: {  	v22 =	vadd.f32 v43, v8;
	v20 =	vmul.f32 v38, v0;
	[tilespmem:s29+$0x210] =	vst v18;
	v18 =	vbroadcast v17, $0xD  }
0xb4: {  	v21 =	vadd.f32 v41, v13;
	[tilespmem:s29+$0x200] =	vst v19;
	v19 =	vmul.f32 v38, v1  }
0xb5: {  	[tilespmem:s29+$0x240] =	vst v22;
	v20 =	vadd.f32 v20, v10;
	v47 =	vmul.f32 v18, v9  }
0xb6: {  	[tilespmem:s29+$0x220] =	vst v21;
	v48 =	vmul.f32 v18, v7;
	v19 =	vadd.f32 v19, v5  }
0xb7: {  	[tilespmem:s29+$0x270] =	vst v20;
	v49 =	vmul.f32 v18, v4;
	v22 =	vadd.f32 v47, v14  }
0xb8: {  	v50 =	vmul.f32 v18, v3;
	v21 =	vadd.f32 v48, v13;
	[tilespmem:s29+$0x250] =	vst v19  }
0xb9: {  	v52 =	vbroadcast v17, $0xE;
	v51 =	vmul.f32 v18, v2;
	v23 =	vadd.f32 v49, v12;
	[tilespmem:s29+$0x290] =	vst v22  }
0xba: {  	v45 =	vmul.f32 v18, v11;
	v20 =	vadd.f32 v50, v8;
	[tilespmem:s29+$0x2A0] =	vst v21  }
0xbb: {  	v54 =	vmul.f32 v52, v11;
	v53 =	vadd.f32 v51, v6;
	[tilespmem:s29+$0x2B0] =	vst v23  }
0xbc: {  	v55 =	vmul.f32 v52, v9;
	v19 =	vadd.f32 v45, v15;
	[tilespmem:s29+$0x2C0] =	vst v20  }
0xbd: {  	v56 =	vmul.f32 v52, v4;
	v22 =	vadd.f32 v54, v15;
	[tilespmem:s29+$0x2E0] =	vst v53  }
0xbe: {  	v20 =	vadd.f32 v55, v14;
	[tilespmem:s29+$0x280] =	vst v19;
	v19 =	vmul.f32 v18, v1  }
0xbf: {  	v21 =	vadd.f32 v56, v12;
	v18 =	vmul.f32 v18, v0;
	[tilespmem:s29+$0x300] =	vst v22  }
0xc0: {  	v57 =	vmul.f32 v52, v1;
	[tilespmem:s29+$0x310] =	vst v20;
	v19 =	vadd.f32 v19, v5  }
0xc1: {  	v58 =	vmul.f32 v52, v2;
	[tilespmem:s29+$0x330] =	vst v21;
	v18 =	vadd.f32 v18, v10  }
0xc2: {  	v17 =	vbroadcast v17, $0xF;
	v22 =	vadd.f32 v57, v5;
	[tilespmem:s29+$0x2D0] =	vst v19;
	v19 =	vmul.f32 v52, v7  }
0xc3: {  	v20 =	vadd.f32 v58, v6;
	[tilespmem:s29+$0x2F0] =	vst v18;
	v18 =	vmul.f32 v52, v3  }
0xc4: {  	v59 =	vmul.f32 v17, v11;
	[tilespmem:s29+$0x350] =	vst v22;
	v19 =	vadd.f32 v19, v13  }
0xc5: {  	v61 =	vmul.f32 v17, v4;
	[tilespmem:s29+$0x360] =	vst v20;
	v18 =	vadd.f32 v18, v8  }
0xc6: {  	v21 =	vadd.f32 v59, v15;
	[tilespmem:s29+$0x320] =	vst v19;
	v19 =	vmul.f32 v52, v0  }
0xc7: {  	v20 =	vadd.f32 v61, v12;
	[tilespmem:s29+$0x340] =	vst v18;
	v18 =	vmul.f32 v17, v9  }
0xc8: {  	v60 =	vmul.f32 v17, v7;
	[tilespmem:s29+$0x380] =	vst v21;
	v19 =	vadd.f32 v19, v10  }
0xc9: {  	v62 =	vmul.f32 v17, v3;
	[tilespmem:s29+$0x3B0] =	vst v20;
	v18 =	vadd.f32 v18, v14  }
0xca: {  	v63 =	vmul.f32 v17, v1;
	[tilespmem:s29+$0x370] =	vst v19;
	v19 =	vadd.f32 v60, v13  }
0xcb: {  	v22 =	vadd.f32 v62, v8;
	[tilespmem:s29+$0x390] =	vst v18;
	v18 =	vmul.f32 v17, v2  }
0xcc: {  	v17 =	vmul.f32 v17, v0;
	[tilespmem:s29+$0x3A0] =	vst v19;
	v19 =	vadd.f32 v63, v5  }
0xcd: {  	[tilespmem:s29+$0x3C0] =	vst v22;
	v18 =	vadd.f32 v18, v6  }
0xce: {  	v17 =	vadd.f32 v17, v10;
	[tilespmem:s29+$0x3D0] =	vst v19  }
0xcf: {  	[tilespmem:s29+$0x3E0] =	vst v18  }
0xd0: {  	s31 =	simm.s32 $0x10;
	s28 =	sadd.s32 $0x16000, s28;
	s30 =	simm.s32 $0x80;
	[tilespmem:s29+$0x3F0] =	vst v17  }
.LBB2_6:
0xd1: {  	p0 =	sne.s32 s30, $0x1C0;
	v17 =	vld.idx.msk [tilespmem:v16+s31+$0x0 ss:$0x1], $0xffff;
	_ =	sdelay $0x5  }
0xd2: {  	v18 =	vbroadcast v17, $0x0;
	v19 =	vbroadcast v17, $0x1  }
0xd3: {  	v20 =	vbroadcast v17, $0x2;
	v21 =	vbroadcast v17, $0x3  }
0xd4: {  	v22 =	vmul.f32 v18, v11;
	v23 =	vmul.f32 v18, v9  }
0xd5: {  	v24 =	vmul.f32 v18, v7;
	v25 =	vmul.f32 v18, v4  }
0xd6: {  	v26 =	vmul.f32 v18, v3;
	v22 =	vadd.f32 v22, v15;
	v23 =	vadd.f32 v23, v14  }
0xd7: {  	s29 =	sadd.s32 $0x800, s29;
	v27 =	vmul.f32 v18, v1;
	v24 =	vadd.f32 v24, v13;
	v25 =	vadd.f32 v25, v12  }
0xd8: {  	[tilespmem:s29+$0xFFFFFC00] =	vst v22;
	v22 =	vadd.f32 v26, v8;
	v26 =	vmul.f32 v18, v2;
	v18 =	vmul.f32 v18, v0  }
0xd9: {  	v28 =	vmul.f32 v19, v9;
	[tilespmem:s29+$0xFFFFFC10] =	vst v23;
	v23 =	vadd.f32 v27, v5;
	v27 =	vmul.f32 v19, v11  }
0xda: {  	[tilespmem:s29+$0xFFFFFC20] =	vst v24;
	v24 =	vadd.f32 v26, v6;
	v18 =	vadd.f32 v18, v10;
	v26 =	vmul.f32 v19, v7  }
0xdb: {  	[tilespmem:s29+$0xFFFFFC30] =	vst v25;
	v25 =	vadd.f32 v27, v15;
	v27 =	vadd.f32 v28, v14;
	v28 =	vmul.f32 v19, v4  }
0xdc: {  	v29 =	vmul.f32 v19, v1;
	[tilespmem:s29+$0xFFFFFC40] =	vst v22;
	v22 =	vadd.f32 v26, v13;
	v26 =	vmul.f32 v19, v3  }
0xdd: {  	[tilespmem:s29+$0xFFFFFC50] =	vst v23;
	v23 =	vadd.f32 v28, v12;
	v28 =	vmul.f32 v19, v2;
	v19 =	vmul.f32 v19, v0  }
0xde: {  	[tilespmem:s29+$0xFFFFFC60] =	vst v24;
	v24 =	vadd.f32 v26, v8;
	v26 =	vadd.f32 v29, v5;
	v29 =	vmul.f32 v20, v11  }
0xdf: {  	[tilespmem:s29+$0xFFFFFC70] =	vst v18;
	v18 =	vadd.f32 v28, v6;
	v19 =	vadd.f32 v19, v10;
	v28 =	vmul.f32 v20, v9  }
0xe0: {  	v30 =	vmul.f32 v20, v4;
	[tilespmem:s29+$0xFFFFFC80] =	vst v25;
	v25 =	vadd.f32 v29, v15;
	v29 =	vmul.f32 v20, v7  }
0xe1: {  	v31 =	vmul.f32 v20, v1;
	[tilespmem:s29+$0xFFFFFC90] =	vst v27;
	v27 =	vadd.f32 v28, v14;
	v28 =	vmul.f32 v20, v3  }
0xe2: {  	[tilespmem:s29+$0xFFFFFCA0] =	vst v22;
	v22 =	vadd.f32 v29, v13;
	v29 =	vadd.f32 v30, v12;
	v30 =	vmul.f32 v20, v2  }
0xe3: {  	v20 =	vmul.f32 v20, v0;
	[tilespmem:s29+$0xFFFFFCB0] =	vst v23;
	v23 =	vadd.f32 v28, v8;
	v28 =	vadd.f32 v31, v5  }
0xe4: {  	v31 =	vmul.f32 v21, v9;
	[tilespmem:s29+$0xFFFFFCC0] =	vst v24;
	v24 =	vadd.f32 v30, v6;
	v30 =	vmul.f32 v21, v11  }
0xe5: {  	v32 =	vmul.f32 v21, v4;
	v20 =	vadd.f32 v20, v10;
	[tilespmem:s29+$0xFFFFFCD0] =	vst v26;
	v26 =	vmul.f32 v21, v7  }
0xe6: {  	[tilespmem:s29+$0xFFFFFCE0] =	vst v18;
	v18 =	vadd.f32 v30, v15;
	v30 =	vadd.f32 v31, v14;
	v31 =	vmul.f32 v21, v3  }
0xe7: {  	[tilespmem:s29+$0xFFFFFCF0] =	vst v19;
	v19 =	vadd.f32 v26, v13;
	v26 =	vadd.f32 v32, v12;
	v32 =	vmul.f32 v21, v1  }
0xe8: {  	[tilespmem:s29+$0xFFFFFD00] =	vst v25;
	v25 =	vadd.f32 v31, v8;
	v31 =	vmul.f32 v21, v2;
	v21 =	vmul.f32 v21, v0  }
0xe9: {  	v33 =	vbroadcast v17, $0x5;
	[tilespmem:s29+$0xFFFFFD10] =	vst v27;
	v27 =	vadd.f32 v32, v5;
	v32 =	vbroadcast v17, $0x4  }
0xea: {  	[tilespmem:s29+$0xFFFFFD20] =	vst v22;
	v22 =	vadd.f32 v31, v6;
	v21 =	vadd.f32 v21, v10;
	v31 =	vbroadcast v17, $0x6  }
0xeb: {  	[tilespmem:s29+$0xFFFFFD30] =	vst v29;
	v29 =	vmul.f32 v32, v11;
	v34 =	vmul.f32 v32, v9  }
0xec: {  	v35 =	vmul.f32 v32, v4;
	[tilespmem:s29+$0xFFFFFD40] =	vst v23;
	v23 =	vmul.f32 v32, v7  }
0xed: {  	[tilespmem:s29+$0xFFFFFD50] =	vst v28;
	v28 =	vadd.f32 v29, v15;
	v29 =	vadd.f32 v34, v14;
	v34 =	vmul.f32 v32, v3  }
0xee: {  	[tilespmem:s29+$0xFFFFFD60] =	vst v24;
	v23 =	vadd.f32 v23, v13;
	v24 =	vadd.f32 v35, v12;
	v35 =	vmul.f32 v32, v1  }
0xef: {  	[tilespmem:s29+$0xFFFFFD70] =	vst v20;
	v20 =	vadd.f32 v34, v8;
	v34 =	vmul.f32 v32, v2;
	v32 =	vmul.f32 v32, v0  }
0xf0: {  	v36 =	vmul.f32 v33, v9;
	[tilespmem:s29+$0xFFFFFD80] =	vst v18;
	v18 =	vadd.f32 v35, v5;
	v35 =	vmul.f32 v33, v11  }
0xf1: {  	[tilespmem:s29+$0xFFFFFD90] =	vst v30;
	v30 =	vadd.f32 v34, v6;
	v32 =	vadd.f32 v32, v10;
	v34 =	vmul.f32 v33, v7  }
0xf2: {  	[tilespmem:s29+$0xFFFFFDA0] =	vst v19;
	v19 =	vadd.f32 v35, v15;
	v35 =	vadd.f32 v36, v14;
	v36 =	vmul.f32 v33, v4  }
0xf3: {  	v37 =	vmul.f32 v33, v1;
	[tilespmem:s29+$0xFFFFFDB0] =	vst v26;
	v26 =	vadd.f32 v34, v13;
	v34 =	vmul.f32 v33, v3  }
0xf4: {  	[tilespmem:s29+$0xFFFFFDC0] =	vst v25;
	v25 =	vadd.f32 v36, v12;
	v36 =	vmul.f32 v33, v2;
	v33 =	vmul.f32 v33, v0  }
0xf5: {  	[tilespmem:s29+$0xFFFFFDD0] =	vst v27;
	v27 =	vadd.f32 v34, v8;
	v34 =	vadd.f32 v37, v5;
	v37 =	vmul.f32 v31, v11  }
0xf6: {  	[tilespmem:s29+$0xFFFFFDE0] =	vst v22;
	v22 =	vadd.f32 v36, v6;
	v33 =	vadd.f32 v33, v10;
	v36 =	vmul.f32 v31, v9  }
0xf7: {  	v38 =	vmul.f32 v31, v4;
	[tilespmem:s29+$0xFFFFFDF0] =	vst v21;
	v21 =	vadd.f32 v37, v15;
	v37 =	vmul.f32 v31, v7  }
0xf8: {  	v39 =	vmul.f32 v31, v1;
	[tilespmem:s29+$0xFFFFFE00] =	vst v28;
	v28 =	vadd.f32 v36, v14;
	v36 =	vmul.f32 v31, v3  }
0xf9: {  	[tilespmem:s29+$0xFFFFFE10] =	vst v29;
	v29 =	vadd.f32 v37, v13;
	v37 =	vadd.f32 v38, v12;
	v38 =	vmul.f32 v31, v2  }
0xfa: {  	v31 =	vmul.f32 v31, v0;
	[tilespmem:s29+$0xFFFFFE20] =	vst v23;
	v23 =	vadd.f32 v36, v8;
	v36 =	vadd.f32 v39, v5  }
0xfb: {  	v39 =	vbroadcast v17, $0x8;
	[tilespmem:s29+$0xFFFFFE30] =	vst v24;
	v24 =	vadd.f32 v38, v6;
	v38 =	vbroadcast v17, $0x7  }
0xfc: {  	v40 =	vbroadcast v17, $0xA;
	[tilespmem:s29+$0xFFFFFE40] =	vst v20;
	v20 =	vadd.f32 v31, v10;
	v31 =	vbroadcast v17, $0x9  }
0xfd: {  	[tilespmem:s29+$0xFFFFFE50] =	vst v18;
	v18 =	vmul.f32 v38, v11;
	v41 =	vmul.f32 v38, v9  }
0xfe: {  	v42 =	vmul.f32 v38, v4;
	[tilespmem:s29+$0xFFFFFE60] =	vst v30;
	v30 =	vmul.f32 v38, v7  }
0xff: {  	[tilespmem:s29+$0xFFFFFE70] =	vst v32;
	v18 =	vadd.f32 v18, v15;
	v32 =	vadd.f32 v41, v14;
	v41 =	vmul.f32 v38, v3  }
0x100: {  	[tilespmem:s29+$0xFFFFFE80] =	vst v19;
	v19 =	vadd.f32 v30, v13;
	v30 =	vadd.f32 v42, v12;
	v42 =	vmul.f32 v38, v1  }
0x101: {  	[tilespmem:s29+$0xFFFFFE90] =	vst v35;
	v35 =	vadd.f32 v41, v8;
	v41 =	vmul.f32 v38, v2;
	v38 =	vmul.f32 v38, v0  }
0x102: {  	v43 =	vmul.f32 v39, v9;
	[tilespmem:s29+$0xFFFFFEA0] =	vst v26;
	v26 =	vadd.f32 v42, v5;
	v42 =	vmul.f32 v39, v11  }
0x103: {  	[tilespmem:s29+$0xFFFFFEB0] =	vst v25;
	v25 =	vadd.f32 v41, v6;
	v38 =	vadd.f32 v38, v10;
	v41 =	vmul.f32 v39, v7  }
0x104: {  	[tilespmem:s29+$0xFFFFFEC0] =	vst v27;
	v27 =	vadd.f32 v42, v15;
	v42 =	vadd.f32 v43, v14;
	v43 =	vmul.f32 v39, v4  }
0x105: {  	v44 =	vmul.f32 v39, v1;
	[tilespmem:s29+$0xFFFFFED0] =	vst v34;
	v34 =	vadd.f32 v41, v13;
	v41 =	vmul.f32 v39, v3  }
0x106: {  	[tilespmem:s29+$0xFFFFFEE0] =	vst v22;
	v22 =	vadd.f32 v43, v12;
	v43 =	vmul.f32 v39, v2;
	v39 =	vmul.f32 v39, v0  }
0x107: {  	[tilespmem:s29+$0xFFFFFEF0] =	vst v33;
	v33 =	vadd.f32 v41, v8;
	v41 =	vadd.f32 v44, v5;
	v44 =	vmul.f32 v31, v11  }
0x108: {  	[tilespmem:s29+$0xFFFFFF00] =	vst v21;
	v21 =	vadd.f32 v43, v6;
	v39 =	vadd.f32 v39, v10;
	v43 =	vmul.f32 v31, v9  }
0x109: {  	v45 =	vmul.f32 v31, v4;
	[tilespmem:s29+$0xFFFFFF10] =	vst v28;
	v28 =	vadd.f32 v44, v15;
	v44 =	vmul.f32 v31, v7  }
0x10a: {  	v46 =	vmul.f32 v31, v1;
	[tilespmem:s29+$0xFFFFFF20] =	vst v29;
	v29 =	vadd.f32 v43, v14;
	v43 =	vmul.f32 v31, v3  }
0x10b: {  	[tilespmem:s29+$0xFFFFFF30] =	vst v37;
	v37 =	vadd.f32 v44, v13;
	v44 =	vadd.f32 v45, v12;
	v45 =	vmul.f32 v31, v2  }
0x10c: {  	v31 =	vmul.f32 v31, v0;
	[tilespmem:s29+$0xFFFFFF40] =	vst v23;
	v23 =	vadd.f32 v43, v8;
	v43 =	vadd.f32 v46, v5  }
0x10d: {  	v46 =	vmul.f32 v40, v9;
	[tilespmem:s29+$0xFFFFFF50] =	vst v36;
	v36 =	vadd.f32 v45, v6;
	v45 =	vmul.f32 v40, v11  }
0x10e: {  	v47 =	vmul.f32 v40, v4;
	[tilespmem:s29+$0xFFFFFF60] =	vst v24;
	v24 =	vadd.f32 v31, v10;
	v31 =	vmul.f32 v40, v7  }
0x10f: {  	[tilespmem:s29+$0xFFFFFF70] =	vst v20;
	v20 =	vadd.f32 v45, v15;
	v45 =	vadd.f32 v46, v14;
	v46 =	vmul.f32 v40, v3  }
0x110: {  	v47 =	vadd.f32 v47, v12;
	[tilespmem:s29+$0xFFFFFF80] =	vst v18;
	v31 =	vadd.f32 v31, v13;
	v18 =	vmul.f32 v40, v1  }
0x111: {  	[tilespmem:s29+$0xFFFFFF90] =	vst v32;
	v32 =	vadd.f32 v46, v8;
	v46 =	vmul.f32 v40, v2;
	v40 =	vmul.f32 v40, v0  }
0x112: {  	v49 =	vbroadcast v17, $0xB;
	v50 =	vbroadcast v17, $0xC;
	[tilespmem:s29+$0xFFFFFFA0] =	vst v19;
	v48 =	vadd.f32 v18, v5  }
0x113: {  	[tilespmem:s29+$0xFFFFFFB0] =	vst v30;
	v30 =	vadd.f32 v46, v6;
	v18 =	vadd.f32 v40, v10;
	v40 =	vbroadcast v17, $0xD  }
0x114: {  	v19 =	vmul.f32 v49, v11;
	[tilespmem:s29+$0xFFFFFFC0] =	vst v35;
	v35 =	vmul.f32 v49, v9  }
0x115: {  	v46 =	vmul.f32 v49, v4;
	[tilespmem:s29+$0xFFFFFFD0] =	vst v26;
	v26 =	vmul.f32 v49, v7  }
0x116: {  	v51 =	vmul.f32 v49, v3;
	[tilespmem:s29+$0xFFFFFFE0] =	vst v25;
	v25 =	vadd.f32 v19, v15;
	v35 =	vadd.f32 v35, v14  }
0x117: {  	v19 =	vadd.f32 v46, v12;
	[tilespmem:s29+$0xFFFFFFF0] =	vst v38;
	v26 =	vadd.f32 v26, v13;
	v38 =	vmul.f32 v49, v1  }
0x118: {  	v46 =	vmul.f32 v49, v2;
	v49 =	vmul.f32 v49, v0;
	[tilespmem:s29+$0x0] =	vst v27;
	v27 =	vadd.f32 v51, v8  }
0x119: {  	v51 =	vmul.f32 v50, v9;
	[tilespmem:s29+$0x10] =	vst v42;
	v38 =	vadd.f32 v38, v5;
	v42 =	vmul.f32 v50, v11  }
0x11a: {  	[tilespmem:s29+$0x20] =	vst v34;
	v34 =	vadd.f32 v46, v6;
	v46 =	vadd.f32 v49, v10;
	v49 =	vmul.f32 v50, v7  }
0x11b: {  	[tilespmem:s29+$0x30] =	vst v22;
	v22 =	vadd.f32 v42, v15;
	v42 =	vadd.f32 v51, v14;
	v51 =	vmul.f32 v50, v4  }
0x11c: {  	v52 =	vmul.f32 v50, v1;
	[tilespmem:s29+$0x40] =	vst v33;
	v33 =	vadd.f32 v49, v13;
	v49 =	vmul.f32 v50, v3  }
0x11d: {  	[tilespmem:s29+$0x50] =	vst v41;
	v41 =	vadd.f32 v51, v12;
	v51 =	vmul.f32 v50, v2;
	v50 =	vmul.f32 v50, v0  }
0x11e: {  	[tilespmem:s29+$0x60] =	vst v21;
	v21 =	vadd.f32 v49, v8;
	v49 =	vadd.f32 v52, v5;
	v52 =	vmul.f32 v40, v11  }
0x11f: {  	[tilespmem:s29+$0x70] =	vst v39;
	v39 =	vadd.f32 v51, v6;
	v50 =	vadd.f32 v50, v10;
	v51 =	vmul.f32 v40, v9  }
0x120: {  	v53 =	vmul.f32 v40, v4;
	[tilespmem:s29+$0x80] =	vst v28;
	v28 =	vadd.f32 v52, v15;
	v52 =	vmul.f32 v40, v7  }
0x121: {  	v54 =	vmul.f32 v40, v1;
	[tilespmem:s29+$0x90] =	vst v29;
	v29 =	vadd.f32 v51, v14;
	v51 =	vmul.f32 v40, v3  }
0x122: {  	[tilespmem:s29+$0xA0] =	vst v37;
	v37 =	vadd.f32 v52, v13;
	v52 =	vadd.f32 v53, v12;
	v53 =	vmul.f32 v40, v2  }
0x123: {  	v40 =	vmul.f32 v40, v0;
	[tilespmem:s29+$0xB0] =	vst v44;
	v44 =	vadd.f32 v51, v8;
	v51 =	vadd.f32 v54, v5  }
0x124: {  	[tilespmem:s29+$0xC0] =	vst v23;
	v23 =	vadd.f32 v53, v6;
	v53 =	vbroadcast v17, $0xE;
	v17 =	vbroadcast v17, $0xF  }
0x125: {  	v40 =	vadd.f32 v40, v10;
	[tilespmem:s29+$0xD0] =	vst v43  }
0x126: {  	[tilespmem:s29+$0xE0] =	vst v36;
	v36 =	vmul.f32 v53, v11;
	v43 =	vmul.f32 v53, v9  }
0x127: {  	v54 =	vmul.f32 v53, v4;
	[tilespmem:s29+$0xF0] =	vst v24;
	v24 =	vmul.f32 v53, v7  }
0x128: {  	[tilespmem:s29+$0x100] =	vst v20;
	v20 =	vadd.f32 v36, v15;
	v36 =	vadd.f32 v43, v14;
	v43 =	vmul.f32 v53, v3  }
0x129: {  	[tilespmem:s29+$0x110] =	vst v45;
	v24 =	vadd.f32 v24, v13;
	v45 =	vadd.f32 v54, v12;
	v54 =	vmul.f32 v53, v1  }
0x12a: {  	[tilespmem:s29+$0x120] =	vst v31;
	v31 =	vadd.f32 v43, v8;
	v43 =	vmul.f32 v53, v2;
	v53 =	vmul.f32 v53, v0  }
0x12b: {  	v55 =	vmul.f32 v17, v9;
	[tilespmem:s29+$0x130] =	vst v47;
	v47 =	vadd.f32 v54, v5;
	v54 =	vmul.f32 v17, v11  }
0x12c: {  	[tilespmem:s29+$0x140] =	vst v32;
	v32 =	vadd.f32 v43, v6;
	v43 =	vadd.f32 v53, v10;
	v53 =	vmul.f32 v17, v7  }
0x12d: {  	[tilespmem:s29+$0x150] =	vst v48;
	v48 =	vadd.f32 v54, v15;
	v54 =	vadd.f32 v55, v14;
	v55 =	vmul.f32 v17, v4  }
0x12e: {  	v56 =	vmul.f32 v17, v1;
	[tilespmem:s29+$0x160] =	vst v30;
	v30 =	vadd.f32 v53, v13;
	v53 =	vmul.f32 v17, v3  }
0x12f: {  	[tilespmem:s29+$0x170] =	vst v18;
	v18 =	vadd.f32 v55, v12;
	v55 =	vmul.f32 v17, v2;
	v17 =	vmul.f32 v17, v0  }
0x130: {  	[tilespmem:s29+$0x180] =	vst v25;
	v25 =	vadd.f32 v53, v8;
	v53 =	vadd.f32 v56, v5  }
0x131: {  	[tilespmem:s29+$0x190] =	vst v35;
	v35 =	vadd.f32 v55, v6;
	v17 =	vadd.f32 v17, v10  }
0x132: {  	[tilespmem:s29+$0x1A0] =	vst v26  }
0x133: {  	[tilespmem:s29+$0x1B0] =	vst v19  }
0x134: {  	[tilespmem:s29+$0x1C0] =	vst v27  }
0x135: {  	[tilespmem:s29+$0x1D0] =	vst v38  }
0x136: {  	[tilespmem:s29+$0x1E0] =	vst v34  }
0x137: {  	[tilespmem:s29+$0x1F0] =	vst v46  }
0x138: {  	[tilespmem:s29+$0x200] =	vst v22  }
0x139: {  	[tilespmem:s29+$0x210] =	vst v42  }
0x13a: {  	[tilespmem:s29+$0x220] =	vst v33  }
0x13b: {  	[tilespmem:s29+$0x230] =	vst v41  }
0x13c: {  	[tilespmem:s29+$0x240] =	vst v21  }
0x13d: {  	[tilespmem:s29+$0x250] =	vst v49  }
0x13e: {  	[tilespmem:s29+$0x260] =	vst v39  }
0x13f: {  	[tilespmem:s29+$0x270] =	vst v50  }
0x140: {  	[tilespmem:s29+$0x280] =	vst v28  }
0x141: {  	[tilespmem:s29+$0x290] =	vst v29  }
0x142: {  	[tilespmem:s29+$0x2A0] =	vst v37  }
0x143: {  	[tilespmem:s29+$0x2B0] =	vst v52  }
0x144: {  	[tilespmem:s29+$0x2C0] =	vst v44  }
0x145: {  	[tilespmem:s29+$0x2D0] =	vst v51  }
0x146: {  	[tilespmem:s29+$0x2E0] =	vst v23  }
0x147: {  	[tilespmem:s29+$0x2F0] =	vst v40  }
0x148: {  	[tilespmem:s29+$0x300] =	vst v20  }
0x149: {  	[tilespmem:s29+$0x310] =	vst v36  }
0x14a: {  	[tilespmem:s29+$0x320] =	vst v24  }
0x14b: {  	[tilespmem:s29+$0x330] =	vst v45  }
0x14c: {  	[tilespmem:s29+$0x340] =	vst v31  }
0x14d: {  	[tilespmem:s29+$0x350] =	vst v47  }
0x14e: {  	[tilespmem:s29+$0x360] =	vst v32  }
0x14f: {  	[tilespmem:s29+$0x370] =	vst v43  }
0x150: {  	[tilespmem:s29+$0x380] =	vst v48  }
0x151: {  	[tilespmem:s29+$0x390] =	vst v54  }
0x152: {  	[tilespmem:s29+$0x3A0] =	vst v30  }
.Ltmp2:
0x153: {  	[tilespmem:s29+$0x3B0] =	vst v18;
	(pc) =	sbr.rel @p0 .LBB2_6-.Ltmp2, $4  }
0x154: {  	[tilespmem:s29+$0x3C0] =	vst v25  }
0x155: {  	[tilespmem:s29+$0x3D0] =	vst v53  }
0x156: {  	[tilespmem:s29+$0x3E0] =	vst v35  }
0x157: {  	s31 =	sshra.s32 s30, $0x2;
	s30 =	sadd.s32 $0x40, s30;
	[tilespmem:s29+$0x3F0] =	vst v17  }
0x158: {  	_ =	sdelay $0x3  }
0x159: {  	v16 =	vld.idx.msk [tilespmem:v16+s31+$0x0 ss:$0x1], $0xffff;
	_ =	sdelay $0x4  }
0x15a: {  	v17 =	vbroadcast v16, $0x0;
	_ =	sdelay $0x1  }
0x15b: {  	v18 =	vmul.f32 v17, v11  }
0x15c: {  	v19 =	vmul.f32 v17, v9  }
0x15d: {  	v20 =	vmul.f32 v17, v7;
	v18 =	vadd.f32 v18, v15  }
0x15e: {  	s29 =	sadd.s32 $0x800, s29;
	v21 =	vmul.f32 v17, v4;
	v19 =	vadd.f32 v19, v14  }
0x15f: {  	v22 =	vmul.f32 v17, v3;
	v20 =	vadd.f32 v20, v13;
	[tilespmem:s29+$0xFFFFFC00] =	vst v18  }
0x160: {  	v30 =	vmul.f32 v17, v1;
	v29 =	vadd.f32 v21, v12;
	[tilespmem:s29+$0xFFFFFC10] =	vst v19  }
0x161: {  	v31 =	vbroadcast v16, $0x1;
	v23 =	vmul.f32 v17, v2;
	v22 =	vadd.f32 v22, v8;
	[tilespmem:s29+$0xFFFFFC20] =	vst v20  }
0x162: {  	v17 =	vmul.f32 v17, v0;
	v32 =	vadd.f32 v30, v5;
	[tilespmem:s29+$0xFFFFFC30] =	vst v29  }
0x163: {  	v35 =	vmul.f32 v31, v9;
	v34 =	vadd.f32 v23, v6;
	[tilespmem:s29+$0xFFFFFC40] =	vst v22  }
0x164: {  	v42 =	vbroadcast v16, $0x2;
	v36 =	vmul.f32 v31, v7;
	v17 =	vadd.f32 v17, v10;
	[tilespmem:s29+$0xFFFFFC50] =	vst v32  }
0x165: {  	v43 =	vmul.f32 v31, v2;
	v37 =	vadd.f32 v35, v14;
	[tilespmem:s29+$0xFFFFFC60] =	vst v34  }
0x166: {  	v53 =	vbroadcast v16, $0x3;
	v45 =	vmul.f32 v42, v11;
	v39 =	vadd.f32 v36, v13;
	[tilespmem:s29+$0xFFFFFC70] =	vst v17  }
0x167: {  	v54 =	vmul.f32 v42, v2;
	v46 =	vadd.f32 v43, v6;
	[tilespmem:s29+$0xFFFFFC90] =	vst v37  }
0x168: {  	v60 =	vmul.f32 v53, v4;
	v48 =	vadd.f32 v45, v15;
	[tilespmem:s29+$0xFFFFFCA0] =	vst v39  }
0x169: {  	v61 =	vmul.f32 v53, v3;
	v56 =	vadd.f32 v54, v6;
	[tilespmem:s29+$0xFFFFFCE0] =	vst v46  }
0x16a: {  	v62 =	vmul.f32 v53, v1;
	v21 =	vadd.f32 v60, v12;
	[tilespmem:s29+$0xFFFFFD00] =	vst v48  }
0x16b: {  	v33 =	vmul.f32 v31, v11;
	v63 =	vadd.f32 v61, v8;
	[tilespmem:s29+$0xFFFFFD60] =	vst v56  }
0x16c: {  	v38 =	vmul.f32 v31, v4;
	v27 =	vadd.f32 v62, v5;
	[tilespmem:s29+$0xFFFFFDB0] =	vst v21  }
0x16d: {  	v40 =	vmul.f32 v31, v3;
	v18 =	vadd.f32 v33, v15;
	[tilespmem:s29+$0xFFFFFDC0] =	vst v63  }
0x16e: {  	v44 =	vmul.f32 v31, v0;
	v22 =	vadd.f32 v38, v12;
	[tilespmem:s29+$0xFFFFFDD0] =	vst v27  }
0x16f: {  	v25 =	vbroadcast v16, $0x4;
	v49 =	vmul.f32 v42, v7;
	v20 =	vadd.f32 v40, v8;
	[tilespmem:s29+$0xFFFFFC80] =	vst v18  }
0x170: {  	v26 =	vmul.f32 v53, v0;
	v17 =	vadd.f32 v44, v10;
	[tilespmem:s29+$0xFFFFFCB0] =	vst v22  }
0x171: {  	v28 =	vmul.f32 v25, v11;
	v19 =	vadd.f32 v49, v13;
	[tilespmem:s29+$0xFFFFFCC0] =	vst v20  }
0x172: {  	v41 =	vmul.f32 v31, v1;
	v29 =	vadd.f32 v26, v10;
	[tilespmem:s29+$0xFFFFFCF0] =	vst v17  }
0x173: {  	v47 =	vmul.f32 v42, v9;
	v21 =	vadd.f32 v28, v15;
	[tilespmem:s29+$0xFFFFFD20] =	vst v19  }
0x174: {  	v50 =	vmul.f32 v42, v4;
	v18 =	vadd.f32 v41, v5;
	[tilespmem:s29+$0xFFFFFDF0] =	vst v29  }
0x175: {  	v51 =	vmul.f32 v42, v3;
	v20 =	vadd.f32 v47, v14;
	[tilespmem:s29+$0xFFFFFE00] =	vst v21  }
0x176: {  	v55 =	vmul.f32 v42, v0;
	v35 =	vbroadcast v16, $0x5;
	v22 =	vadd.f32 v50, v12;
	[tilespmem:s29+$0xFFFFFCD0] =	vst v18  }
0x177: {  	v34 =	vmul.f32 v25, v1;
	v17 =	vadd.f32 v51, v8;
	[tilespmem:s29+$0xFFFFFD10] =	vst v20  }
0x178: {  	v40 =	vmul.f32 v35, v7;
	v19 =	vadd.f32 v55, v10;
	[tilespmem:s29+$0xFFFFFD30] =	vst v22  }
0x179: {  	v46 =	vmul.f32 v35, v2;
	v21 =	vadd.f32 v34, v5;
	[tilespmem:s29+$0xFFFFFD40] =	vst v17  }
0x17a: {  	v52 =	vmul.f32 v42, v1;
	v42 =	vadd.f32 v40, v13;
	[tilespmem:s29+$0xFFFFFD70] =	vst v19  }
0x17b: {  	v57 =	vmul.f32 v53, v11;
	v48 =	vadd.f32 v46, v6;
	[tilespmem:s29+$0xFFFFFE50] =	vst v21  }
0x17c: {  	v58 =	vmul.f32 v53, v9;
	v18 =	vadd.f32 v52, v5;
	[tilespmem:s29+$0xFFFFFEA0] =	vst v42  }
0x17d: {  	v24 =	vmul.f32 v53, v2;
	v22 =	vadd.f32 v57, v15;
	[tilespmem:s29+$0xFFFFFEE0] =	vst v48  }
0x17e: {  	v31 =	vmul.f32 v25, v7;
	v45 =	vbroadcast v16, $0x6;
	v17 =	vadd.f32 v58, v14;
	[tilespmem:s29+$0xFFFFFD50] =	vst v18  }
0x17f: {  	v43 =	vmul.f32 v35, v3;
	v19 =	vadd.f32 v24, v6;
	[tilespmem:s29+$0xFFFFFD80] =	vst v22  }
0x180: {  	v47 =	vmul.f32 v45, v11;
	v20 =	vadd.f32 v31, v13;
	[tilespmem:s29+$0xFFFFFD90] =	vst v17  }
0x181: {  	v55 =	vmul.f32 v45, v2;
	v21 =	vadd.f32 v43, v8;
	[tilespmem:s29+$0xFFFFFDE0] =	vst v19  }
0x182: {  	v59 =	vmul.f32 v53, v7;
	v50 =	vadd.f32 v47, v15;
	[tilespmem:s29+$0xFFFFFE20] =	vst v20  }
0x183: {  	v32 =	vmul.f32 v25, v4;
	v57 =	vadd.f32 v55, v6;
	[tilespmem:s29+$0xFFFFFEC0] =	vst v21  }
0x184: {  	v33 =	vmul.f32 v25, v3;
	v18 =	vadd.f32 v59, v13;
	[tilespmem:s29+$0xFFFFFF00] =	vst v50  }
0x185: {  	v36 =	vmul.f32 v25, v2;
	v19 =	vadd.f32 v32, v12;
	[tilespmem:s29+$0xFFFFFF60] =	vst v57  }
0x186: {  	v37 =	vmul.f32 v25, v0;
	v34 =	vbroadcast v16, $0x9;
	v17 =	vadd.f32 v33, v8;
	[tilespmem:s29+$0xFFFFFDA0] =	vst v18  }
0x187: {  	v49 =	vmul.f32 v45, v9;
	v22 =	vadd.f32 v36, v6;
	[tilespmem:s29+$0xFFFFFE30] =	vst v19  }
0x188: {  	v46 =	vmul.f32 v34, v2;
	v20 =	vadd.f32 v37, v10;
	[tilespmem:s29+$0xFFFFFE40] =	vst v17  }
0x189: {  	v30 =	vmul.f32 v25, v9;
	v21 =	vadd.f32 v49, v14;
	[tilespmem:s29+$0xFFFFFE60] =	vst v22  }
0x18a: {  	v38 =	vmul.f32 v35, v11;
	v47 =	vadd.f32 v46, v6;
	[tilespmem:s29+$0xFFFFFE70] =	vst v20  }
0x18b: {  	v39 =	vmul.f32 v35, v9;
	v18 =	vadd.f32 v30, v14;
	[tilespmem:s29+$0xFFFFFF10] =	vst v21  }
0x18c: {  	v56 =	vbroadcast v16, $0x7;
	v41 =	vmul.f32 v35, v4;
	v19 =	vadd.f32 v38, v15;
	[tilespmem:s29+$0xE0] =	vst v47  }
0x18d: {  	v51 =	vmul.f32 v45, v7;
	v24 =	vbroadcast v16, $0x8;
	v17 =	vadd.f32 v39, v14;
	[tilespmem:s29+$0xFFFFFE10] =	vst v18  }
0x18e: {  	v58 =	vmul.f32 v56, v11;
	v22 =	vadd.f32 v41, v12;
	[tilespmem:s29+$0xFFFFFE80] =	vst v19  }
0x18f: {  	v29 =	vmul.f32 v24, v7;
	v20 =	vadd.f32 v51, v13;
	[tilespmem:s29+$0xFFFFFE90] =	vst v17  }
0x190: {  	v33 =	vmul.f32 v24, v1;
	v21 =	vadd.f32 v58, v15;
	[tilespmem:s29+$0xFFFFFEB0] =	vst v22  }
0x191: {  	v37 =	vmul.f32 v34, v11;
	v31 =	vadd.f32 v29, v13;
	[tilespmem:s29+$0xFFFFFF20] =	vst v20  }
0x192: {  	v44 =	vmul.f32 v35, v1;
	v36 =	vadd.f32 v33, v5;
	[tilespmem:s29+$0xFFFFFF80] =	vst v21  }
0x193: {  	v52 =	vmul.f32 v45, v4;
	v40 =	vadd.f32 v37, v15;
	[tilespmem:s29+$0x20] =	vst v31  }
0x194: {  	v61 =	vmul.f32 v56, v4;
	v19 =	vadd.f32 v44, v5;
	[tilespmem:s29+$0x50] =	vst v36  }
0x195: {  	v63 =	vmul.f32 v56, v1;
	v22 =	vadd.f32 v52, v12;
	[tilespmem:s29+$0x80] =	vst v40  }
0x196: {  	v18 =	vmul.f32 v35, v0;
	v20 =	vadd.f32 v61, v12;
	[tilespmem:s29+$0xFFFFFED0] =	vst v19  }
0x197: {  	v54 =	vmul.f32 v45, v1;
	v21 =	vadd.f32 v63, v5;
	[tilespmem:s29+$0xFFFFFF30] =	vst v22  }
0x198: {  	v17 =	vmul.f32 v45, v0;
	v18 =	vadd.f32 v18, v10;
	[tilespmem:s29+$0xFFFFFFB0] =	vst v20  }
0x199: {  	v25 =	vmul.f32 v56, v2;
	v19 =	vadd.f32 v54, v5;
	[tilespmem:s29+$0xFFFFFFD0] =	vst v21  }
0x19a: {  	v27 =	vmul.f32 v24, v11;
	v17 =	vadd.f32 v17, v10;
	[tilespmem:s29+$0xFFFFFEF0] =	vst v18  }
0x19b: {  	v32 =	vmul.f32 v24, v3;
	v22 =	vadd.f32 v25, v6;
	[tilespmem:s29+$0xFFFFFF50] =	vst v19  }
0x19c: {  	v35 =	vmul.f32 v24, v2;
	v20 =	vadd.f32 v27, v15;
	[tilespmem:s29+$0xFFFFFF70] =	vst v17  }
0x19d: {  	v53 =	vmul.f32 v45, v3;
	v21 =	vadd.f32 v32, v8;
	[tilespmem:s29+$0xFFFFFFE0] =	vst v22  }
0x19e: {  	v60 =	vmul.f32 v56, v7;
	v38 =	vadd.f32 v35, v6;
	[tilespmem:s29+$0x0] =	vst v20  }
0x19f: {  	v62 =	vmul.f32 v56, v3;
	v18 =	vadd.f32 v53, v8;
	[tilespmem:s29+$0x40] =	vst v21  }
0x1a0: {  	v30 =	vmul.f32 v24, v4;
	v19 =	vadd.f32 v60, v13;
	[tilespmem:s29+$0x60] =	vst v38  }
0x1a1: {  	v39 =	vmul.f32 v34, v9;
	v17 =	vadd.f32 v62, v8;
	[tilespmem:s29+$0xFFFFFF40] =	vst v18  }
0x1a2: {  	v41 =	vmul.f32 v34, v7;
	v22 =	vadd.f32 v30, v12;
	[tilespmem:s29+$0xFFFFFFA0] =	vst v19  }
0x1a3: {  	v59 =	vmul.f32 v56, v9;
	v21 =	vadd.f32 v39, v14;
	[tilespmem:s29+$0xFFFFFFC0] =	vst v17  }
0x1a4: {  	v26 =	vmul.f32 v56, v0;
	v20 =	vadd.f32 v41, v13;
	[tilespmem:s29+$0x30] =	vst v22  }
0x1a5: {  	v28 =	vmul.f32 v24, v9;
	v45 =	vbroadcast v16, $0xA;
	v18 =	vadd.f32 v59, v14;
	[tilespmem:s29+$0x90] =	vst v21  }
0x1a6: {  	v42 =	vmul.f32 v34, v4;
	v19 =	vadd.f32 v26, v10;
	[tilespmem:s29+$0xA0] =	vst v20  }
0x1a7: {  	v51 =	vmul.f32 v45, v4;
	v17 =	vadd.f32 v28, v14;
	[tilespmem:s29+$0xFFFFFF90] =	vst v18  }
0x1a8: {  	v55 =	vbroadcast v16, $0xB;
	v53 =	vmul.f32 v45, v1;
	v22 =	vadd.f32 v42, v12;
	[tilespmem:s29+$0xFFFFFFF0] =	vst v19  }
0x1a9: {  	v56 =	vmul.f32 v45, v0;
	v25 =	vbroadcast v16, $0xC;
	v20 =	vadd.f32 v51, v12;
	[tilespmem:s29+$0x10] =	vst v17  }
0x1aa: {  	v61 =	vmul.f32 v55, v7;
	v57 =	vadd.f32 v53, v5;
	[tilespmem:s29+$0xB0] =	vst v22  }
0x1ab: {  	v35 =	vmul.f32 v25, v2;
	v59 =	vadd.f32 v56, v10;
	[tilespmem:s29+$0x130] =	vst v20  }
0x1ac: {  	v44 =	vmul.f32 v34, v1;
	v21 =	vadd.f32 v61, v13;
	[tilespmem:s29+$0x150] =	vst v57  }
0x1ad: {  	v48 =	vmul.f32 v45, v11;
	v37 =	vadd.f32 v35, v6;
	[tilespmem:s29+$0x170] =	vst v59  }
0x1ae: {  	v58 =	vmul.f32 v55, v11;
	v19 =	vadd.f32 v44, v5;
	[tilespmem:s29+$0x1A0] =	vst v21  }
0x1af: {  	v27 =	vmul.f32 v55, v0;
	v22 =	vadd.f32 v48, v15;
	[tilespmem:s29+$0x260] =	vst v37  }
0x1b0: {  	v18 =	vmul.f32 v24, v0;
	v20 =	vadd.f32 v58, v15;
	[tilespmem:s29+$0xD0] =	vst v19  }
0x1b1: {  	v17 =	vmul.f32 v34, v0;
	v21 =	vadd.f32 v27, v10;
	[tilespmem:s29+$0x100] =	vst v22  }
0x1b2: {  	v50 =	vmul.f32 v45, v7;
	v18 =	vadd.f32 v18, v10;
	[tilespmem:s29+$0x180] =	vst v20  }
0x1b3: {  	v24 =	vmul.f32 v55, v1;
	v17 =	vadd.f32 v17, v10;
	[tilespmem:s29+$0x1F0] =	vst v21  }
0x1b4: {  	v26 =	vmul.f32 v55, v2;
	v19 =	vadd.f32 v50, v13;
	[tilespmem:s29+$0x70] =	vst v18  }
0x1b5: {  	v32 =	vmul.f32 v25, v3;
	v20 =	vadd.f32 v24, v5;
	[tilespmem:s29+$0xF0] =	vst v17  }
0x1b6: {  	v43 =	vmul.f32 v34, v3;
	v63 =	vmul.f32 v55, v3;
	v22 =	vadd.f32 v26, v6;
	[tilespmem:s29+$0x120] =	vst v19  }
0x1b7: {  	v49 =	vmul.f32 v45, v9;
	v52 =	vmul.f32 v45, v3;
	v21 =	vadd.f32 v32, v8;
	[tilespmem:s29+$0x1D0] =	vst v20  }
0x1b8: {  	v54 =	vmul.f32 v45, v2;
	v60 =	vmul.f32 v55, v9;
	v18 =	vadd.f32 v43, v8;
	[tilespmem:s29+$0x1E0] =	vst v22  }
0x1b9: {  	v30 =	vmul.f32 v25, v7;
	v34 =	vbroadcast v16, $0xD;
	v17 =	vadd.f32 v52, v8;
	[tilespmem:s29+$0x240] =	vst v21  }
0x1ba: {  	v62 =	vmul.f32 v55, v4;
	v31 =	vmul.f32 v25, v4;
	v19 =	vadd.f32 v60, v14;
	[tilespmem:s29+$0xC0] =	vst v18  }
0x1bb: {  	v45 =	vbroadcast v16, $0xE;
	v36 =	vmul.f32 v34, v11;
	v20 =	vadd.f32 v30, v13;
	[tilespmem:s29+$0x140] =	vst v17  }
0x1bc: {  	v16 =	vbroadcast v16, $0xF;
	v38 =	vmul.f32 v34, v9;
	v22 =	vadd.f32 v31, v12;
	[tilespmem:s29+$0x190] =	vst v19  }
0x1bd: {  	v29 =	vmul.f32 v25, v9;
	v44 =	vmul.f32 v34, v2;
	v39 =	vadd.f32 v36, v15;
	[tilespmem:s29+$0x220] =	vst v20  }
0x1be: {  	v33 =	vmul.f32 v25, v1;
	v55 =	vmul.f32 v16, v11;
	v21 =	vadd.f32 v38, v14;
	[tilespmem:s29+$0x230] =	vst v22  }
0x1bf: {  	v28 =	vmul.f32 v25, v11;
	v56 =	vmul.f32 v16, v9;
	v46 =	vadd.f32 v44, v6;
	[tilespmem:s29+$0x280] =	vst v39  }
0x1c0: {  	v47 =	vmul.f32 v45, v11;
	v59 =	vmul.f32 v16, v4;
	v11 =	vadd.f32 v55, v15;
	[tilespmem:s29+$0x290] =	vst v21  }
0x1c1: {  	v48 =	vmul.f32 v45, v9;
	v61 =	vmul.f32 v16, v1;
	v9 =	vadd.f32 v56, v14;
	[tilespmem:s29+$0x2E0] =	vst v46  }
0x1c2: {  	v41 =	vmul.f32 v34, v4;
	v50 =	vmul.f32 v45, v4;
	v4 =	vadd.f32 v59, v12;
	[tilespmem:s29+$0x380] =	vst v11  }
0x1c3: {  	v43 =	vmul.f32 v34, v1;
	v52 =	vmul.f32 v45, v1;
	v1 =	vadd.f32 v61, v5;
	[tilespmem:s29+$0x390] =	vst v9  }
0x1c4: {  	v40 =	vmul.f32 v34, v7;
	v18 =	vadd.f32 v49, v14;
	[tilespmem:s29+$0x3B0] =	vst v4  }
0x1c5: {  	v17 =	vadd.f32 v63, v8;
	[tilespmem:s29+$0x3D0] =	vst v1  }
0x1c6: {  	v20 =	vadd.f32 v40, v13;
	[tilespmem:s29+$0x110] =	vst v18  }
0x1c7: {  	v58 =	vmul.f32 v16, v7;
	v22 =	vadd.f32 v41, v12;
	[tilespmem:s29+$0x1C0] =	vst v17  }
0x1c8: {  	v60 =	vmul.f32 v16, v3;
	v21 =	vadd.f32 v47, v15;
	[tilespmem:s29+$0x2A0] =	vst v20  }
0x1c9: {  	v49 =	vmul.f32 v45, v7;
	v7 =	vadd.f32 v58, v13;
	[tilespmem:s29+$0x2B0] =	vst v22  }
0x1ca: {  	v51 =	vmul.f32 v45, v3;
	v42 =	vmul.f32 v34, v3;
	v3 =	vadd.f32 v60, v8;
	[tilespmem:s29+$0x300] =	vst v21  }
0x1cb: {  	v19 =	vmul.f32 v25, v0;
	v18 =	vadd.f32 v54, v6;
	[tilespmem:s29+$0x3A0] =	vst v7  }
0x1cc: {  	v17 =	vadd.f32 v29, v14;
	[tilespmem:s29+$0x3C0] =	vst v3  }
0x1cd: {  	v19 =	vadd.f32 v19, v10;
	[tilespmem:s29+$0x160] =	vst v18  }
0x1ce: {  	v20 =	vadd.f32 v50, v12;
	[tilespmem:s29+$0x210] =	vst v17  }
0x1cf: {  	v21 =	vadd.f32 v52, v5;
	[tilespmem:s29+$0x270] =	vst v19  }
0x1d0: {  	v54 =	vmul.f32 v45, v0;
	v18 =	vadd.f32 v62, v12;
	[tilespmem:s29+$0x330] =	vst v20  }
0x1d1: {  	v63 =	vmul.f32 v16, v0;
	v19 =	vadd.f32 v42, v8;
	[tilespmem:s29+$0x350] =	vst v21  }
0x1d2: {  	v57 =	vadd.f32 v54, v10;
	[tilespmem:s29+$0x1B0] =	vst v18  }
0x1d3: {  	v17 =	vmul.f32 v34, v0;
	v0 =	vadd.f32 v63, v10;
	[tilespmem:s29+$0x2C0] =	vst v19  }
0x1d4: {  	v18 =	vadd.f32 v28, v15;
	[tilespmem:s29+$0x370] =	vst v57  }
0x1d5: {  	v62 =	vmul.f32 v16, v2;
	v17 =	vadd.f32 v17, v10;
	[tilespmem:s29+$0x3F0] =	vst v0  }
0x1d6: {  	v19 =	vadd.f32 v48, v14;
	[tilespmem:s29+$0x200] =	vst v18  }
0x1d7: {  	v53 =	vmul.f32 v45, v2;
	v2 =	vadd.f32 v62, v6;
	[tilespmem:s29+$0x2F0] =	vst v17  }
0x1d8: {  	v18 =	vadd.f32 v33, v5;
	[tilespmem:s29+$0x310] =	vst v19  }
0x1d9: {  	v17 =	vadd.f32 v51, v8;
	[tilespmem:s29+$0x3E0] =	vst v2  }
0x1da: {  	[tilespmem:s29+$0x250] =	vst v18;
	v18 =	vadd.f32 v43, v5  }
0x1db: {  	p0 =	slt.u32 s25, $0x34;
	v19 =	vadd.f32 v53, v6;
	[tilespmem:s29+$0x340] =	vst v17  }
.Ltmp3:
0x1dc: {  	s24 =	sshll.u32 s24, $0xB;
	s26 =	sshll.u32 s26, $0x12;
	[tilespmem:s29+$0x2D0] =	vst v18;
	v18 =	vadd.f32 v49, v13;
	(pc) =	sbr.rel @p0 .LBB2_2-.Ltmp3, $4  }
0x1dd: {  	s24 =	sand.u32 $0x1800, s24;
	s26 =	sadd.s32 s26, s11;
	[tilespmem:s29+$0x360] =	vst v19  }
0x1de: {  	s24 =	sadd.s32 s24, s26;
	[tilespmem:s29+$0x320] =	vst v18  }
0x1df: {  	[hbm4b:s24+s6] =	stream.linear.scatter [tilespmem:s28], [sflag:$0x3], $0x4000, $0x38;
	[tilespmem:$0x1E000] =	vst v63  }
0x1e0: {  	s24 =	smov.u32 s25  }
0x1e1: {  	_ =	swait.ge [sflag:s22], $0x4000  }
0x1e2: {  	[sflag:s22] =	ssyncset.done $0x0  }
0x1e3: {  	[sflag:s22] =	ssyncadd.s32 $0xFFFFC000  }
0x1e4: {  	_ =	swait.ge [sflag:s22], $0x4000  }
0x1e5: {  	[sflag:s22] =	ssyncset.done $0x0  }
0x1e6: {  	s23 =	sadd.s32 $0x1, s23;
	[sflag:s22] =	ssyncadd.s32 $0xFFFFC000  }
0x1e7: {  	p0 =	sne.s32 s23, s12;
	_ =	swait.ge [sflag:s21], $0x4000  }
.Ltmp4:
0x1e8: {  	[sflag:s21] =	ssyncset.done $0x0;
	(pc) =	sbr.rel @p0 .LBB2_1-.Ltmp4, $4  }
0x1e9: {  	[sflag:s21] =	ssyncadd.s32 $0xFFFFC000  }
0x1ea: {  	_ =	swait.ge [sflag:s21], $0x4000  }
0x1eb: {  	[sflag:s21] =	ssyncset.done $0x0  }
0x1ec: {  	[sflag:s21] =	ssyncadd.s32 $0xFFFFC000  }
0x1ed: {  	_ =	sfence.sel $0x180000  }
0x1ee: {  	[bflag:$0x0] =	sbarrier.arrive $0xFFFF  }
0x1ef: {  	p0 =	sne.s32 s0, $0x0;
	_ =	strace $0x90000047  }
0x1f0: {  	s0 =	sadd.s32 @!p0 $0x100000, s3;
	[bflag:$0x2] =	sbarrier.arrive $0xFFFF  }
0x1f1: {  	[sflag:s0] =	ssyncadd.tile.s32 @!p0 $0x1;
	_ =	shalt  }
.Lfunc_end2:
_tile_overlayer_lowered:
.L_overlay_start_2:
0x1f2: {  	(tag) =	ssettag $0x2  }
0x1f3: {  	s0 =	rddreg [dreg:$0x0];
	s2 =	stileid.u32  }
0x1f4: {  	s1 =	rddreg [dreg:$0x1];
	p0 =	sne.s32 s2, $0x0  }
0x1f5: {  	s3 =	rddreg [dreg:$0x2];
	[bflag:$0x3] =	sbarrier.arrive $0xFFFF;
	s2 =	simm.s32 @!p0 $0x1C04  }
0x1f6: {  	[timem:s3], [sflag:s2] =	dma.local @!p0 [hbm:s0], s1  }
0x1f7: {  	s0 =	simm.s32 @!p0 $0x4  }
0x1f8: {  	_ =	swait.ge @!p0 [sflag:s0], s1  }
0x1f9: {  	s1 =	ssub.s32 @!p0 $0x0, s1;
	[sflag:s0] =	ssyncset.done @!p0 $0x0  }
0x1fa: {  	[sflag:s0] =	ssyncadd.s32 @!p0 s1  }
0x1fb: {  	[bflag:$0x3] =	sbarrier.arrive $0xFFFF  }
0x1fc: {  	_ =	shalt  }

</sc_bundles>
